<compile_context>
chip_gen: v7x
topology: tpu7x:2x2x1
jax: 0.10.2.dev20260603
libtpu: 0.0.44.dev20260713+nightly
codegen_flags: <defaults>
</compile_context>

<pallas_src>
import functools

import jax
import jax.numpy as jnp
from jax import lax
from jax.experimental import pallas as pl
from jax.experimental.pallas import tpu as pltpu
from jax.experimental.pallas import tpu_sc as plsc

_N = 10000
_E = 320000
_D_IN, _D_HID, _D_OUT = 128, 64, 32

_NC, _NS = 2, 16
_NW = _NC * _NS
_C = 128
_K = 80
_EPAD = _NW * _K * _C
_ACC = 10240
_RPT = _ACC // _NS
_DUMP = _N

_BN = 2000


def _mesh():
    return plsc.VectorSubcoreMesh(core_axis_name="c", subcore_axis_name="s")



@functools.partial(
    pl.kernel,
    out_type=jax.ShapeDtypeStruct((_NC, _ACC, 16), jnp.float32),
    mesh=_mesh(),
    compiler_params=pltpu.CompilerParams(use_tc_tiling_on_sc=False),
    scratch_types=[
        pltpu.VMEM((_K, _C), jnp.int32),
        pltpu.VMEM((_C, 16), jnp.float32),
        pltpu.VMEM((_RPT, 16), jnp.float32),
        pltpu.VMEM_SHARED((_ACC, 16), jnp.float32),
    ],
)
def _deg_kernel(dst_hbm, out_hbm, dst_v, ones_v, stage_v, acc_sh):
    cid = lax.axis_index("c")
    sid = lax.axis_index("s")
    wid = sid * _NC + cid

    def fill_ones(i, c):
        ones_v[i, :] = jnp.ones((16,), jnp.float32)
        return c

    lax.fori_loop(0, _C, fill_ones, 0)

    def fill_zero(i, c):
        stage_v[i, :] = jnp.zeros((16,), jnp.float32)
        return c

    lax.fori_loop(0, _RPT, fill_zero, 0)

    pltpu.sync_copy(stage_v, acc_sh.at[pl.ds(sid * _RPT, _RPT)])
    plsc.subcore_barrier()

    pltpu.sync_copy(dst_hbm.at[wid], dst_v)

    def chunk(j, c):
        pltpu.sync_copy(ones_v, acc_sh.at[dst_v.at[j]], add=True)
        return c

    lax.fori_loop(0, _K, chunk, 0)

    plsc.subcore_barrier()
    pltpu.sync_copy(acc_sh.at[pl.ds(sid * _RPT, _RPT)], stage_v)
    pltpu.sync_copy(stage_v, out_hbm.at[cid, pl.ds(sid * _RPT, _RPT)])


def _make_agg(D):
    @functools.partial(
        pl.kernel,
        out_type=jax.ShapeDtypeStruct((_NC, _ACC, D), jnp.float32),
        mesh=_mesh(),
        compiler_params=pltpu.CompilerParams(use_tc_tiling_on_sc=False),
        scratch_types=[
            pltpu.VMEM((_K, _C), jnp.int32),
            pltpu.VMEM((_K, _C), jnp.int32),
            pltpu.VMEM((_C, D), jnp.float32),
            pltpu.VMEM((_C, D), jnp.float32),
            pltpu.VMEM((_C, D), jnp.float32),
            pltpu.VMEM((_C, D), jnp.float32),
            pltpu.VMEM((_C, D), jnp.float32),
            pltpu.VMEM((_C, D), jnp.float32),
            pltpu.VMEM_SHARED((_ACC, D), jnp.float32),
            pltpu.SemaphoreType.DMA,
            pltpu.SemaphoreType.DMA,
            pltpu.SemaphoreType.DMA,
            pltpu.SemaphoreType.DMA,
            pltpu.SemaphoreType.DMA,
        ],
    )
    def _agg(s_hbm, src_hbm, dst_hbm, out_hbm,
             src_v, dst_v, r0, r1, r2, r3, r4, zb, acc_sh,
             g0, g1, g2, g3, g4):
        cid = lax.axis_index("c")
        sid = lax.axis_index("s")
        wid = sid * _NC + cid
        nz = D // 16

        def fill_zero(i, c):
            for l in range(nz):
                zb[i, pl.ds(l * 16, 16)] = jnp.zeros((16,), jnp.float32)
            return c

        lax.fori_loop(0, _C, fill_zero, 0)

        for q in range(_RPT // _C):
            pltpu.sync_copy(zb, acc_sh.at[pl.ds(sid * _RPT + q * _C, _C)])
        plsc.subcore_barrier()

        pltpu.sync_copy(src_hbm.at[wid], src_v)
        pltpu.sync_copy(dst_hbm.at[wid], dst_v)

        bufs = (r0, r1, r2, r3, r4)
        gsem = (g0, g1, g2, g3, g4)
        nb = 5

        for l in range(nb):
            pltpu.async_copy(s_hbm.at[src_v.at[l]], bufs[l], gsem[l])

        def step(j4, c):
            for l in range(nb):
                jc = j4 * nb + l
                pltpu.make_async_copy(
                    s_hbm.at[src_v.at[jc]], bufs[l], gsem[l]).wait()
                pltpu.sync_copy(bufs[l], acc_sh.at[dst_v.at[jc]], add=True)
                pltpu.async_copy(
                    s_hbm.at[src_v.at[jc + nb]], bufs[l], gsem[l])
            return c

        lax.fori_loop(0, _K // nb - 1, step, 0)

        for l in range(nb):
            jc = _K - nb + l
            pltpu.make_async_copy(
                s_hbm.at[src_v.at[jc]], bufs[l], gsem[l]).wait()
            pltpu.sync_copy(bufs[l], acc_sh.at[dst_v.at[jc]], add=True)

        plsc.subcore_barrier()
        for q in range(_RPT // _C):
            pltpu.sync_copy(acc_sh.at[pl.ds(sid * _RPT + q * _C, _C)], zb)
            pltpu.sync_copy(zb, out_hbm.at[cid, pl.ds(sid * _RPT + q * _C, _C)])

    return _agg



def _tc1_body(x_ref, w1_ref, degp_ref, h1_ref, s1_ref):
    deg = degp_ref[0, :, 0:1] + degp_ref[1, :, 0:1] + 1.0
    dis = lax.rsqrt(deg)
    h = jnp.dot(x_ref[...], w1_ref[...], preferred_element_type=jnp.float32)
    h1_ref[...] = h
    s1_ref[...] = h * dis


def _tc2_body(degp_ref, p1_ref, h1_ref, b1_ref, w2_ref, h2_ref, s2_ref):
    deg = degp_ref[0, :, 0:1] + degp_ref[1, :, 0:1] + 1.0
    dis = lax.rsqrt(deg)
    agg = p1_ref[0] + p1_ref[1]
    x1 = dis * agg + (dis * dis) * h1_ref[...] + b1_ref[...]
    r = jnp.maximum(x1, 0.0)
    h2 = jnp.dot(r, w2_ref[...], preferred_element_type=jnp.float32)
    h2_ref[...] = h2
    s2_ref[...] = h2 * dis


def _tc3_body(degp_ref, p2_ref, h2_ref, b2_ref, out_ref):
    deg = degp_ref[0, :, 0:1] + degp_ref[1, :, 0:1] + 1.0
    dis = lax.rsqrt(deg)
    agg = p2_ref[0] + p2_ref[1]
    out_ref[...] = dis * agg + (dis * dis) * h2_ref[...] + b2_ref[...]


def _row_spec(d):
    return pl.BlockSpec((_BN, d), lambda i: (i, 0))


def _part_spec(d):
    return pl.BlockSpec((2, _BN, d), lambda i: (0, i, 0))


def _full_spec(shape):
    return pl.BlockSpec(shape, lambda i: tuple(0 for _ in shape))


_GRID = _N // _BN



def kernel(x, edge_index, W1, b1, W2, b2):
    src = edge_index[0].astype(jnp.int32)
    dst = edge_index[1].astype(jnp.int32)
    pad = _EPAD - _E
    src_p = jnp.concatenate([src, jnp.zeros((pad,), jnp.int32)]).reshape(_NW, _K, _C)
    dst_p = jnp.concatenate([dst, jnp.full((pad,), _DUMP, jnp.int32)]).reshape(_NW, _K, _C)

    degp = _deg_kernel(dst_p)

    h1, s1 = pl.pallas_call(
        _tc1_body,
        grid=(_GRID,),
        in_specs=[_row_spec(_D_IN), _full_spec((_D_IN, _D_HID)), _part_spec(16)],
        out_specs=[_row_spec(_D_HID), _row_spec(_D_HID)],
        out_shape=[jax.ShapeDtypeStruct((_N, _D_HID), jnp.float32)] * 2,
    )(x, W1, degp)

    p1 = _make_agg(_D_HID)(s1, src_p, dst_p)

    h2, s2 = pl.pallas_call(
        _tc2_body,
        grid=(_GRID,),
        in_specs=[_part_spec(16), _part_spec(_D_HID), _row_spec(_D_HID),
                  _full_spec((1, _D_HID)), _full_spec((_D_HID, _D_OUT))],
        out_specs=[_row_spec(_D_OUT), _row_spec(_D_OUT)],
        out_shape=[jax.ShapeDtypeStruct((_N, _D_OUT), jnp.float32)] * 2,
    )(degp, p1, h1, b1.reshape(1, _D_HID), W2)

    p2 = _make_agg(_D_OUT)(s2, src_p, dst_p)

    out = pl.pallas_call(
        _tc3_body,
        grid=(_GRID,),
        in_specs=[_part_spec(16), _part_spec(_D_OUT), _row_spec(_D_OUT),
                  _full_spec((1, _D_OUT))],
        out_specs=_row_spec(_D_OUT),
        out_shape=jax.ShapeDtypeStruct((_N, _D_OUT), jnp.float32),
    )(degp, p2, h2, b2.reshape(1, _D_OUT))

    return out

# --- scband reference (transcript-rebuilt; emitter-appended) ---
"""Pipeline reference for scband-gcn-68410239091162 (READ-ONLY COPY).

The authoritative reference and input builder live on the scoring server;
editing this copy changes nothing except your own understanding.
"""

import jax, jax.numpy as jnp
import numpy as np

N_NODES = 10000
N_EDGES = 320000
D_IN = 128
D_HID = 64
D_OUT = 32


def _glorot(key, fan_in, fan_out):
    limit = np.sqrt(6.0 / (fan_in + fan_out))
    return jax.random.uniform(key, (fan_in, fan_out), dtype=jnp.float32, minval=-limit, maxval=limit)


def setup_inputs(seed: int = 0) -> dict:
    key = jax.random.key(seed)
    kx, ke, k1, k2 = (jax.random.fold_in(key, i) for i in range(4))
    x = jax.random.normal(kx, (N_NODES, D_IN), dtype=jnp.float32)
    edge_index = jax.random.randint(ke, (2, N_EDGES), 0, N_NODES, dtype=jnp.int64)
    W1 = _glorot(k1, D_IN, D_HID)
    b1 = jnp.zeros((D_HID,), dtype=jnp.float32)
    W2 = _glorot(k2, D_HID, D_OUT)
    b2 = jnp.zeros((D_OUT,), dtype=jnp.float32)
    return {"x": x, "edge_index": edge_index, "W1": W1, "b1": b1, "W2": W2, "b2": b2}


def _gcn_conv(x, edge_index, W, b):
    # GCNConv: add self-loops, symmetric degree normalization, linear transform,
    # scatter-add aggregation, bias.
    N = x.shape[0]
    loops = jnp.arange(N, dtype=edge_index.dtype)
    src = jnp.concatenate([edge_index[0], loops])
    dst = jnp.concatenate([edge_index[1], loops])
    deg = jnp.zeros((N,), dtype=x.dtype).at[dst].add(1.0)
    deg_inv_sqrt = jnp.where(deg > 0, 1.0 / jnp.sqrt(deg), 0.0)
    norm = deg_inv_sqrt[src] * deg_inv_sqrt[dst]
    h = x @ W
    msg = h[src] * norm[:, None]
    out = jnp.zeros((N, W.shape[1]), dtype=x.dtype).at[dst].add(msg)
    return out + b


def reference(x, edge_index, W1, b1, W2, b2):
    x1 = _gcn_conv(x, edge_index, W1, b1)
    h = jax.nn.relu(x1)
    x2 = _gcn_conv(h, edge_index, W2, b2)
    return x2

if __name__ == "__main__":
    import jax
    _d = setup_inputs()
    print(jax.jit(kernel)(*tuple(_d.values())))

</pallas_src>

<mosaic_0001>
#map = affine_map<(d0, d1) -> (0, 0)>
#map1 = affine_map<(d0, d1) -> (0, 0, 0)>
module attributes {stable_mosaic.version = 14 : i64} {
  func.func @_agg(%arg0: i32, %arg1: i32, %arg2: memref<10000x32xf32, #tpu.memory_space<hbm>>, %arg3: memref<32x80x128xi32, #tpu.memory_space<hbm>>, %arg4: memref<32x80x128xi32, #tpu.memory_space<hbm>>, %arg5: memref<2x10240x32xf32, #tpu.memory_space<hbm>>, %arg6: memref<80x128xi32, #tpu.memory_space<vmem>>, %arg7: memref<80x128xi32, #tpu.memory_space<vmem>>, %arg8: memref<128x32xf32, #tpu.memory_space<vmem>>, %arg9: memref<128x32xf32, #tpu.memory_space<vmem>>, %arg10: memref<128x32xf32, #tpu.memory_space<vmem>>, %arg11: memref<128x32xf32, #tpu.memory_space<vmem>>, %arg12: memref<128x32xf32, #tpu.memory_space<vmem>>, %arg13: memref<128x32xf32, #tpu.memory_space<vmem>>, %arg14: memref<10240x32xf32, #tpu.memory_space<vmem_shared>>, %arg15: memref<!tpu.dma_semaphore, #tpu.memory_space<semaphore_mem>>, %arg16: memref<!tpu.dma_semaphore, #tpu.memory_space<semaphore_mem>>, %arg17: memref<!tpu.dma_semaphore, #tpu.memory_space<semaphore_mem>>, %arg18: memref<!tpu.dma_semaphore, #tpu.memory_space<semaphore_mem>>, %arg19: memref<!tpu.dma_semaphore, #tpu.memory_space<semaphore_mem>>) attributes {dimension_semantics = [#tpu.dimension_semantics<core_parallel>, #tpu.dimension_semantics<subcore_parallel>], iteration_bounds = array<i64: 2, 16>, scalar_prefetch = 0 : i64, scratch_operands = 14 : i64, tpu.core_type = #tpu.core_type<sc_vector_subcore>, window_params = [{transform_indices = #map}, {transform_indices = #map1}, {transform_indices = #map1}, {transform_indices = #map1}]} {
    %mul3A = arith.constant 2 : i32
    %mul3A_0 = arith.muli %arg1, %mul3A : i32
    %add3A = arith.addi %mul3A_0, %arg0 : i32
    %scan3A = arith.constant 0 : i32
    %scan3A_1 = arith.constant 0 : i32
    %scan3A_2 = arith.constant 128 : i32
    %scan3A_3 = arith.addi %scan3A_1, %scan3A_2 : i32
    %scan3A_4 = arith.constant 1 : i32
    scf.for %scan3A_145 = %scan3A_1 to %scan3A_3 step %scan3A_4  : i32 {
      %broadcast_in_dim3A = arith.constant 0.000000e+00 : f32
      %broadcast_in_dim3A_146 = vector.broadcast %broadcast_in_dim3A : f32 to vector<16xf32>
      %swap3A = arith.index_cast %scan3A_145 : i32 to index
      %swap3A_147 = arith.constant 0 : index
      %swap3A_148 = tpu.vector_load %arg13[%swap3A, %swap3A_147] {strides = array<i32>} : memref<128x32xf32, #tpu.memory_space<vmem>>, vector<1x16xf32>,
      %swap3A_149 = vector.shape_cast %swap3A_148 : vector<1x16xf32> to vector<16xf32>
      %swap3A_150 = vector.shape_cast %broadcast_in_dim3A_146 : vector<16xf32> to vector<1x16xf32>
      tpu.vector_store %arg13[%swap3A, %swap3A_147], %swap3A_150 {strides = array<i32>} : memref<128x32xf32, #tpu.memory_space<vmem>>, vector<1x16xf32>,
      %broadcast_in_dim3A_151 = arith.constant 0.000000e+00 : f32
      %broadcast_in_dim3A_152 = vector.broadcast %broadcast_in_dim3A_151 : f32 to vector<16xf32>
      %swap3A_153 = arith.index_cast %scan3A_145 : i32 to index
      %swap3A_154 = arith.constant 16 : index
      %swap3A_155 = tpu.vector_load %arg13[%swap3A_153, %swap3A_154] {strides = array<i32>} : memref<128x32xf32, #tpu.memory_space<vmem>>, vector<1x16xf32>,
      %swap3A_156 = vector.shape_cast %swap3A_155 : vector<1x16xf32> to vector<16xf32>
      %swap3A_157 = vector.shape_cast %broadcast_in_dim3A_152 : vector<16xf32> to vector<1x16xf32>
      tpu.vector_store %arg13[%swap3A_153, %swap3A_154], %swap3A_157 {strides = array<i32>} : memref<128x32xf32, #tpu.memory_space<vmem>>, vector<1x16xf32>,
    }
    %scan3A_5 = arith.constant 128 : i32
    %mul3A_6 = arith.constant 640 : i32
    %mul3A_7 = arith.muli %arg1, %mul3A_6 : i32
    %add3A_8 = arith.constant 0 : i32
    %add3A_9 = arith.addi %mul3A_7, %add3A_8 : i32
    "tpu.region"() ({
      %run_scoped3A_145 = tpu.sem_alloc : memref<!tpu.dma_semaphore, #tpu.memory_space<semaphore_mem>>
      %dma_start3A_146 = arith.constant 0 : i32
      %dma_start3A_147 = tpu.memref_slice %arg14[%add3A_9, %dma_start3A_146] : memref<10240x32xf32, #tpu.memory_space<vmem_shared>> -> memref<128x32xf32, #tpu.memory_space<vmem_shared>>
      %dma_start3A_148 = arith.constant 0 : i32
      %dma_start3A_149 = tpu.memref_slice %arg14[%add3A_9, %dma_start3A_148] : memref<10240x32xf32, #tpu.memory_space<vmem_shared>> -> memref<128x32xf32, #tpu.memory_space<vmem_shared>>
      tpu.enqueue_dma source(%arg13 : memref<128x32xf32, #tpu.memory_space<vmem>>) target(%dma_start3A_149 : memref<128x32xf32, #tpu.memory_space<vmem_shared>>) target_semaphore(%run_scoped3A_145 : memref<!tpu.dma_semaphore, #tpu.memory_space<semaphore_mem>>)
      %dma_wait3A_150 = arith.constant 0 : i32
      %dma_wait3A_151 = tpu.memref_slice %arg14[%add3A_9, %dma_wait3A_150] : memref<10240x32xf32, #tpu.memory_space<vmem_shared>> -> memref<128x32xf32, #tpu.memory_space<vmem_shared>>
      %dma_wait3A_152 = arith.constant 0 : i32
      %dma_wait3A_153 = tpu.memref_slice %arg14[%add3A_9, %dma_wait3A_152] : memref<10240x32xf32, #tpu.memory_space<vmem_shared>> -> memref<128x32xf32, #tpu.memory_space<vmem_shared>>
      tpu.wait_dma2 semaphore(%run_scoped3A_145 : memref<!tpu.dma_semaphore, #tpu.memory_space<semaphore_mem>>) src(%arg13 : memref<128x32xf32, #tpu.memory_space<vmem>>) dst(%dma_wait3A_153 : memref<128x32xf32, #tpu.memory_space<vmem_shared>>)
      tpu.yield
    }) : () -> ()
    %mul3A_10 = arith.constant 640 : i32
    %mul3A_11 = arith.muli %arg1, %mul3A_10 : i32
    %add3A_12 = arith.constant 128 : i32
    %add3A_13 = arith.addi %mul3A_11, %add3A_12 : i32
    "tpu.region"() ({
      %run_scoped3A_145 = tpu.sem_alloc : memref<!tpu.dma_semaphore, #tpu.memory_space<semaphore_mem>>
      %dma_start3A_146 = arith.constant 0 : i32
      %dma_start3A_147 = tpu.memref_slice %arg14[%add3A_13, %dma_start3A_146] : memref<10240x32xf32, #tpu.memory_space<vmem_shared>> -> memref<128x32xf32, #tpu.memory_space<vmem_shared>>
      %dma_start3A_148 = arith.constant 0 : i32
      %dma_start3A_149 = tpu.memref_slice %arg14[%add3A_13, %dma_start3A_148] : memref<10240x32xf32, #tpu.memory_space<vmem_shared>> -> memref<128x32xf32, #tpu.memory_space<vmem_shared>>
      tpu.enqueue_dma source(%arg13 : memref<128x32xf32, #tpu.memory_space<vmem>>) target(%dma_start3A_149 : memref<128x32xf32, #tpu.memory_space<vmem_shared>>) target_semaphore(%run_scoped3A_145 : memref<!tpu.dma_semaphore, #tpu.memory_space<semaphore_mem>>)
      %dma_wait3A_150 = arith.constant 0 : i32
      %dma_wait3A_151 = tpu.memref_slice %arg14[%add3A_13, %dma_wait3A_150] : memref<10240x32xf32, #tpu.memory_space<vmem_shared>> -> memref<128x32xf32, #tpu.memory_space<vmem_shared>>
      %dma_wait3A_152 = arith.constant 0 : i32
      %dma_wait3A_153 = tpu.memref_slice %arg14[%add3A_13, %dma_wait3A_152] : memref<10240x32xf32, #tpu.memory_space<vmem_shared>> -> memref<128x32xf32, #tpu.memory_space<vmem_shared>>
      tpu.wait_dma2 semaphore(%run_scoped3A_145 : memref<!tpu.dma_semaphore, #tpu.memory_space<semaphore_mem>>) src(%arg13 : memref<128x32xf32, #tpu.memory_space<vmem>>) dst(%dma_wait3A_153 : memref<128x32xf32, #tpu.memory_space<vmem_shared>>)
      tpu.yield
    }) : () -> ()
    %mul3A_14 = arith.constant 640 : i32
    %mul3A_15 = arith.muli %arg1, %mul3A_14 : i32
    %add3A_16 = arith.constant 256 : i32
    %add3A_17 = arith.addi %mul3A_15, %add3A_16 : i32
    "tpu.region"() ({
      %run_scoped3A_145 = tpu.sem_alloc : memref<!tpu.dma_semaphore, #tpu.memory_space<semaphore_mem>>
      %dma_start3A_146 = arith.constant 0 : i32
      %dma_start3A_147 = tpu.memref_slice %arg14[%add3A_17, %dma_start3A_146] : memref<10240x32xf32, #tpu.memory_space<vmem_shared>> -> memref<128x32xf32, #tpu.memory_space<vmem_shared>>
      %dma_start3A_148 = arith.constant 0 : i32
      %dma_start3A_149 = tpu.memref_slice %arg14[%add3A_17, %dma_start3A_148] : memref<10240x32xf32, #tpu.memory_space<vmem_shared>> -> memref<128x32xf32, #tpu.memory_space<vmem_shared>>
      tpu.enqueue_dma source(%arg13 : memref<128x32xf32, #tpu.memory_space<vmem>>) target(%dma_start3A_149 : memref<128x32xf32, #tpu.memory_space<vmem_shared>>) target_semaphore(%run_scoped3A_145 : memref<!tpu.dma_semaphore, #tpu.memory_space<semaphore_mem>>)
      %dma_wait3A_150 = arith.constant 0 : i32
      %dma_wait3A_151 = tpu.memref_slice %arg14[%add3A_17, %dma_wait3A_150] : memref<10240x32xf32, #tpu.memory_space<vmem_shared>> -> memref<128x32xf32, #tpu.memory_space<vmem_shared>>
      %dma_wait3A_152 = arith.constant 0 : i32
      %dma_wait3A_153 = tpu.memref_slice %arg14[%add3A_17, %dma_wait3A_152] : memref<10240x32xf32, #tpu.memory_space<vmem_shared>> -> memref<128x32xf32, #tpu.memory_space<vmem_shared>>
      tpu.wait_dma2 semaphore(%run_scoped3A_145 : memref<!tpu.dma_semaphore, #tpu.memory_space<semaphore_mem>>) src(%arg13 : memref<128x32xf32, #tpu.memory_space<vmem>>) dst(%dma_wait3A_153 : memref<128x32xf32, #tpu.memory_space<vmem_shared>>)
      tpu.yield
    }) : () -> ()
    %mul3A_18 = arith.constant 640 : i32
    %mul3A_19 = arith.muli %arg1, %mul3A_18 : i32
    %add3A_20 = arith.constant 384 : i32
    %add3A_21 = arith.addi %mul3A_19, %add3A_20 : i32
    "tpu.region"() ({
      %run_scoped3A_145 = tpu.sem_alloc : memref<!tpu.dma_semaphore, #tpu.memory_space<semaphore_mem>>
      %dma_start3A_146 = arith.constant 0 : i32
      %dma_start3A_147 = tpu.memref_slice %arg14[%add3A_21, %dma_start3A_146] : memref<10240x32xf32, #tpu.memory_space<vmem_shared>> -> memref<128x32xf32, #tpu.memory_space<vmem_shared>>
      %dma_start3A_148 = arith.constant 0 : i32
      %dma_start3A_149 = tpu.memref_slice %arg14[%add3A_21, %dma_start3A_148] : memref<10240x32xf32, #tpu.memory_space<vmem_shared>> -> memref<128x32xf32, #tpu.memory_space<vmem_shared>>
      tpu.enqueue_dma source(%arg13 : memref<128x32xf32, #tpu.memory_space<vmem>>) target(%dma_start3A_149 : memref<128x32xf32, #tpu.memory_space<vmem_shared>>) target_semaphore(%run_scoped3A_145 : memref<!tpu.dma_semaphore, #tpu.memory_space<semaphore_mem>>)
      %dma_wait3A_150 = arith.constant 0 : i32
      %dma_wait3A_151 = tpu.memref_slice %arg14[%add3A_21, %dma_wait3A_150] : memref<10240x32xf32, #tpu.memory_space<vmem_shared>> -> memref<128x32xf32, #tpu.memory_space<vmem_shared>>
      %dma_wait3A_152 = arith.constant 0 : i32
      %dma_wait3A_153 = tpu.memref_slice %arg14[%add3A_21, %dma_wait3A_152] : memref<10240x32xf32, #tpu.memory_space<vmem_shared>> -> memref<128x32xf32, #tpu.memory_space<vmem_shared>>
      tpu.wait_dma2 semaphore(%run_scoped3A_145 : memref<!tpu.dma_semaphore, #tpu.memory_space<semaphore_mem>>) src(%arg13 : memref<128x32xf32, #tpu.memory_space<vmem>>) dst(%dma_wait3A_153 : memref<128x32xf32, #tpu.memory_space<vmem_shared>>)
      tpu.yield
    }) : () -> ()
    %mul3A_22 = arith.constant 640 : i32
    %mul3A_23 = arith.muli %arg1, %mul3A_22 : i32
    %add3A_24 = arith.constant 512 : i32
    %add3A_25 = arith.addi %mul3A_23, %add3A_24 : i32
    "tpu.region"() ({
      %run_scoped3A_145 = tpu.sem_alloc : memref<!tpu.dma_semaphore, #tpu.memory_space<semaphore_mem>>
      %dma_start3A_146 = arith.constant 0 : i32
      %dma_start3A_147 = tpu.memref_slice %arg14[%add3A_25, %dma_start3A_146] : memref<10240x32xf32, #tpu.memory_space<vmem_shared>> -> memref<128x32xf32, #tpu.memory_space<vmem_shared>>
      %dma_start3A_148 = arith.constant 0 : i32
      %dma_start3A_149 = tpu.memref_slice %arg14[%add3A_25, %dma_start3A_148] : memref<10240x32xf32, #tpu.memory_space<vmem_shared>> -> memref<128x32xf32, #tpu.memory_space<vmem_shared>>
      tpu.enqueue_dma source(%arg13 : memref<128x32xf32, #tpu.memory_space<vmem>>) target(%dma_start3A_149 : memref<128x32xf32, #tpu.memory_space<vmem_shared>>) target_semaphore(%run_scoped3A_145 : memref<!tpu.dma_semaphore, #tpu.memory_space<semaphore_mem>>)
      %dma_wait3A_150 = arith.constant 0 : i32
      %dma_wait3A_151 = tpu.memref_slice %arg14[%add3A_25, %dma_wait3A_150] : memref<10240x32xf32, #tpu.memory_space<vmem_shared>> -> memref<128x32xf32, #tpu.memory_space<vmem_shared>>
      %dma_wait3A_152 = arith.constant 0 : i32
      %dma_wait3A_153 = tpu.memref_slice %arg14[%add3A_25, %dma_wait3A_152] : memref<10240x32xf32, #tpu.memory_space<vmem_shared>> -> memref<128x32xf32, #tpu.memory_space<vmem_shared>>
      tpu.wait_dma2 semaphore(%run_scoped3A_145 : memref<!tpu.dma_semaphore, #tpu.memory_space<semaphore_mem>>) src(%arg13 : memref<128x32xf32, #tpu.memory_space<vmem>>) dst(%dma_wait3A_153 : memref<128x32xf32, #tpu.memory_space<vmem_shared>>)
      tpu.yield
    }) : () -> ()
    %barrier3A = arith.constant 0 : index
    tpu.barrier barrier_id(%barrier3A)
    "tpu.region"() ({
      %run_scoped3A_145 = tpu.sem_alloc : memref<!tpu.dma_semaphore, #tpu.memory_space<semaphore_mem>>
      %dma_start3A_146 = arith.constant 0 : i32
      %dma_start3A_147 = arith.constant 0 : i32
      %dma_start3A_148 = tpu.memref_slice %arg3[%add3A, %dma_start3A_146, %dma_start3A_147] : memref<32x80x128xi32, #tpu.memory_space<hbm>> -> memref<1x80x128xi32, #tpu.memory_space<hbm>>
      %dma_start3A_149 = tpu.memref_squeeze %dma_start3A_148 : memref<1x80x128xi32, #tpu.memory_space<hbm>> -> memref<80x128xi32, #tpu.memory_space<hbm>>
      %dma_start3A_150 = arith.constant 0 : i32
      %dma_start3A_151 = arith.constant 0 : i32
      %dma_start3A_152 = tpu.memref_slice %arg3[%add3A, %dma_start3A_150, %dma_start3A_151] : memref<32x80x128xi32, #tpu.memory_space<hbm>> -> memref<1x80x128xi32, #tpu.memory_space<hbm>>
      %dma_start3A_153 = tpu.memref_squeeze %dma_start3A_152 : memref<1x80x128xi32, #tpu.memory_space<hbm>> -> memref<80x128xi32, #tpu.memory_space<hbm>>
      tpu.enqueue_dma source(%dma_start3A_153 : memref<80x128xi32, #tpu.memory_space<hbm>>) target(%arg6 : memref<80x128xi32, #tpu.memory_space<vmem>>) target_semaphore(%run_scoped3A_145 : memref<!tpu.dma_semaphore, #tpu.memory_space<semaphore_mem>>)
      %dma_wait3A_154 = arith.constant 0 : i32
      %dma_wait3A_155 = arith.constant 0 : i32
      %dma_wait3A_156 = tpu.memref_slice %arg3[%add3A, %dma_wait3A_154, %dma_wait3A_155] : memref<32x80x128xi32, #tpu.memory_space<hbm>> -> memref<1x80x128xi32, #tpu.memory_space<hbm>>
      %dma_wait3A_157 = tpu.memref_squeeze %dma_wait3A_156 : memref<1x80x128xi32, #tpu.memory_space<hbm>> -> memref<80x128xi32, #tpu.memory_space<hbm>>
      %dma_wait3A_158 = arith.constant 0 : i32
      %dma_wait3A_159 = arith.constant 0 : i32
      %dma_wait3A_160 = tpu.memref_slice %arg3[%add3A, %dma_wait3A_158, %dma_wait3A_159] : memref<32x80x128xi32, #tpu.memory_space<hbm>> -> memref<1x80x128xi32, #tpu.memory_space<hbm>>
      %dma_wait3A_161 = tpu.memref_squeeze %dma_wait3A_160 : memref<1x80x128xi32, #tpu.memory_space<hbm>> -> memref<80x128xi32, #tpu.memory_space<hbm>>
      tpu.wait_dma2 semaphore(%run_scoped3A_145 : memref<!tpu.dma_semaphore, #tpu.memory_space<semaphore_mem>>) src(%dma_wait3A_161 : memref<80x128xi32, #tpu.memory_space<hbm>>) dst(%arg6 : memref<80x128xi32, #tpu.memory_space<vmem>>)
      tpu.yield
    }) : () -> ()
    "tpu.region"() ({
      %run_scoped3A_145 = tpu.sem_alloc : memref<!tpu.dma_semaphore, #tpu.memory_space<semaphore_mem>>
      %dma_start3A_146 = arith.constant 0 : i32
      %dma_start3A_147 = arith.constant 0 : i32
      %dma_start3A_148 = tpu.memref_slice %arg4[%add3A, %dma_start3A_146, %dma_start3A_147] : memref<32x80x128xi32, #tpu.memory_space<hbm>> -> memref<1x80x128xi32, #tpu.memory_space<hbm>>
      %dma_start3A_149 = tpu.memref_squeeze %dma_start3A_148 : memref<1x80x128xi32, #tpu.memory_space<hbm>> -> memref<80x128xi32, #tpu.memory_space<hbm>>
      %dma_start3A_150 = arith.constant 0 : i32
      %dma_start3A_151 = arith.constant 0 : i32
      %dma_start3A_152 = tpu.memref_slice %arg4[%add3A, %dma_start3A_150, %dma_start3A_151] : memref<32x80x128xi32, #tpu.memory_space<hbm>> -> memref<1x80x128xi32, #tpu.memory_space<hbm>>
      %dma_start3A_153 = tpu.memref_squeeze %dma_start3A_152 : memref<1x80x128xi32, #tpu.memory_space<hbm>> -> memref<80x128xi32, #tpu.memory_space<hbm>>
      tpu.enqueue_dma source(%dma_start3A_153 : memref<80x128xi32, #tpu.memory_space<hbm>>) target(%arg7 : memref<80x128xi32, #tpu.memory_space<vmem>>) target_semaphore(%run_scoped3A_145 : memref<!tpu.dma_semaphore, #tpu.memory_space<semaphore_mem>>)
      %dma_wait3A_154 = arith.constant 0 : i32
      %dma_wait3A_155 = arith.constant 0 : i32
      %dma_wait3A_156 = tpu.memref_slice %arg4[%add3A, %dma_wait3A_154, %dma_wait3A_155] : memref<32x80x128xi32, #tpu.memory_space<hbm>> -> memref<1x80x128xi32, #tpu.memory_space<hbm>>
      %dma_wait3A_157 = tpu.memref_squeeze %dma_wait3A_156 : memref<1x80x128xi32, #tpu.memory_space<hbm>> -> memref<80x128xi32, #tpu.memory_space<hbm>>
      %dma_wait3A_158 = arith.constant 0 : i32
      %dma_wait3A_159 = arith.constant 0 : i32
      %dma_wait3A_160 = tpu.memref_slice %arg4[%add3A, %dma_wait3A_158, %dma_wait3A_159] : memref<32x80x128xi32, #tpu.memory_space<hbm>> -> memref<1x80x128xi32, #tpu.memory_space<hbm>>
      %dma_wait3A_161 = tpu.memref_squeeze %dma_wait3A_160 : memref<1x80x128xi32, #tpu.memory_space<hbm>> -> memref<80x128xi32, #tpu.memory_space<hbm>>
      tpu.wait_dma2 semaphore(%run_scoped3A_145 : memref<!tpu.dma_semaphore, #tpu.memory_space<semaphore_mem>>) src(%dma_wait3A_161 : memref<80x128xi32, #tpu.memory_space<hbm>>) dst(%arg7 : memref<80x128xi32, #tpu.memory_space<vmem>>)
      tpu.yield
    }) : () -> ()
    %dma_start3A = arith.constant 0 : i32
    %dma_start3A_26 = arith.constant 0 : i32
    %dma_start3A_27 = tpu.memref_slice %arg6[%dma_start3A, %dma_start3A_26] : memref<80x128xi32, #tpu.memory_space<vmem>> -> memref<1x128xi32, #tpu.memory_space<vmem>>
    %dma_start3A_28 = tpu.memref_squeeze %dma_start3A_27 : memref<1x128xi32, #tpu.memory_space<vmem>> -> memref<128xi32, #tpu.memory_space<vmem>>
    %dma_start3A_29 = arith.constant 0 : i32
    %dma_start3A_30 = arith.constant 0 : i32
    %dma_start3A_31 = tpu.memref_slice %arg2[%dma_start3A_29, %dma_start3A_30] : memref<10000x32xf32, #tpu.memory_space<hbm>> -> memref<10000x32xf32, #tpu.memory_space<hbm>>
    tpu.enqueue_indirect_dma source(%dma_start3A_31 : memref<10000x32xf32, #tpu.memory_space<hbm>>) target(%arg8 : memref<128x32xf32, #tpu.memory_space<vmem>>) offsets(%dma_start3A_28 : memref<128xi32, #tpu.memory_space<vmem>>) semaphore(%arg15 : memref<!tpu.dma_semaphore, #tpu.memory_space<semaphore_mem>>)
    %dma_start3A_32 = arith.constant 1 : i32
    %dma_start3A_33 = arith.constant 0 : i32
    %dma_start3A_34 = tpu.memref_slice %arg6[%dma_start3A_32, %dma_start3A_33] : memref<80x128xi32, #tpu.memory_space<vmem>> -> memref<1x128xi32, #tpu.memory_space<vmem>>
    %dma_start3A_35 = tpu.memref_squeeze %dma_start3A_34 : memref<1x128xi32, #tpu.memory_space<vmem>> -> memref<128xi32, #tpu.memory_space<vmem>>
    %dma_start3A_36 = arith.constant 0 : i32
    %dma_start3A_37 = arith.constant 0 : i32
    %dma_start3A_38 = tpu.memref_slice %arg2[%dma_start3A_36, %dma_start3A_37] : memref<10000x32xf32, #tpu.memory_space<hbm>> -> memref<10000x32xf32, #tpu.memory_space<hbm>>
    tpu.enqueue_indirect_dma source(%dma_start3A_38 : memref<10000x32xf32, #tpu.memory_space<hbm>>) target(%arg9 : memref<128x32xf32, #tpu.memory_space<vmem>>) offsets(%dma_start3A_35 : memref<128xi32, #tpu.memory_space<vmem>>) semaphore(%arg16 : memref<!tpu.dma_semaphore, #tpu.memory_space<semaphore_mem>>)
    %dma_start3A_39 = arith.constant 2 : i32
    %dma_start3A_40 = arith.constant 0 : i32
    %dma_start3A_41 = tpu.memref_slice %arg6[%dma_start3A_39, %dma_start3A_40] : memref<80x128xi32, #tpu.memory_space<vmem>> -> memref<1x128xi32, #tpu.memory_space<vmem>>
    %dma_start3A_42 = tpu.memref_squeeze %dma_start3A_41 : memref<1x128xi32, #tpu.memory_space<vmem>> -> memref<128xi32, #tpu.memory_space<vmem>>
    %dma_start3A_43 = arith.constant 0 : i32
    %dma_start3A_44 = arith.constant 0 : i32
    %dma_start3A_45 = tpu.memref_slice %arg2[%dma_start3A_43, %dma_start3A_44] : memref<10000x32xf32, #tpu.memory_space<hbm>> -> memref<10000x32xf32, #tpu.memory_space<hbm>>
    tpu.enqueue_indirect_dma source(%dma_start3A_45 : memref<10000x32xf32, #tpu.memory_space<hbm>>) target(%arg10 : memref<128x32xf32, #tpu.memory_space<vmem>>) offsets(%dma_start3A_42 : memref<128xi32, #tpu.memory_space<vmem>>) semaphore(%arg17 : memref<!tpu.dma_semaphore, #tpu.memory_space<semaphore_mem>>)
    %dma_start3A_46 = arith.constant 3 : i32
    %dma_start3A_47 = arith.constant 0 : i32
    %dma_start3A_48 = tpu.memref_slice %arg6[%dma_start3A_46, %dma_start3A_47] : memref<80x128xi32, #tpu.memory_space<vmem>> -> memref<1x128xi32, #tpu.memory_space<vmem>>
    %dma_start3A_49 = tpu.memref_squeeze %dma_start3A_48 : memref<1x128xi32, #tpu.memory_space<vmem>> -> memref<128xi32, #tpu.memory_space<vmem>>
    %dma_start3A_50 = arith.constant 0 : i32
    %dma_start3A_51 = arith.constant 0 : i32
    %dma_start3A_52 = tpu.memref_slice %arg2[%dma_start3A_50, %dma_start3A_51] : memref<10000x32xf32, #tpu.memory_space<hbm>> -> memref<10000x32xf32, #tpu.memory_space<hbm>>
    tpu.enqueue_indirect_dma source(%dma_start3A_52 : memref<10000x32xf32, #tpu.memory_space<hbm>>) target(%arg11 : memref<128x32xf32, #tpu.memory_space<vmem>>) offsets(%dma_start3A_49 : memref<128xi32, #tpu.memory_space<vmem>>) semaphore(%arg18 : memref<!tpu.dma_semaphore, #tpu.memory_space<semaphore_mem>>)
    %dma_start3A_53 = arith.constant 4 : i32
    %dma_start3A_54 = arith.constant 0 : i32
    %dma_start3A_55 = tpu.memref_slice %arg6[%dma_start3A_53, %dma_start3A_54] : memref<80x128xi32, #tpu.memory_space<vmem>> -> memref<1x128xi32, #tpu.memory_space<vmem>>
    %dma_start3A_56 = tpu.memref_squeeze %dma_start3A_55 : memref<1x128xi32, #tpu.memory_space<vmem>> -> memref<128xi32, #tpu.memory_space<vmem>>
    %dma_start3A_57 = arith.constant 0 : i32
    %dma_start3A_58 = arith.constant 0 : i32
    %dma_start3A_59 = tpu.memref_slice %arg2[%dma_start3A_57, %dma_start3A_58] : memref<10000x32xf32, #tpu.memory_space<hbm>> -> memref<10000x32xf32, #tpu.memory_space<hbm>>
    tpu.enqueue_indirect_dma source(%dma_start3A_59 : memref<10000x32xf32, #tpu.memory_space<hbm>>) target(%arg12 : memref<128x32xf32, #tpu.memory_space<vmem>>) offsets(%dma_start3A_56 : memref<128xi32, #tpu.memory_space<vmem>>) semaphore(%arg19 : memref<!tpu.dma_semaphore, #tpu.memory_space<semaphore_mem>>)
    %scan3A_60 = arith.constant 0 : i32
    %scan3A_61 = arith.constant 0 : i32
    %scan3A_62 = arith.constant 15 : i32
    %scan3A_63 = arith.addi %scan3A_61, %scan3A_62 : i32
    %scan3A_64 = arith.constant 1 : i32
    scf.for %scan3A_145 = %scan3A_61 to %scan3A_63 step %scan3A_64  : i32 {
      %mul3A_146 = arith.constant 5 : i32
      %mul3A_147 = arith.muli %scan3A_145, %mul3A_146 : i32
      %add3A_148 = arith.constant 0 : i32
      %add3A_149 = arith.addi %mul3A_147, %add3A_148 : i32
      %dma_wait3A_150 = arith.constant 0 : i32
      %dma_wait3A_151 = tpu.memref_slice %arg6[%add3A_149, %dma_wait3A_150] : memref<80x128xi32, #tpu.memory_space<vmem>> -> memref<1x128xi32, #tpu.memory_space<vmem>>
      %dma_wait3A_152 = tpu.memref_squeeze %dma_wait3A_151 : memref<1x128xi32, #tpu.memory_space<vmem>> -> memref<128xi32, #tpu.memory_space<vmem>>
      %dma_wait3A_153 = arith.constant 0 : i32
      %dma_wait3A_154 = arith.constant 0 : i32
      %dma_wait3A_155 = tpu.memref_slice %arg2[%dma_wait3A_153, %dma_wait3A_154] : memref<10000x32xf32, #tpu.memory_space<hbm>> -> memref<10000x32xf32, #tpu.memory_space<hbm>>
      tpu.wait_indirect_dma semaphore(%arg15 : memref<!tpu.dma_semaphore, #tpu.memory_space<semaphore_mem>>) src(%dma_wait3A_155 : memref<10000x32xf32, #tpu.memory_space<hbm>>) dst(%arg8 : memref<128x32xf32, #tpu.memory_space<vmem>>)
      "tpu.region"() ({
        %run_scoped3A_236 = tpu.sem_alloc : memref<!tpu.dma_semaphore, #tpu.memory_space<semaphore_mem>>
        %dma_start3A_237 = arith.constant 0 : i32
        %dma_start3A_238 = tpu.memref_slice %arg7[%add3A_149, %dma_start3A_237] : memref<80x128xi32, #tpu.memory_space<vmem>> -> memref<1x128xi32, #tpu.memory_space<vmem>>
        %dma_start3A_239 = tpu.memref_squeeze %dma_start3A_238 : memref<1x128xi32, #tpu.memory_space<vmem>> -> memref<128xi32, #tpu.memory_space<vmem>>
        %dma_start3A_240 = arith.constant 0 : i32
        %dma_start3A_241 = arith.constant 0 : i32
        %dma_start3A_242 = tpu.memref_slice %arg14[%dma_start3A_240, %dma_start3A_241] : memref<10240x32xf32, #tpu.memory_space<vmem_shared>> -> memref<10240x32xf32, #tpu.memory_space<vmem_shared>>
        tpu.enqueue_indirect_dma source(%arg8 : memref<128x32xf32, #tpu.memory_space<vmem>>) target(%dma_start3A_242 : memref<10240x32xf32, #tpu.memory_space<vmem_shared>>) offsets(%dma_start3A_239 : memref<128xi32, #tpu.memory_space<vmem>>) semaphore(%run_scoped3A_236 : memref<!tpu.dma_semaphore, #tpu.memory_space<semaphore_mem>>) {add = true}
        %dma_wait3A_243 = arith.constant 0 : i32
        %dma_wait3A_244 = tpu.memref_slice %arg7[%add3A_149, %dma_wait3A_243] : memref<80x128xi32, #tpu.memory_space<vmem>> -> memref<1x128xi32, #tpu.memory_space<vmem>>
        %dma_wait3A_245 = tpu.memref_squeeze %dma_wait3A_244 : memref<1x128xi32, #tpu.memory_space<vmem>> -> memref<128xi32, #tpu.memory_space<vmem>>
        %dma_wait3A_246 = arith.constant 0 : i32
        %dma_wait3A_247 = arith.constant 0 : i32
        %dma_wait3A_248 = tpu.memref_slice %arg14[%dma_wait3A_246, %dma_wait3A_247] : memref<10240x32xf32, #tpu.memory_space<vmem_shared>> -> memref<10240x32xf32, #tpu.memory_space<vmem_shared>>
        tpu.wait_indirect_dma semaphore(%run_scoped3A_236 : memref<!tpu.dma_semaphore, #tpu.memory_space<semaphore_mem>>) src(%arg8 : memref<128x32xf32, #tpu.memory_space<vmem>>) dst(%dma_wait3A_248 : memref<10240x32xf32, #tpu.memory_space<vmem_shared>>)
        tpu.yield
      }) : () -> ()
      %add3A_156 = arith.constant 5 : i32
      %add3A_157 = arith.addi %add3A_149, %add3A_156 : i32
      %dma_start3A_158 = arith.constant 0 : i32
      %dma_start3A_159 = tpu.memref_slice %arg6[%add3A_157, %dma_start3A_158] : memref<80x128xi32, #tpu.memory_space<vmem>> -> memref<1x128xi32, #tpu.memory_space<vmem>>
      %dma_start3A_160 = tpu.memref_squeeze %dma_start3A_159 : memref<1x128xi32, #tpu.memory_space<vmem>> -> memref<128xi32, #tpu.memory_space<vmem>>
      %dma_start3A_161 = arith.constant 0 : i32
      %dma_start3A_162 = arith.constant 0 : i32
      %dma_start3A_163 = tpu.memref_slice %arg2[%dma_start3A_161, %dma_start3A_162] : memref<10000x32xf32, #tpu.memory_space<hbm>> -> memref<10000x32xf32, #tpu.memory_space<hbm>>
      tpu.enqueue_indirect_dma source(%dma_start3A_163 : memref<10000x32xf32, #tpu.memory_space<hbm>>) target(%arg8 : memref<128x32xf32, #tpu.memory_space<vmem>>) offsets(%dma_start3A_160 : memref<128xi32, #tpu.memory_space<vmem>>) semaphore(%arg15 : memref<!tpu.dma_semaphore, #tpu.memory_space<semaphore_mem>>)
      %mul3A_164 = arith.constant 5 : i32
      %mul3A_165 = arith.muli %scan3A_145, %mul3A_164 : i32
      %add3A_166 = arith.constant 1 : i32
      %add3A_167 = arith.addi %mul3A_165, %add3A_166 : i32
      %dma_wait3A_168 = arith.constant 0 : i32
      %dma_wait3A_169 = tpu.memref_slice %arg6[%add3A_167, %dma_wait3A_168] : memref<80x128xi32, #tpu.memory_space<vmem>> -> memref<1x128xi32, #tpu.memory_space<vmem>>
      %dma_wait3A_170 = tpu.memref_squeeze %dma_wait3A_169 : memref<1x128xi32, #tpu.memory_space<vmem>> -> memref<128xi32, #tpu.memory_space<vmem>>
      %dma_wait3A_171 = arith.constant 0 : i32
      %dma_wait3A_172 = arith.constant 0 : i32
      %dma_wait3A_173 = tpu.memref_slice %arg2[%dma_wait3A_171, %dma_wait3A_172] : memref<10000x32xf32, #tpu.memory_space<hbm>> -> memref<10000x32xf32, #tpu.memory_space<hbm>>
      tpu.wait_indirect_dma semaphore(%arg16 : memref<!tpu.dma_semaphore, #tpu.memory_space<semaphore_mem>>) src(%dma_wait3A_173 : memref<10000x32xf32, #tpu.memory_space<hbm>>) dst(%arg9 : memref<128x32xf32, #tpu.memory_space<vmem>>)
      "tpu.region"() ({
        %run_scoped3A_236 = tpu.sem_alloc : memref<!tpu.dma_semaphore, #tpu.memory_space<semaphore_mem>>
        %dma_start3A_237 = arith.constant 0 : i32
        %dma_start3A_238 = tpu.memref_slice %arg7[%add3A_167, %dma_start3A_237] : memref<80x128xi32, #tpu.memory_space<vmem>> -> memref<1x128xi32, #tpu.memory_space<vmem>>
        %dma_start3A_239 = tpu.memref_squeeze %dma_start3A_238 : memref<1x128xi32, #tpu.memory_space<vmem>> -> memref<128xi32, #tpu.memory_space<vmem>>
        %dma_start3A_240 = arith.constant 0 : i32
        %dma_start3A_241 = arith.constant 0 : i32
        %dma_start3A_242 = tpu.memref_slice %arg14[%dma_start3A_240, %dma_start3A_241] : memref<10240x32xf32, #tpu.memory_space<vmem_shared>> -> memref<10240x32xf32, #tpu.memory_space<vmem_shared>>
        tpu.enqueue_indirect_dma source(%arg9 : memref<128x32xf32, #tpu.memory_space<vmem>>) target(%dma_start3A_242 : memref<10240x32xf32, #tpu.memory_space<vmem_shared>>) offsets(%dma_start3A_239 : memref<128xi32, #tpu.memory_space<vmem>>) semaphore(%run_scoped3A_236 : memref<!tpu.dma_semaphore, #tpu.memory_space<semaphore_mem>>) {add = true}
        %dma_wait3A_243 = arith.constant 0 : i32
        %dma_wait3A_244 = tpu.memref_slice %arg7[%add3A_167, %dma_wait3A_243] : memref<80x128xi32, #tpu.memory_space<vmem>> -> memref<1x128xi32, #tpu.memory_space<vmem>>
        %dma_wait3A_245 = tpu.memref_squeeze %dma_wait3A_244 : memref<1x128xi32, #tpu.memory_space<vmem>> -> memref<128xi32, #tpu.memory_space<vmem>>
        %dma_wait3A_246 = arith.constant 0 : i32
        %dma_wait3A_247 = arith.constant 0 : i32
        %dma_wait3A_248 = tpu.memref_slice %arg14[%dma_wait3A_246, %dma_wait3A_247] : memref<10240x32xf32, #tpu.memory_space<vmem_shared>> -> memref<10240x32xf32, #tpu.memory_space<vmem_shared>>
        tpu.wait_indirect_dma semaphore(%run_scoped3A_236 : memref<!tpu.dma_semaphore, #tpu.memory_space<semaphore_mem>>) src(%arg9 : memref<128x32xf32, #tpu.memory_space<vmem>>) dst(%dma_wait3A_248 : memref<10240x32xf32, #tpu.memory_space<vmem_shared>>)
        tpu.yield
      }) : () -> ()
      %add3A_174 = arith.constant 5 : i32
      %add3A_175 = arith.addi %add3A_167, %add3A_174 : i32
      %dma_start3A_176 = arith.constant 0 : i32
      %dma_start3A_177 = tpu.memref_slice %arg6[%add3A_175, %dma_start3A_176] : memref<80x128xi32, #tpu.memory_space<vmem>> -> memref<1x128xi32, #tpu.memory_space<vmem>>
      %dma_start3A_178 = tpu.memref_squeeze %dma_start3A_177 : memref<1x128xi32, #tpu.memory_space<vmem>> -> memref<128xi32, #tpu.memory_space<vmem>>
      %dma_start3A_179 = arith.constant 0 : i32
      %dma_start3A_180 = arith.constant 0 : i32
      %dma_start3A_181 = tpu.memref_slice %arg2[%dma_start3A_179, %dma_start3A_180] : memref<10000x32xf32, #tpu.memory_space<hbm>> -> memref<10000x32xf32, #tpu.memory_space<hbm>>
      tpu.enqueue_indirect_dma source(%dma_start3A_181 : memref<10000x32xf32, #tpu.memory_space<hbm>>) target(%arg9 : memref<128x32xf32, #tpu.memory_space<vmem>>) offsets(%dma_start3A_178 : memref<128xi32, #tpu.memory_space<vmem>>) semaphore(%arg16 : memref<!tpu.dma_semaphore, #tpu.memory_space<semaphore_mem>>)
      %mul3A_182 = arith.constant 5 : i32
      %mul3A_183 = arith.muli %scan3A_145, %mul3A_182 : i32
      %add3A_184 = arith.constant 2 : i32
      %add3A_185 = arith.addi %mul3A_183, %add3A_184 : i32
      %dma_wait3A_186 = arith.constant 0 : i32
      %dma_wait3A_187 = tpu.memref_slice %arg6[%add3A_185, %dma_wait3A_186] : memref<80x128xi32, #tpu.memory_space<vmem>> -> memref<1x128xi32, #tpu.memory_space<vmem>>
      %dma_wait3A_188 = tpu.memref_squeeze %dma_wait3A_187 : memref<1x128xi32, #tpu.memory_space<vmem>> -> memref<128xi32, #tpu.memory_space<vmem>>
      %dma_wait3A_189 = arith.constant 0 : i32
      %dma_wait3A_190 = arith.constant 0 : i32
      %dma_wait3A_191 = tpu.memref_slice %arg2[%dma_wait3A_189, %dma_wait3A_190] : memref<10000x32xf32, #tpu.memory_space<hbm>> -> memref<10000x32xf32, #tpu.memory_space<hbm>>
      tpu.wait_indirect_dma semaphore(%arg17 : memref<!tpu.dma_semaphore, #tpu.memory_space<semaphore_mem>>) src(%dma_wait3A_191 : memref<10000x32xf32, #tpu.memory_space<hbm>>) dst(%arg10 : memref<128x32xf32, #tpu.memory_space<vmem>>)
      "tpu.region"() ({
        %run_scoped3A_236 = tpu.sem_alloc : memref<!tpu.dma_semaphore, #tpu.memory_space<semaphore_mem>>
        %dma_start3A_237 = arith.constant 0 : i32
        %dma_start3A_238 = tpu.memref_slice %arg7[%add3A_185, %dma_start3A_237] : memref<80x128xi32, #tpu.memory_space<vmem>> -> memref<1x128xi32, #tpu.memory_space<vmem>>
        %dma_start3A_239 = tpu.memref_squeeze %dma_start3A_238 : memref<1x128xi32, #tpu.memory_space<vmem>> -> memref<128xi32, #tpu.memory_space<vmem>>
        %dma_start3A_240 = arith.constant 0 : i32
        %dma_start3A_241 = arith.constant 0 : i32
        %dma_start3A_242 = tpu.memref_slice %arg14[%dma_start3A_240, %dma_start3A_241] : memref<10240x32xf32, #tpu.memory_space<vmem_shared>> -> memref<10240x32xf32, #tpu.memory_space<vmem_shared>>
        tpu.enqueue_indirect_dma source(%arg10 : memref<128x32xf32, #tpu.memory_space<vmem>>) target(%dma_start3A_242 : memref<10240x32xf32, #tpu.memory_space<vmem_shared>>) offsets(%dma_start3A_239 : memref<128xi32, #tpu.memory_space<vmem>>) semaphore(%run_scoped3A_236 : memref<!tpu.dma_semaphore, #tpu.memory_space<semaphore_mem>>) {add = true}
        %dma_wait3A_243 = arith.constant 0 : i32
        %dma_wait3A_244 = tpu.memref_slice %arg7[%add3A_185, %dma_wait3A_243] : memref<80x128xi32, #tpu.memory_space<vmem>> -> memref<1x128xi32, #tpu.memory_space<vmem>>
        %dma_wait3A_245 = tpu.memref_squeeze %dma_wait3A_244 : memref<1x128xi32, #tpu.memory_space<vmem>> -> memref<128xi32, #tpu.memory_space<vmem>>
        %dma_wait3A_246 = arith.constant 0 : i32
        %dma_wait3A_247 = arith.constant 0 : i32
        %dma_wait3A_248 = tpu.memref_slice %arg14[%dma_wait3A_246, %dma_wait3A_247] : memref<10240x32xf32, #tpu.memory_space<vmem_shared>> -> memref<10240x32xf32, #tpu.memory_space<vmem_shared>>
        tpu.wait_indirect_dma semaphore(%run_scoped3A_236 : memref<!tpu.dma_semaphore, #tpu.memory_space<semaphore_mem>>) src(%arg10 : memref<128x32xf32, #tpu.memory_space<vmem>>) dst(%dma_wait3A_248 : memref<10240x32xf32, #tpu.memory_space<vmem_shared>>)
        tpu.yield
      }) : () -> ()
      %add3A_192 = arith.constant 5 : i32
      %add3A_193 = arith.addi %add3A_185, %add3A_192 : i32
      %dma_start3A_194 = arith.constant 0 : i32
      %dma_start3A_195 = tpu.memref_slice %arg6[%add3A_193, %dma_start3A_194] : memref<80x128xi32, #tpu.memory_space<vmem>> -> memref<1x128xi32, #tpu.memory_space<vmem>>
      %dma_start3A_196 = tpu.memref_squeeze %dma_start3A_195 : memref<1x128xi32, #tpu.memory_space<vmem>> -> memref<128xi32, #tpu.memory_space<vmem>>
      %dma_start3A_197 = arith.constant 0 : i32
      %dma_start3A_198 = arith.constant 0 : i32
      %dma_start3A_199 = tpu.memref_slice %arg2[%dma_start3A_197, %dma_start3A_198] : memref<10000x32xf32, #tpu.memory_space<hbm>> -> memref<10000x32xf32, #tpu.memory_space<hbm>>
      tpu.enqueue_indirect_dma source(%dma_start3A_199 : memref<10000x32xf32, #tpu.memory_space<hbm>>) target(%arg10 : memref<128x32xf32, #tpu.memory_space<vmem>>) offsets(%dma_start3A_196 : memref<128xi32, #tpu.memory_space<vmem>>) semaphore(%arg17 : memref<!tpu.dma_semaphore, #tpu.memory_space<semaphore_mem>>)
      %mul3A_200 = arith.constant 5 : i32
      %mul3A_201 = arith.muli %scan3A_145, %mul3A_200 : i32
      %add3A_202 = arith.constant 3 : i32
      %add3A_203 = arith.addi %mul3A_201, %add3A_202 : i32
      %dma_wait3A_204 = arith.constant 0 : i32
      %dma_wait3A_205 = tpu.memref_slice %arg6[%add3A_203, %dma_wait3A_204] : memref<80x128xi32, #tpu.memory_space<vmem>> -> memref<1x128xi32, #tpu.memory_space<vmem>>
      %dma_wait3A_206 = tpu.memref_squeeze %dma_wait3A_205 : memref<1x128xi32, #tpu.memory_space<vmem>> -> memref<128xi32, #tpu.memory_space<vmem>>
      %dma_wait3A_207 = arith.constant 0 : i32
      %dma_wait3A_208 = arith.constant 0 : i32
      %dma_wait3A_209 = tpu.memref_slice %arg2[%dma_wait3A_207, %dma_wait3A_208] : memref<10000x32xf32, #tpu.memory_space<hbm>> -> memref<10000x32xf32, #tpu.memory_space<hbm>>
      tpu.wait_indirect_dma semaphore(%arg18 : memref<!tpu.dma_semaphore, #tpu.memory_space<semaphore_mem>>) src(%dma_wait3A_209 : memref<10000x32xf32, #tpu.memory_space<hbm>>) dst(%arg11 : memref<128x32xf32, #tpu.memory_space<vmem>>)
      "tpu.region"() ({
        %run_scoped3A_236 = tpu.sem_alloc : memref<!tpu.dma_semaphore, #tpu.memory_space<semaphore_mem>>
        %dma_start3A_237 = arith.constant 0 : i32
        %dma_start3A_238 = tpu.memref_slice %arg7[%add3A_203, %dma_start3A_237] : memref<80x128xi32, #tpu.memory_space<vmem>> -> memref<1x128xi32, #tpu.memory_space<vmem>>
        %dma_start3A_239 = tpu.memref_squeeze %dma_start3A_238 : memref<1x128xi32, #tpu.memory_space<vmem>> -> memref<128xi32, #tpu.memory_space<vmem>>
        %dma_start3A_240 = arith.constant 0 : i32
        %dma_start3A_241 = arith.constant 0 : i32
        %dma_start3A_242 = tpu.memref_slice %arg14[%dma_start3A_240, %dma_start3A_241] : memref<10240x32xf32, #tpu.memory_space<vmem_shared>> -> memref<10240x32xf32, #tpu.memory_space<vmem_shared>>
        tpu.enqueue_indirect_dma source(%arg11 : memref<128x32xf32, #tpu.memory_space<vmem>>) target(%dma_start3A_242 : memref<10240x32xf32, #tpu.memory_space<vmem_shared>>) offsets(%dma_start3A_239 : memref<128xi32, #tpu.memory_space<vmem>>) semaphore(%run_scoped3A_236 : memref<!tpu.dma_semaphore, #tpu.memory_space<semaphore_mem>>) {add = true}
        %dma_wait3A_243 = arith.constant 0 : i32
        %dma_wait3A_244 = tpu.memref_slice %arg7[%add3A_203, %dma_wait3A_243] : memref<80x128xi32, #tpu.memory_space<vmem>> -> memref<1x128xi32, #tpu.memory_space<vmem>>
        %dma_wait3A_245 = tpu.memref_squeeze %dma_wait3A_244 : memref<1x128xi32, #tpu.memory_space<vmem>> -> memref<128xi32, #tpu.memory_space<vmem>>
        %dma_wait3A_246 = arith.constant 0 : i32
        %dma_wait3A_247 = arith.constant 0 : i32
        %dma_wait3A_248 = tpu.memref_slice %arg14[%dma_wait3A_246, %dma_wait3A_247] : memref<10240x32xf32, #tpu.memory_space<vmem_shared>> -> memref<10240x32xf32, #tpu.memory_space<vmem_shared>>
        tpu.wait_indirect_dma semaphore(%run_scoped3A_236 : memref<!tpu.dma_semaphore, #tpu.memory_space<semaphore_mem>>) src(%arg11 : memref<128x32xf32, #tpu.memory_space<vmem>>) dst(%dma_wait3A_248 : memref<10240x32xf32, #tpu.memory_space<vmem_shared>>)
        tpu.yield
      }) : () -> ()
      %add3A_210 = arith.constant 5 : i32
      %add3A_211 = arith.addi %add3A_203, %add3A_210 : i32
      %dma_start3A_212 = arith.constant 0 : i32
      %dma_start3A_213 = tpu.memref_slice %arg6[%add3A_211, %dma_start3A_212] : memref<80x128xi32, #tpu.memory_space<vmem>> -> memref<1x128xi32, #tpu.memory_space<vmem>>
      %dma_start3A_214 = tpu.memref_squeeze %dma_start3A_213 : memref<1x128xi32, #tpu.memory_space<vmem>> -> memref<128xi32, #tpu.memory_space<vmem>>
      %dma_start3A_215 = arith.constant 0 : i32
      %dma_start3A_216 = arith.constant 0 : i32
      %dma_start3A_217 = tpu.memref_slice %arg2[%dma_start3A_215, %dma_start3A_216] : memref<10000x32xf32, #tpu.memory_space<hbm>> -> memref<10000x32xf32, #tpu.memory_space<hbm>>
      tpu.enqueue_indirect_dma source(%dma_start3A_217 : memref<10000x32xf32, #tpu.memory_space<hbm>>) target(%arg11 : memref<128x32xf32, #tpu.memory_space<vmem>>) offsets(%dma_start3A_214 : memref<128xi32, #tpu.memory_space<vmem>>) semaphore(%arg18 : memref<!tpu.dma_semaphore, #tpu.memory_space<semaphore_mem>>)
      %mul3A_218 = arith.constant 5 : i32
      %mul3A_219 = arith.muli %scan3A_145, %mul3A_218 : i32
      %add3A_220 = arith.constant 4 : i32
      %add3A_221 = arith.addi %mul3A_219, %add3A_220 : i32
      %dma_wait3A_222 = arith.constant 0 : i32
      %dma_wait3A_223 = tpu.memref_slice %arg6[%add3A_221, %dma_wait3A_222] : memref<80x128xi32, #tpu.memory_space<vmem>> -> memref<1x128xi32, #tpu.memory_space<vmem>>
      %dma_wait3A_224 = tpu.memref_squeeze %dma_wait3A_223 : memref<1x128xi32, #tpu.memory_space<vmem>> -> memref<128xi32, #tpu.memory_space<vmem>>
      %dma_wait3A_225 = arith.constant 0 : i32
      %dma_wait3A_226 = arith.constant 0 : i32
      %dma_wait3A_227 = tpu.memref_slice %arg2[%dma_wait3A_225, %dma_wait3A_226] : memref<10000x32xf32, #tpu.memory_space<hbm>> -> memref<10000x32xf32, #tpu.memory_space<hbm>>
      tpu.wait_indirect_dma semaphore(%arg19 : memref<!tpu.dma_semaphore, #tpu.memory_space<semaphore_mem>>) src(%dma_wait3A_227 : memref<10000x32xf32, #tpu.memory_space<hbm>>) dst(%arg12 : memref<128x32xf32, #tpu.memory_space<vmem>>)
      "tpu.region"() ({
        %run_scoped3A_236 = tpu.sem_alloc : memref<!tpu.dma_semaphore, #tpu.memory_space<semaphore_mem>>
        %dma_start3A_237 = arith.constant 0 : i32
        %dma_start3A_238 = tpu.memref_slice %arg7[%add3A_221, %dma_start3A_237] : memref<80x128xi32, #tpu.memory_space<vmem>> -> memref<1x128xi32, #tpu.memory_space<vmem>>
        %dma_start3A_239 = tpu.memref_squeeze %dma_start3A_238 : memref<1x128xi32, #tpu.memory_space<vmem>> -> memref<128xi32, #tpu.memory_space<vmem>>
        %dma_start3A_240 = arith.constant 0 : i32
        %dma_start3A_241 = arith.constant 0 : i32
        %dma_start3A_242 = tpu.memref_slice %arg14[%dma_start3A_240, %dma_start3A_241] : memref<10240x32xf32, #tpu.memory_space<vmem_shared>> -> memref<10240x32xf32, #tpu.memory_space<vmem_shared>>
        tpu.enqueue_indirect_dma source(%arg12 : memref<128x32xf32, #tpu.memory_space<vmem>>) target(%dma_start3A_242 : memref<10240x32xf32, #tpu.memory_space<vmem_shared>>) offsets(%dma_start3A_239 : memref<128xi32, #tpu.memory_space<vmem>>) semaphore(%run_scoped3A_236 : memref<!tpu.dma_semaphore, #tpu.memory_space<semaphore_mem>>) {add = true}
        %dma_wait3A_243 = arith.constant 0 : i32
        %dma_wait3A_244 = tpu.memref_slice %arg7[%add3A_221, %dma_wait3A_243] : memref<80x128xi32, #tpu.memory_space<vmem>> -> memref<1x128xi32, #tpu.memory_space<vmem>>
        %dma_wait3A_245 = tpu.memref_squeeze %dma_wait3A_244 : memref<1x128xi32, #tpu.memory_space<vmem>> -> memref<128xi32, #tpu.memory_space<vmem>>
        %dma_wait3A_246 = arith.constant 0 : i32
        %dma_wait3A_247 = arith.constant 0 : i32
        %dma_wait3A_248 = tpu.memref_slice %arg14[%dma_wait3A_246, %dma_wait3A_247] : memref<10240x32xf32, #tpu.memory_space<vmem_shared>> -> memref<10240x32xf32, #tpu.memory_space<vmem_shared>>
        tpu.wait_indirect_dma semaphore(%run_scoped3A_236 : memref<!tpu.dma_semaphore, #tpu.memory_space<semaphore_mem>>) src(%arg12 : memref<128x32xf32, #tpu.memory_space<vmem>>) dst(%dma_wait3A_248 : memref<10240x32xf32, #tpu.memory_space<vmem_shared>>)
        tpu.yield
      }) : () -> ()
      %add3A_228 = arith.constant 5 : i32
      %add3A_229 = arith.addi %add3A_221, %add3A_228 : i32
      %dma_start3A_230 = arith.constant 0 : i32
      %dma_start3A_231 = tpu.memref_slice %arg6[%add3A_229, %dma_start3A_230] : memref<80x128xi32, #tpu.memory_space<vmem>> -> memref<1x128xi32, #tpu.memory_space<vmem>>
      %dma_start3A_232 = tpu.memref_squeeze %dma_start3A_231 : memref<1x128xi32, #tpu.memory_space<vmem>> -> memref<128xi32, #tpu.memory_space<vmem>>
      %dma_start3A_233 = arith.constant 0 : i32
      %dma_start3A_234 = arith.constant 0 : i32
      %dma_start3A_235 = tpu.memref_slice %arg2[%dma_start3A_233, %dma_start3A_234] : memref<10000x32xf32, #tpu.memory_space<hbm>> -> memref<10000x32xf32, #tpu.memory_space<hbm>>
      tpu.enqueue_indirect_dma source(%dma_start3A_235 : memref<10000x32xf32, #tpu.memory_space<hbm>>) target(%arg12 : memref<128x32xf32, #tpu.memory_space<vmem>>) offsets(%dma_start3A_232 : memref<128xi32, #tpu.memory_space<vmem>>) semaphore(%arg19 : memref<!tpu.dma_semaphore, #tpu.memory_space<semaphore_mem>>)
    }
    %scan3A_65 = arith.constant 15 : i32
    %dma_wait3A = arith.constant 75 : i32
    %dma_wait3A_66 = arith.constant 0 : i32
    %dma_wait3A_67 = tpu.memref_slice %arg6[%dma_wait3A, %dma_wait3A_66] : memref<80x128xi32, #tpu.memory_space<vmem>> -> memref<1x128xi32, #tpu.memory_space<vmem>>
    %dma_wait3A_68 = tpu.memref_squeeze %dma_wait3A_67 : memref<1x128xi32, #tpu.memory_space<vmem>> -> memref<128xi32, #tpu.memory_space<vmem>>
    %dma_wait3A_69 = arith.constant 0 : i32
    %dma_wait3A_70 = arith.constant 0 : i32
    %dma_wait3A_71 = tpu.memref_slice %arg2[%dma_wait3A_69, %dma_wait3A_70] : memref<10000x32xf32, #tpu.memory_space<hbm>> -> memref<10000x32xf32, #tpu.memory_space<hbm>>
    tpu.wait_indirect_dma semaphore(%arg15 : memref<!tpu.dma_semaphore, #tpu.memory_space<semaphore_mem>>) src(%dma_wait3A_71 : memref<10000x32xf32, #tpu.memory_space<hbm>>) dst(%arg8 : memref<128x32xf32, #tpu.memory_space<vmem>>)
    %run_scoped3A = arith.constant 75 : i32
    "tpu.region"() ({
      %run_scoped3A_145 = tpu.sem_alloc : memref<!tpu.dma_semaphore, #tpu.memory_space<semaphore_mem>>
      %dma_start3A_146 = arith.constant 0 : i32
      %dma_start3A_147 = tpu.memref_slice %arg7[%run_scoped3A, %dma_start3A_146] : memref<80x128xi32, #tpu.memory_space<vmem>> -> memref<1x128xi32, #tpu.memory_space<vmem>>
      %dma_start3A_148 = tpu.memref_squeeze %dma_start3A_147 : memref<1x128xi32, #tpu.memory_space<vmem>> -> memref<128xi32, #tpu.memory_space<vmem>>
      %dma_start3A_149 = arith.constant 0 : i32
      %dma_start3A_150 = arith.constant 0 : i32
      %dma_start3A_151 = tpu.memref_slice %arg14[%dma_start3A_149, %dma_start3A_150] : memref<10240x32xf32, #tpu.memory_space<vmem_shared>> -> memref<10240x32xf32, #tpu.memory_space<vmem_shared>>
      tpu.enqueue_indirect_dma source(%arg8 : memref<128x32xf32, #tpu.memory_space<vmem>>) target(%dma_start3A_151 : memref<10240x32xf32, #tpu.memory_space<vmem_shared>>) offsets(%dma_start3A_148 : memref<128xi32, #tpu.memory_space<vmem>>) semaphore(%run_scoped3A_145 : memref<!tpu.dma_semaphore, #tpu.memory_space<semaphore_mem>>) {add = true}
      %dma_wait3A_152 = arith.constant 0 : i32
      %dma_wait3A_153 = tpu.memref_slice %arg7[%run_scoped3A, %dma_wait3A_152] : memref<80x128xi32, #tpu.memory_space<vmem>> -> memref<1x128xi32, #tpu.memory_space<vmem>>
      %dma_wait3A_154 = tpu.memref_squeeze %dma_wait3A_153 : memref<1x128xi32, #tpu.memory_space<vmem>> -> memref<128xi32, #tpu.memory_space<vmem>>
      %dma_wait3A_155 = arith.constant 0 : i32
      %dma_wait3A_156 = arith.constant 0 : i32
      %dma_wait3A_157 = tpu.memref_slice %arg14[%dma_wait3A_155, %dma_wait3A_156] : memref<10240x32xf32, #tpu.memory_space<vmem_shared>> -> memref<10240x32xf32, #tpu.memory_space<vmem_shared>>
      tpu.wait_indirect_dma semaphore(%run_scoped3A_145 : memref<!tpu.dma_semaphore, #tpu.memory_space<semaphore_mem>>) src(%arg8 : memref<128x32xf32, #tpu.memory_space<vmem>>) dst(%dma_wait3A_157 : memref<10240x32xf32, #tpu.memory_space<vmem_shared>>)
      tpu.yield
    }) : () -> ()
    %dma_wait3A_72 = arith.constant 76 : i32
    %dma_wait3A_73 = arith.constant 0 : i32
    %dma_wait3A_74 = tpu.memref_slice %arg6[%dma_wait3A_72, %dma_wait3A_73] : memref<80x128xi32, #tpu.memory_space<vmem>> -> memref<1x128xi32, #tpu.memory_space<vmem>>
    %dma_wait3A_75 = tpu.memref_squeeze %dma_wait3A_74 : memref<1x128xi32, #tpu.memory_space<vmem>> -> memref<128xi32, #tpu.memory_space<vmem>>
    %dma_wait3A_76 = arith.constant 0 : i32
    %dma_wait3A_77 = arith.constant 0 : i32
    %dma_wait3A_78 = tpu.memref_slice %arg2[%dma_wait3A_76, %dma_wait3A_77] : memref<10000x32xf32, #tpu.memory_space<hbm>> -> memref<10000x32xf32, #tpu.memory_space<hbm>>
    tpu.wait_indirect_dma semaphore(%arg16 : memref<!tpu.dma_semaphore, #tpu.memory_space<semaphore_mem>>) src(%dma_wait3A_78 : memref<10000x32xf32, #tpu.memory_space<hbm>>) dst(%arg9 : memref<128x32xf32, #tpu.memory_space<vmem>>)
    %run_scoped3A_79 = arith.constant 76 : i32
    "tpu.region"() ({
      %run_scoped3A_145 = tpu.sem_alloc : memref<!tpu.dma_semaphore, #tpu.memory_space<semaphore_mem>>
      %dma_start3A_146 = arith.constant 0 : i32
      %dma_start3A_147 = tpu.memref_slice %arg7[%run_scoped3A_79, %dma_start3A_146] : memref<80x128xi32, #tpu.memory_space<vmem>> -> memref<1x128xi32, #tpu.memory_space<vmem>>
      %dma_start3A_148 = tpu.memref_squeeze %dma_start3A_147 : memref<1x128xi32, #tpu.memory_space<vmem>> -> memref<128xi32, #tpu.memory_space<vmem>>
      %dma_start3A_149 = arith.constant 0 : i32
      %dma_start3A_150 = arith.constant 0 : i32
      %dma_start3A_151 = tpu.memref_slice %arg14[%dma_start3A_149, %dma_start3A_150] : memref<10240x32xf32, #tpu.memory_space<vmem_shared>> -> memref<10240x32xf32, #tpu.memory_space<vmem_shared>>
      tpu.enqueue_indirect_dma source(%arg9 : memref<128x32xf32, #tpu.memory_space<vmem>>) target(%dma_start3A_151 : memref<10240x32xf32, #tpu.memory_space<vmem_shared>>) offsets(%dma_start3A_148 : memref<128xi32, #tpu.memory_space<vmem>>) semaphore(%run_scoped3A_145 : memref<!tpu.dma_semaphore, #tpu.memory_space<semaphore_mem>>) {add = true}
      %dma_wait3A_152 = arith.constant 0 : i32
      %dma_wait3A_153 = tpu.memref_slice %arg7[%run_scoped3A_79, %dma_wait3A_152] : memref<80x128xi32, #tpu.memory_space<vmem>> -> memref<1x128xi32, #tpu.memory_space<vmem>>
      %dma_wait3A_154 = tpu.memref_squeeze %dma_wait3A_153 : memref<1x128xi32, #tpu.memory_space<vmem>> -> memref<128xi32, #tpu.memory_space<vmem>>
      %dma_wait3A_155 = arith.constant 0 : i32
      %dma_wait3A_156 = arith.constant 0 : i32
      %dma_wait3A_157 = tpu.memref_slice %arg14[%dma_wait3A_155, %dma_wait3A_156] : memref<10240x32xf32, #tpu.memory_space<vmem_shared>> -> memref<10240x32xf32, #tpu.memory_space<vmem_shared>>
      tpu.wait_indirect_dma semaphore(%run_scoped3A_145 : memref<!tpu.dma_semaphore, #tpu.memory_space<semaphore_mem>>) src(%arg9 : memref<128x32xf32, #tpu.memory_space<vmem>>) dst(%dma_wait3A_157 : memref<10240x32xf32, #tpu.memory_space<vmem_shared>>)
      tpu.yield
    }) : () -> ()
    %dma_wait3A_80 = arith.constant 77 : i32
    %dma_wait3A_81 = arith.constant 0 : i32
    %dma_wait3A_82 = tpu.memref_slice %arg6[%dma_wait3A_80, %dma_wait3A_81] : memref<80x128xi32, #tpu.memory_space<vmem>> -> memref<1x128xi32, #tpu.memory_space<vmem>>
    %dma_wait3A_83 = tpu.memref_squeeze %dma_wait3A_82 : memref<1x128xi32, #tpu.memory_space<vmem>> -> memref<128xi32, #tpu.memory_space<vmem>>
    %dma_wait3A_84 = arith.constant 0 : i32
    %dma_wait3A_85 = arith.constant 0 : i32
    %dma_wait3A_86 = tpu.memref_slice %arg2[%dma_wait3A_84, %dma_wait3A_85] : memref<10000x32xf32, #tpu.memory_space<hbm>> -> memref<10000x32xf32, #tpu.memory_space<hbm>>
    tpu.wait_indirect_dma semaphore(%arg17 : memref<!tpu.dma_semaphore, #tpu.memory_space<semaphore_mem>>) src(%dma_wait3A_86 : memref<10000x32xf32, #tpu.memory_space<hbm>>) dst(%arg10 : memref<128x32xf32, #tpu.memory_space<vmem>>)
    %run_scoped3A_87 = arith.constant 77 : i32
    "tpu.region"() ({
      %run_scoped3A_145 = tpu.sem_alloc : memref<!tpu.dma_semaphore, #tpu.memory_space<semaphore_mem>>
      %dma_start3A_146 = arith.constant 0 : i32
      %dma_start3A_147 = tpu.memref_slice %arg7[%run_scoped3A_87, %dma_start3A_146] : memref<80x128xi32, #tpu.memory_space<vmem>> -> memref<1x128xi32, #tpu.memory_space<vmem>>
      %dma_start3A_148 = tpu.memref_squeeze %dma_start3A_147 : memref<1x128xi32, #tpu.memory_space<vmem>> -> memref<128xi32, #tpu.memory_space<vmem>>
      %dma_start3A_149 = arith.constant 0 : i32
      %dma_start3A_150 = arith.constant 0 : i32
      %dma_start3A_151 = tpu.memref_slice %arg14[%dma_start3A_149, %dma_start3A_150] : memref<10240x32xf32, #tpu.memory_space<vmem_shared>> -> memref<10240x32xf32, #tpu.memory_space<vmem_shared>>
      tpu.enqueue_indirect_dma source(%arg10 : memref<128x32xf32, #tpu.memory_space<vmem>>) target(%dma_start3A_151 : memref<10240x32xf32, #tpu.memory_space<vmem_shared>>) offsets(%dma_start3A_148 : memref<128xi32, #tpu.memory_space<vmem>>) semaphore(%run_scoped3A_145 : memref<!tpu.dma_semaphore, #tpu.memory_space<semaphore_mem>>) {add = true}
      %dma_wait3A_152 = arith.constant 0 : i32
      %dma_wait3A_153 = tpu.memref_slice %arg7[%run_scoped3A_87, %dma_wait3A_152] : memref<80x128xi32, #tpu.memory_space<vmem>> -> memref<1x128xi32, #tpu.memory_space<vmem>>
      %dma_wait3A_154 = tpu.memref_squeeze %dma_wait3A_153 : memref<1x128xi32, #tpu.memory_space<vmem>> -> memref<128xi32, #tpu.memory_space<vmem>>
      %dma_wait3A_155 = arith.constant 0 : i32
      %dma_wait3A_156 = arith.constant 0 : i32
      %dma_wait3A_157 = tpu.memref_slice %arg14[%dma_wait3A_155, %dma_wait3A_156] : memref<10240x32xf32, #tpu.memory_space<vmem_shared>> -> memref<10240x32xf32, #tpu.memory_space<vmem_shared>>
      tpu.wait_indirect_dma semaphore(%run_scoped3A_145 : memref<!tpu.dma_semaphore, #tpu.memory_space<semaphore_mem>>) src(%arg10 : memref<128x32xf32, #tpu.memory_space<vmem>>) dst(%dma_wait3A_157 : memref<10240x32xf32, #tpu.memory_space<vmem_shared>>)
      tpu.yield
    }) : () -> ()
    %dma_wait3A_88 = arith.constant 78 : i32
    %dma_wait3A_89 = arith.constant 0 : i32
    %dma_wait3A_90 = tpu.memref_slice %arg6[%dma_wait3A_88, %dma_wait3A_89] : memref<80x128xi32, #tpu.memory_space<vmem>> -> memref<1x128xi32, #tpu.memory_space<vmem>>
    %dma_wait3A_91 = tpu.memref_squeeze %dma_wait3A_90 : memref<1x128xi32, #tpu.memory_space<vmem>> -> memref<128xi32, #tpu.memory_space<vmem>>
    %dma_wait3A_92 = arith.constant 0 : i32
    %dma_wait3A_93 = arith.constant 0 : i32
    %dma_wait3A_94 = tpu.memref_slice %arg2[%dma_wait3A_92, %dma_wait3A_93] : memref<10000x32xf32, #tpu.memory_space<hbm>> -> memref<10000x32xf32, #tpu.memory_space<hbm>>
    tpu.wait_indirect_dma semaphore(%arg18 : memref<!tpu.dma_semaphore, #tpu.memory_space<semaphore_mem>>) src(%dma_wait3A_94 : memref<10000x32xf32, #tpu.memory_space<hbm>>) dst(%arg11 : memref<128x32xf32, #tpu.memory_space<vmem>>)
    %run_scoped3A_95 = arith.constant 78 : i32
    "tpu.region"() ({
      %run_scoped3A_145 = tpu.sem_alloc : memref<!tpu.dma_semaphore, #tpu.memory_space<semaphore_mem>>
      %dma_start3A_146 = arith.constant 0 : i32
      %dma_start3A_147 = tpu.memref_slice %arg7[%run_scoped3A_95, %dma_start3A_146] : memref<80x128xi32, #tpu.memory_space<vmem>> -> memref<1x128xi32, #tpu.memory_space<vmem>>
      %dma_start3A_148 = tpu.memref_squeeze %dma_start3A_147 : memref<1x128xi32, #tpu.memory_space<vmem>> -> memref<128xi32, #tpu.memory_space<vmem>>
      %dma_start3A_149 = arith.constant 0 : i32
      %dma_start3A_150 = arith.constant 0 : i32
      %dma_start3A_151 = tpu.memref_slice %arg14[%dma_start3A_149, %dma_start3A_150] : memref<10240x32xf32, #tpu.memory_space<vmem_shared>> -> memref<10240x32xf32, #tpu.memory_space<vmem_shared>>
      tpu.enqueue_indirect_dma source(%arg11 : memref<128x32xf32, #tpu.memory_space<vmem>>) target(%dma_start3A_151 : memref<10240x32xf32, #tpu.memory_space<vmem_shared>>) offsets(%dma_start3A_148 : memref<128xi32, #tpu.memory_space<vmem>>) semaphore(%run_scoped3A_145 : memref<!tpu.dma_semaphore, #tpu.memory_space<semaphore_mem>>) {add = true}
      %dma_wait3A_152 = arith.constant 0 : i32
      %dma_wait3A_153 = tpu.memref_slice %arg7[%run_scoped3A_95, %dma_wait3A_152] : memref<80x128xi32, #tpu.memory_space<vmem>> -> memref<1x128xi32, #tpu.memory_space<vmem>>
      %dma_wait3A_154 = tpu.memref_squeeze %dma_wait3A_153 : memref<1x128xi32, #tpu.memory_space<vmem>> -> memref<128xi32, #tpu.memory_space<vmem>>
      %dma_wait3A_155 = arith.constant 0 : i32
      %dma_wait3A_156 = arith.constant 0 : i32
      %dma_wait3A_157 = tpu.memref_slice %arg14[%dma_wait3A_155, %dma_wait3A_156] : memref<10240x32xf32, #tpu.memory_space<vmem_shared>> -> memref<10240x32xf32, #tpu.memory_space<vmem_shared>>
      tpu.wait_indirect_dma semaphore(%run_scoped3A_145 : memref<!tpu.dma_semaphore, #tpu.memory_space<semaphore_mem>>) src(%arg11 : memref<128x32xf32, #tpu.memory_space<vmem>>) dst(%dma_wait3A_157 : memref<10240x32xf32, #tpu.memory_space<vmem_shared>>)
      tpu.yield
    }) : () -> ()
    %dma_wait3A_96 = arith.constant 79 : i32
    %dma_wait3A_97 = arith.constant 0 : i32
    %dma_wait3A_98 = tpu.memref_slice %arg6[%dma_wait3A_96, %dma_wait3A_97] : memref<80x128xi32, #tpu.memory_space<vmem>> -> memref<1x128xi32, #tpu.memory_space<vmem>>
    %dma_wait3A_99 = tpu.memref_squeeze %dma_wait3A_98 : memref<1x128xi32, #tpu.memory_space<vmem>> -> memref<128xi32, #tpu.memory_space<vmem>>
    %dma_wait3A_100 = arith.constant 0 : i32
    %dma_wait3A_101 = arith.constant 0 : i32
    %dma_wait3A_102 = tpu.memref_slice %arg2[%dma_wait3A_100, %dma_wait3A_101] : memref<10000x32xf32, #tpu.memory_space<hbm>> -> memref<10000x32xf32, #tpu.memory_space<hbm>>
    tpu.wait_indirect_dma semaphore(%arg19 : memref<!tpu.dma_semaphore, #tpu.memory_space<semaphore_mem>>) src(%dma_wait3A_102 : memref<10000x32xf32, #tpu.memory_space<hbm>>) dst(%arg12 : memref<128x32xf32, #tpu.memory_space<vmem>>)
    %run_scoped3A_103 = arith.constant 79 : i32
    "tpu.region"() ({
      %run_scoped3A_145 = tpu.sem_alloc : memref<!tpu.dma_semaphore, #tpu.memory_space<semaphore_mem>>
      %dma_start3A_146 = arith.constant 0 : i32
      %dma_start3A_147 = tpu.memref_slice %arg7[%run_scoped3A_103, %dma_start3A_146] : memref<80x128xi32, #tpu.memory_space<vmem>> -> memref<1x128xi32, #tpu.memory_space<vmem>>
      %dma_start3A_148 = tpu.memref_squeeze %dma_start3A_147 : memref<1x128xi32, #tpu.memory_space<vmem>> -> memref<128xi32, #tpu.memory_space<vmem>>
      %dma_start3A_149 = arith.constant 0 : i32
      %dma_start3A_150 = arith.constant 0 : i32
      %dma_start3A_151 = tpu.memref_slice %arg14[%dma_start3A_149, %dma_start3A_150] : memref<10240x32xf32, #tpu.memory_space<vmem_shared>> -> memref<10240x32xf32, #tpu.memory_space<vmem_shared>>
      tpu.enqueue_indirect_dma source(%arg12 : memref<128x32xf32, #tpu.memory_space<vmem>>) target(%dma_start3A_151 : memref<10240x32xf32, #tpu.memory_space<vmem_shared>>) offsets(%dma_start3A_148 : memref<128xi32, #tpu.memory_space<vmem>>) semaphore(%run_scoped3A_145 : memref<!tpu.dma_semaphore, #tpu.memory_space<semaphore_mem>>) {add = true}
      %dma_wait3A_152 = arith.constant 0 : i32
      %dma_wait3A_153 = tpu.memref_slice %arg7[%run_scoped3A_103, %dma_wait3A_152] : memref<80x128xi32, #tpu.memory_space<vmem>> -> memref<1x128xi32, #tpu.memory_space<vmem>>
      %dma_wait3A_154 = tpu.memref_squeeze %dma_wait3A_153 : memref<1x128xi32, #tpu.memory_space<vmem>> -> memref<128xi32, #tpu.memory_space<vmem>>
      %dma_wait3A_155 = arith.constant 0 : i32
      %dma_wait3A_156 = arith.constant 0 : i32
      %dma_wait3A_157 = tpu.memref_slice %arg14[%dma_wait3A_155, %dma_wait3A_156] : memref<10240x32xf32, #tpu.memory_space<vmem_shared>> -> memref<10240x32xf32, #tpu.memory_space<vmem_shared>>
      tpu.wait_indirect_dma semaphore(%run_scoped3A_145 : memref<!tpu.dma_semaphore, #tpu.memory_space<semaphore_mem>>) src(%arg12 : memref<128x32xf32, #tpu.memory_space<vmem>>) dst(%dma_wait3A_157 : memref<10240x32xf32, #tpu.memory_space<vmem_shared>>)
      tpu.yield
    }) : () -> ()
    %barrier3A_104 = arith.constant 0 : index
    tpu.barrier barrier_id(%barrier3A_104)
    %mul3A_105 = arith.constant 640 : i32
    %mul3A_106 = arith.muli %arg1, %mul3A_105 : i32
    %add3A_107 = arith.constant 0 : i32
    %add3A_108 = arith.addi %mul3A_106, %add3A_107 : i32
    "tpu.region"() ({
      %run_scoped3A_145 = tpu.sem_alloc : memref<!tpu.dma_semaphore, #tpu.memory_space<semaphore_mem>>
      %dma_start3A_146 = arith.constant 0 : i32
      %dma_start3A_147 = tpu.memref_slice %arg14[%add3A_108, %dma_start3A_146] : memref<10240x32xf32, #tpu.memory_space<vmem_shared>> -> memref<128x32xf32, #tpu.memory_space<vmem_shared>>
      %dma_start3A_148 = arith.constant 0 : i32
      %dma_start3A_149 = tpu.memref_slice %arg14[%add3A_108, %dma_start3A_148] : memref<10240x32xf32, #tpu.memory_space<vmem_shared>> -> memref<128x32xf32, #tpu.memory_space<vmem_shared>>
      tpu.enqueue_dma source(%dma_start3A_149 : memref<128x32xf32, #tpu.memory_space<vmem_shared>>) target(%arg13 : memref<128x32xf32, #tpu.memory_space<vmem>>) target_semaphore(%run_scoped3A_145 : memref<!tpu.dma_semaphore, #tpu.memory_space<semaphore_mem>>)
      %dma_wait3A_150 = arith.constant 0 : i32
      %dma_wait3A_151 = tpu.memref_slice %arg14[%add3A_108, %dma_wait3A_150] : memref<10240x32xf32, #tpu.memory_space<vmem_shared>> -> memref<128x32xf32, #tpu.memory_space<vmem_shared>>
      %dma_wait3A_152 = arith.constant 0 : i32
      %dma_wait3A_153 = tpu.memref_slice %arg14[%add3A_108, %dma_wait3A_152] : memref<10240x32xf32, #tpu.memory_space<vmem_shared>> -> memref<128x32xf32, #tpu.memory_space<vmem_shared>>
      tpu.wait_dma2 semaphore(%run_scoped3A_145 : memref<!tpu.dma_semaphore, #tpu.memory_space<semaphore_mem>>) src(%dma_wait3A_153 : memref<128x32xf32, #tpu.memory_space<vmem_shared>>) dst(%arg13 : memref<128x32xf32, #tpu.memory_space<vmem>>)
      tpu.yield
    }) : () -> ()
    %mul3A_109 = arith.constant 640 : i32
    %mul3A_110 = arith.muli %arg1, %mul3A_109 : i32
    %add3A_111 = arith.constant 0 : i32
    %add3A_112 = arith.addi %mul3A_110, %add3A_111 : i32
    "tpu.region"() ({
      %run_scoped3A_145 = tpu.sem_alloc : memref<!tpu.dma_semaphore, #tpu.memory_space<semaphore_mem>>
      %dma_start3A_146 = arith.constant 0 : i32
      %dma_start3A_147 = tpu.memref_slice %arg5[%arg0, %add3A_112, %dma_start3A_146] : memref<2x10240x32xf32, #tpu.memory_space<hbm>> -> memref<1x128x32xf32, #tpu.memory_space<hbm>>
      %dma_start3A_148 = tpu.memref_squeeze %dma_start3A_147 : memref<1x128x32xf32, #tpu.memory_space<hbm>> -> memref<128x32xf32, #tpu.memory_space<hbm>>
      %dma_start3A_149 = arith.constant 0 : i32
      %dma_start3A_150 = tpu.memref_slice %arg5[%arg0, %add3A_112, %dma_start3A_149] : memref<2x10240x32xf32, #tpu.memory_space<hbm>> -> memref<1x128x32xf32, #tpu.memory_space<hbm>>
      %dma_start3A_151 = tpu.memref_squeeze %dma_start3A_150 : memref<1x128x32xf32, #tpu.memory_space<hbm>> -> memref<128x32xf32, #tpu.memory_space<hbm>>
      tpu.enqueue_dma source(%arg13 : memref<128x32xf32, #tpu.memory_space<vmem>>) target(%dma_start3A_151 : memref<128x32xf32, #tpu.memory_space<hbm>>) target_semaphore(%run_scoped3A_145 : memref<!tpu.dma_semaphore, #tpu.memory_space<semaphore_mem>>)
      %dma_wait3A_152 = arith.constant 0 : i32
      %dma_wait3A_153 = tpu.memref_slice %arg5[%arg0, %add3A_112, %dma_wait3A_152] : memref<2x10240x32xf32, #tpu.memory_space<hbm>> -> memref<1x128x32xf32, #tpu.memory_space<hbm>>
      %dma_wait3A_154 = tpu.memref_squeeze %dma_wait3A_153 : memref<1x128x32xf32, #tpu.memory_space<hbm>> -> memref<128x32xf32, #tpu.memory_space<hbm>>
      %dma_wait3A_155 = arith.constant 0 : i32
      %dma_wait3A_156 = tpu.memref_slice %arg5[%arg0, %add3A_112, %dma_wait3A_155] : memref<2x10240x32xf32, #tpu.memory_space<hbm>> -> memref<1x128x32xf32, #tpu.memory_space<hbm>>
      %dma_wait3A_157 = tpu.memref_squeeze %dma_wait3A_156 : memref<1x128x32xf32, #tpu.memory_space<hbm>> -> memref<128x32xf32, #tpu.memory_space<hbm>>
      tpu.wait_dma2 semaphore(%run_scoped3A_145 : memref<!tpu.dma_semaphore, #tpu.memory_space<semaphore_mem>>) src(%arg13 : memref<128x32xf32, #tpu.memory_space<vmem>>) dst(%dma_wait3A_157 : memref<128x32xf32, #tpu.memory_space<hbm>>)
      tpu.yield
    }) : () -> ()
    %mul3A_113 = arith.constant 640 : i32
    %mul3A_114 = arith.muli %arg1, %mul3A_113 : i32
    %add3A_115 = arith.constant 128 : i32
    %add3A_116 = arith.addi %mul3A_114, %add3A_115 : i32
    "tpu.region"() ({
      %run_scoped3A_145 = tpu.sem_alloc : memref<!tpu.dma_semaphore, #tpu.memory_space<semaphore_mem>>
      %dma_start3A_146 = arith.constant 0 : i32
      %dma_start3A_147 = tpu.memref_slice %arg14[%add3A_116, %dma_start3A_146] : memref<10240x32xf32, #tpu.memory_space<vmem_shared>> -> memref<128x32xf32, #tpu.memory_space<vmem_shared>>
      %dma_start3A_148 = arith.constant 0 : i32
      %dma_start3A_149 = tpu.memref_slice %arg14[%add3A_116, %dma_start3A_148] : memref<10240x32xf32, #tpu.memory_space<vmem_shared>> -> memref<128x32xf32, #tpu.memory_space<vmem_shared>>
      tpu.enqueue_dma source(%dma_start3A_149 : memref<128x32xf32, #tpu.memory_space<vmem_shared>>) target(%arg13 : memref<128x32xf32, #tpu.memory_space<vmem>>) target_semaphore(%run_scoped3A_145 : memref<!tpu.dma_semaphore, #tpu.memory_space<semaphore_mem>>)
      %dma_wait3A_150 = arith.constant 0 : i32
      %dma_wait3A_151 = tpu.memref_slice %arg14[%add3A_116, %dma_wait3A_150] : memref<10240x32xf32, #tpu.memory_space<vmem_shared>> -> memref<128x32xf32, #tpu.memory_space<vmem_shared>>
      %dma_wait3A_152 = arith.constant 0 : i32
      %dma_wait3A_153 = tpu.memref_slice %arg14[%add3A_116, %dma_wait3A_152] : memref<10240x32xf32, #tpu.memory_space<vmem_shared>> -> memref<128x32xf32, #tpu.memory_space<vmem_shared>>
      tpu.wait_dma2 semaphore(%run_scoped3A_145 : memref<!tpu.dma_semaphore, #tpu.memory_space<semaphore_mem>>) src(%dma_wait3A_153 : memref<128x32xf32, #tpu.memory_space<vmem_shared>>) dst(%arg13 : memref<128x32xf32, #tpu.memory_space<vmem>>)
      tpu.yield
    }) : () -> ()
    %mul3A_117 = arith.constant 640 : i32
    %mul3A_118 = arith.muli %arg1, %mul3A_117 : i32
    %add3A_119 = arith.constant 128 : i32
    %add3A_120 = arith.addi %mul3A_118, %add3A_119 : i32
    "tpu.region"() ({
      %run_scoped3A_145 = tpu.sem_alloc : memref<!tpu.dma_semaphore, #tpu.memory_space<semaphore_mem>>
      %dma_start3A_146 = arith.constant 0 : i32
      %dma_start3A_147 = tpu.memref_slice %arg5[%arg0, %add3A_120, %dma_start3A_146] : memref<2x10240x32xf32, #tpu.memory_space<hbm>> -> memref<1x128x32xf32, #tpu.memory_space<hbm>>
      %dma_start3A_148 = tpu.memref_squeeze %dma_start3A_147 : memref<1x128x32xf32, #tpu.memory_space<hbm>> -> memref<128x32xf32, #tpu.memory_space<hbm>>
      %dma_start3A_149 = arith.constant 0 : i32
      %dma_start3A_150 = tpu.memref_slice %arg5[%arg0, %add3A_120, %dma_start3A_149] : memref<2x10240x32xf32, #tpu.memory_space<hbm>> -> memref<1x128x32xf32, #tpu.memory_space<hbm>>
      %dma_start3A_151 = tpu.memref_squeeze %dma_start3A_150 : memref<1x128x32xf32, #tpu.memory_space<hbm>> -> memref<128x32xf32, #tpu.memory_space<hbm>>
      tpu.enqueue_dma source(%arg13 : memref<128x32xf32, #tpu.memory_space<vmem>>) target(%dma_start3A_151 : memref<128x32xf32, #tpu.memory_space<hbm>>) target_semaphore(%run_scoped3A_145 : memref<!tpu.dma_semaphore, #tpu.memory_space<semaphore_mem>>)
      %dma_wait3A_152 = arith.constant 0 : i32
      %dma_wait3A_153 = tpu.memref_slice %arg5[%arg0, %add3A_120, %dma_wait3A_152] : memref<2x10240x32xf32, #tpu.memory_space<hbm>> -> memref<1x128x32xf32, #tpu.memory_space<hbm>>
      %dma_wait3A_154 = tpu.memref_squeeze %dma_wait3A_153 : memref<1x128x32xf32, #tpu.memory_space<hbm>> -> memref<128x32xf32, #tpu.memory_space<hbm>>
      %dma_wait3A_155 = arith.constant 0 : i32
      %dma_wait3A_156 = tpu.memref_slice %arg5[%arg0, %add3A_120, %dma_wait3A_155] : memref<2x10240x32xf32, #tpu.memory_space<hbm>> -> memref<1x128x32xf32, #tpu.memory_space<hbm>>
      %dma_wait3A_157 = tpu.memref_squeeze %dma_wait3A_156 : memref<1x128x32xf32, #tpu.memory_space<hbm>> -> memref<128x32xf32, #tpu.memory_space<hbm>>
      tpu.wait_dma2 semaphore(%run_scoped3A_145 : memref<!tpu.dma_semaphore, #tpu.memory_space<semaphore_mem>>) src(%arg13 : memref<128x32xf32, #tpu.memory_space<vmem>>) dst(%dma_wait3A_157 : memref<128x32xf32, #tpu.memory_space<hbm>>)
      tpu.yield
    }) : () -> ()
    %mul3A_121 = arith.constant 640 : i32
    %mul3A_122 = arith.muli %arg1, %mul3A_121 : i32
    %add3A_123 = arith.constant 256 : i32
    %add3A_124 = arith.addi %mul3A_122, %add3A_123 : i32
    "tpu.region"() ({
      %run_scoped3A_145 = tpu.sem_alloc : memref<!tpu.dma_semaphore, #tpu.memory_space<semaphore_mem>>
      %dma_start3A_146 = arith.constant 0 : i32
      %dma_start3A_147 = tpu.memref_slice %arg14[%add3A_124, %dma_start3A_146] : memref<10240x32xf32, #tpu.memory_space<vmem_shared>> -> memref<128x32xf32, #tpu.memory_space<vmem_shared>>
      %dma_start3A_148 = arith.constant 0 : i32
      %dma_start3A_149 = tpu.memref_slice %arg14[%add3A_124, %dma_start3A_148] : memref<10240x32xf32, #tpu.memory_space<vmem_shared>> -> memref<128x32xf32, #tpu.memory_space<vmem_shared>>
      tpu.enqueue_dma source(%dma_start3A_149 : memref<128x32xf32, #tpu.memory_space<vmem_shared>>) target(%arg13 : memref<128x32xf32, #tpu.memory_space<vmem>>) target_semaphore(%run_scoped3A_145 : memref<!tpu.dma_semaphore, #tpu.memory_space<semaphore_mem>>)
      %dma_wait3A_150 = arith.constant 0 : i32
      %dma_wait3A_151 = tpu.memref_slice %arg14[%add3A_124, %dma_wait3A_150] : memref<10240x32xf32, #tpu.memory_space<vmem_shared>> -> memref<128x32xf32, #tpu.memory_space<vmem_shared>>
      %dma_wait3A_152 = arith.constant 0 : i32
      %dma_wait3A_153 = tpu.memref_slice %arg14[%add3A_124, %dma_wait3A_152] : memref<10240x32xf32, #tpu.memory_space<vmem_shared>> -> memref<128x32xf32, #tpu.memory_space<vmem_shared>>
      tpu.wait_dma2 semaphore(%run_scoped3A_145 : memref<!tpu.dma_semaphore, #tpu.memory_space<semaphore_mem>>) src(%dma_wait3A_153 : memref<128x32xf32, #tpu.memory_space<vmem_shared>>) dst(%arg13 : memref<128x32xf32, #tpu.memory_space<vmem>>)
      tpu.yield
    }) : () -> ()
    %mul3A_125 = arith.constant 640 : i32
    %mul3A_126 = arith.muli %arg1, %mul3A_125 : i32
    %add3A_127 = arith.constant 256 : i32
    %add3A_128 = arith.addi %mul3A_126, %add3A_127 : i32
    "tpu.region"() ({
      %run_scoped3A_145 = tpu.sem_alloc : memref<!tpu.dma_semaphore, #tpu.memory_space<semaphore_mem>>
      %dma_start3A_146 = arith.constant 0 : i32
      %dma_start3A_147 = tpu.memref_slice %arg5[%arg0, %add3A_128, %dma_start3A_146] : memref<2x10240x32xf32, #tpu.memory_space<hbm>> -> memref<1x128x32xf32, #tpu.memory_space<hbm>>
      %dma_start3A_148 = tpu.memref_squeeze %dma_start3A_147 : memref<1x128x32xf32, #tpu.memory_space<hbm>> -> memref<128x32xf32, #tpu.memory_space<hbm>>
      %dma_start3A_149 = arith.constant 0 : i32
      %dma_start3A_150 = tpu.memref_slice %arg5[%arg0, %add3A_128, %dma_start3A_149] : memref<2x10240x32xf32, #tpu.memory_space<hbm>> -> memref<1x128x32xf32, #tpu.memory_space<hbm>>
      %dma_start3A_151 = tpu.memref_squeeze %dma_start3A_150 : memref<1x128x32xf32, #tpu.memory_space<hbm>> -> memref<128x32xf32, #tpu.memory_space<hbm>>
      tpu.enqueue_dma source(%arg13 : memref<128x32xf32, #tpu.memory_space<vmem>>) target(%dma_start3A_151 : memref<128x32xf32, #tpu.memory_space<hbm>>) target_semaphore(%run_scoped3A_145 : memref<!tpu.dma_semaphore, #tpu.memory_space<semaphore_mem>>)
      %dma_wait3A_152 = arith.constant 0 : i32
      %dma_wait3A_153 = tpu.memref_slice %arg5[%arg0, %add3A_128, %dma_wait3A_152] : memref<2x10240x32xf32, #tpu.memory_space<hbm>> -> memref<1x128x32xf32, #tpu.memory_space<hbm>>
      %dma_wait3A_154 = tpu.memref_squeeze %dma_wait3A_153 : memref<1x128x32xf32, #tpu.memory_space<hbm>> -> memref<128x32xf32, #tpu.memory_space<hbm>>
      %dma_wait3A_155 = arith.constant 0 : i32
      %dma_wait3A_156 = tpu.memref_slice %arg5[%arg0, %add3A_128, %dma_wait3A_155] : memref<2x10240x32xf32, #tpu.memory_space<hbm>> -> memref<1x128x32xf32, #tpu.memory_space<hbm>>
      %dma_wait3A_157 = tpu.memref_squeeze %dma_wait3A_156 : memref<1x128x32xf32, #tpu.memory_space<hbm>> -> memref<128x32xf32, #tpu.memory_space<hbm>>
      tpu.wait_dma2 semaphore(%run_scoped3A_145 : memref<!tpu.dma_semaphore, #tpu.memory_space<semaphore_mem>>) src(%arg13 : memref<128x32xf32, #tpu.memory_space<vmem>>) dst(%dma_wait3A_157 : memref<128x32xf32, #tpu.memory_space<hbm>>)
      tpu.yield
    }) : () -> ()
    %mul3A_129 = arith.constant 640 : i32
    %mul3A_130 = arith.muli %arg1, %mul3A_129 : i32
    %add3A_131 = arith.constant 384 : i32
    %add3A_132 = arith.addi %mul3A_130, %add3A_131 : i32
    "tpu.region"() ({
      %run_scoped3A_145 = tpu.sem_alloc : memref<!tpu.dma_semaphore, #tpu.memory_space<semaphore_mem>>
      %dma_start3A_146 = arith.constant 0 : i32
      %dma_start3A_147 = tpu.memref_slice %arg14[%add3A_132, %dma_start3A_146] : memref<10240x32xf32, #tpu.memory_space<vmem_shared>> -> memref<128x32xf32, #tpu.memory_space<vmem_shared>>
      %dma_start3A_148 = arith.constant 0 : i32
      %dma_start3A_149 = tpu.memref_slice %arg14[%add3A_132, %dma_start3A_148] : memref<10240x32xf32, #tpu.memory_space<vmem_shared>> -> memref<128x32xf32, #tpu.memory_space<vmem_shared>>
      tpu.enqueue_dma source(%dma_start3A_149 : memref<128x32xf32, #tpu.memory_space<vmem_shared>>) target(%arg13 : memref<128x32xf32, #tpu.memory_space<vmem>>) target_semaphore(%run_scoped3A_145 : memref<!tpu.dma_semaphore, #tpu.memory_space<semaphore_mem>>)
      %dma_wait3A_150 = arith.constant 0 : i32
      %dma_wait3A_151 = tpu.memref_slice %arg14[%add3A_132, %dma_wait3A_150] : memref<10240x32xf32, #tpu.memory_space<vmem_shared>> -> memref<128x32xf32, #tpu.memory_space<vmem_shared>>
      %dma_wait3A_152 = arith.constant 0 : i32
      %dma_wait3A_153 = tpu.memref_slice %arg14[%add3A_132, %dma_wait3A_152] : memref<10240x32xf32, #tpu.memory_space<vmem_shared>> -> memref<128x32xf32, #tpu.memory_space<vmem_shared>>
      tpu.wait_dma2 semaphore(%run_scoped3A_145 : memref<!tpu.dma_semaphore, #tpu.memory_space<semaphore_mem>>) src(%dma_wait3A_153 : memref<128x32xf32, #tpu.memory_space<vmem_shared>>) dst(%arg13 : memref<128x32xf32, #tpu.memory_space<vmem>>)
      tpu.yield
    }) : () -> ()
    %mul3A_133 = arith.constant 640 : i32
    %mul3A_134 = arith.muli %arg1, %mul3A_133 : i32
    %add3A_135 = arith.constant 384 : i32
    %add3A_136 = arith.addi %mul3A_134, %add3A_135 : i32
    "tpu.region"() ({
      %run_scoped3A_145 = tpu.sem_alloc : memref<!tpu.dma_semaphore, #tpu.memory_space<semaphore_mem>>
      %dma_start3A_146 = arith.constant 0 : i32
      %dma_start3A_147 = tpu.memref_slice %arg5[%arg0, %add3A_136, %dma_start3A_146] : memref<2x10240x32xf32, #tpu.memory_space<hbm>> -> memref<1x128x32xf32, #tpu.memory_space<hbm>>
      %dma_start3A_148 = tpu.memref_squeeze %dma_start3A_147 : memref<1x128x32xf32, #tpu.memory_space<hbm>> -> memref<128x32xf32, #tpu.memory_space<hbm>>
      %dma_start3A_149 = arith.constant 0 : i32
      %dma_start3A_150 = tpu.memref_slice %arg5[%arg0, %add3A_136, %dma_start3A_149] : memref<2x10240x32xf32, #tpu.memory_space<hbm>> -> memref<1x128x32xf32, #tpu.memory_space<hbm>>
      %dma_start3A_151 = tpu.memref_squeeze %dma_start3A_150 : memref<1x128x32xf32, #tpu.memory_space<hbm>> -> memref<128x32xf32, #tpu.memory_space<hbm>>
      tpu.enqueue_dma source(%arg13 : memref<128x32xf32, #tpu.memory_space<vmem>>) target(%dma_start3A_151 : memref<128x32xf32, #tpu.memory_space<hbm>>) target_semaphore(%run_scoped3A_145 : memref<!tpu.dma_semaphore, #tpu.memory_space<semaphore_mem>>)
      %dma_wait3A_152 = arith.constant 0 : i32
      %dma_wait3A_153 = tpu.memref_slice %arg5[%arg0, %add3A_136, %dma_wait3A_152] : memref<2x10240x32xf32, #tpu.memory_space<hbm>> -> memref<1x128x32xf32, #tpu.memory_space<hbm>>
      %dma_wait3A_154 = tpu.memref_squeeze %dma_wait3A_153 : memref<1x128x32xf32, #tpu.memory_space<hbm>> -> memref<128x32xf32, #tpu.memory_space<hbm>>
      %dma_wait3A_155 = arith.constant 0 : i32
      %dma_wait3A_156 = tpu.memref_slice %arg5[%arg0, %add3A_136, %dma_wait3A_155] : memref<2x10240x32xf32, #tpu.memory_space<hbm>> -> memref<1x128x32xf32, #tpu.memory_space<hbm>>
      %dma_wait3A_157 = tpu.memref_squeeze %dma_wait3A_156 : memref<1x128x32xf32, #tpu.memory_space<hbm>> -> memref<128x32xf32, #tpu.memory_space<hbm>>
      tpu.wait_dma2 semaphore(%run_scoped3A_145 : memref<!tpu.dma_semaphore, #tpu.memory_space<semaphore_mem>>) src(%arg13 : memref<128x32xf32, #tpu.memory_space<vmem>>) dst(%dma_wait3A_157 : memref<128x32xf32, #tpu.memory_space<hbm>>)
      tpu.yield
    }) : () -> ()
    %mul3A_137 = arith.constant 640 : i32
    %mul3A_138 = arith.muli %arg1, %mul3A_137 : i32
    %add3A_139 = arith.constant 512 : i32
    %add3A_140 = arith.addi %mul3A_138, %add3A_139 : i32
    "tpu.region"() ({
      %run_scoped3A_145 = tpu.sem_alloc : memref<!tpu.dma_semaphore, #tpu.memory_space<semaphore_mem>>
      %dma_start3A_146 = arith.constant 0 : i32
      %dma_start3A_147 = tpu.memref_slice %arg14[%add3A_140, %dma_start3A_146] : memref<10240x32xf32, #tpu.memory_space<vmem_shared>> -> memref<128x32xf32, #tpu.memory_space<vmem_shared>>
      %dma_start3A_148 = arith.constant 0 : i32
      %dma_start3A_149 = tpu.memref_slice %arg14[%add3A_140, %dma_start3A_148] : memref<10240x32xf32, #tpu.memory_space<vmem_shared>> -> memref<128x32xf32, #tpu.memory_space<vmem_shared>>
      tpu.enqueue_dma source(%dma_start3A_149 : memref<128x32xf32, #tpu.memory_space<vmem_shared>>) target(%arg13 : memref<128x32xf32, #tpu.memory_space<vmem>>) target_semaphore(%run_scoped3A_145 : memref<!tpu.dma_semaphore, #tpu.memory_space<semaphore_mem>>)
      %dma_wait3A_150 = arith.constant 0 : i32
      %dma_wait3A_151 = tpu.memref_slice %arg14[%add3A_140, %dma_wait3A_150] : memref<10240x32xf32, #tpu.memory_space<vmem_shared>> -> memref<128x32xf32, #tpu.memory_space<vmem_shared>>
      %dma_wait3A_152 = arith.constant 0 : i32
      %dma_wait3A_153 = tpu.memref_slice %arg14[%add3A_140, %dma_wait3A_152] : memref<10240x32xf32, #tpu.memory_space<vmem_shared>> -> memref<128x32xf32, #tpu.memory_space<vmem_shared>>
      tpu.wait_dma2 semaphore(%run_scoped3A_145 : memref<!tpu.dma_semaphore, #tpu.memory_space<semaphore_mem>>) src(%dma_wait3A_153 : memref<128x32xf32, #tpu.memory_space<vmem_shared>>) dst(%arg13 : memref<128x32xf32, #tpu.memory_space<vmem>>)
      tpu.yield
    }) : () -> ()
    %mul3A_141 = arith.constant 640 : i32
    %mul3A_142 = arith.muli %arg1, %mul3A_141 : i32
    %add3A_143 = arith.constant 512 : i32
    %add3A_144 = arith.addi %mul3A_142, %add3A_143 : i32
    "tpu.region"() ({
      %run_scoped3A_145 = tpu.sem_alloc : memref<!tpu.dma_semaphore, #tpu.memory_space<semaphore_mem>>
      %dma_start3A_146 = arith.constant 0 : i32
      %dma_start3A_147 = tpu.memref_slice %arg5[%arg0, %add3A_144, %dma_start3A_146] : memref<2x10240x32xf32, #tpu.memory_space<hbm>> -> memref<1x128x32xf32, #tpu.memory_space<hbm>>
      %dma_start3A_148 = tpu.memref_squeeze %dma_start3A_147 : memref<1x128x32xf32, #tpu.memory_space<hbm>> -> memref<128x32xf32, #tpu.memory_space<hbm>>
      %dma_start3A_149 = arith.constant 0 : i32
      %dma_start3A_150 = tpu.memref_slice %arg5[%arg0, %add3A_144, %dma_start3A_149] : memref<2x10240x32xf32, #tpu.memory_space<hbm>> -> memref<1x128x32xf32, #tpu.memory_space<hbm>>
      %dma_start3A_151 = tpu.memref_squeeze %dma_start3A_150 : memref<1x128x32xf32, #tpu.memory_space<hbm>> -> memref<128x32xf32, #tpu.memory_space<hbm>>
      tpu.enqueue_dma source(%arg13 : memref<128x32xf32, #tpu.memory_space<vmem>>) target(%dma_start3A_151 : memref<128x32xf32, #tpu.memory_space<hbm>>) target_semaphore(%run_scoped3A_145 : memref<!tpu.dma_semaphore, #tpu.memory_space<semaphore_mem>>)
      %dma_wait3A_152 = arith.constant 0 : i32
      %dma_wait3A_153 = tpu.memref_slice %arg5[%arg0, %add3A_144, %dma_wait3A_152] : memref<2x10240x32xf32, #tpu.memory_space<hbm>> -> memref<1x128x32xf32, #tpu.memory_space<hbm>>
      %dma_wait3A_154 = tpu.memref_squeeze %dma_wait3A_153 : memref<1x128x32xf32, #tpu.memory_space<hbm>> -> memref<128x32xf32, #tpu.memory_space<hbm>>
      %dma_wait3A_155 = arith.constant 0 : i32
      %dma_wait3A_156 = tpu.memref_slice %arg5[%arg0, %add3A_144, %dma_wait3A_155] : memref<2x10240x32xf32, #tpu.memory_space<hbm>> -> memref<1x128x32xf32, #tpu.memory_space<hbm>>
      %dma_wait3A_157 = tpu.memref_squeeze %dma_wait3A_156 : memref<1x128x32xf32, #tpu.memory_space<hbm>> -> memref<128x32xf32, #tpu.memory_space<hbm>>
      tpu.wait_dma2 semaphore(%run_scoped3A_145 : memref<!tpu.dma_semaphore, #tpu.memory_space<semaphore_mem>>) src(%arg13 : memref<128x32xf32, #tpu.memory_space<vmem>>) dst(%dma_wait3A_157 : memref<128x32xf32, #tpu.memory_space<hbm>>)
      tpu.yield
    }) : () -> ()
    return
  }
}

#map = affine_map<(d0, d1) -> (0, 0)>
#map1 = affine_map<(d0, d1) -> (0, 0, 0)>
module attributes {stable_mosaic.version = 14 : i64} {
  func.func @_agg(%arg0: i32, %arg1: i32, %arg2: memref<10000x64xf32, #tpu.memory_space<hbm>>, %arg3: memref<32x80x128xi32, #tpu.memory_space<hbm>>, %arg4: memref<32x80x128xi32, #tpu.memory_space<hbm>>, %arg5: memref<2x10240x64xf32, #tpu.memory_space<hbm>>, %arg6: memref<80x128xi32, #tpu.memory_space<vmem>>, %arg7: memref<80x128xi32, #tpu.memory_space<vmem>>, %arg8: memref<128x64xf32, #tpu.memory_space<vmem>>, %arg9: memref<128x64xf32, #tpu.memory_space<vmem>>, %arg10: memref<128x64xf32, #tpu.memory_space<vmem>>, %arg11: memref<128x64xf32, #tpu.memory_space<vmem>>, %arg12: memref<128x64xf32, #tpu.memory_space<vmem>>, %arg13: memref<128x64xf32, #tpu.memory_space<vmem>>, %arg14: memref<10240x64xf32, #tpu.memory_space<vmem_shared>>, %arg15: memref<!tpu.dma_semaphore, #tpu.memory_space<semaphore_mem>>, %arg16: memref<!tpu.dma_semaphore, #tpu.memory_space<semaphore_mem>>, %arg17: memref<!tpu.dma_semaphore, #tpu.memory_space<semaphore_mem>>, %arg18: memref<!tpu.dma_semaphore, #tpu.memory_space<semaphore_mem>>, %arg19: memref<!tpu.dma_semaphore, #tpu.memory_space<semaphore_mem>>) attributes {dimension_semantics = [#tpu.dimension_semantics<core_parallel>, #tpu.dimension_semantics<subcore_parallel>], iteration_bounds = array<i64: 2, 16>, scalar_prefetch = 0 : i64, scratch_operands = 14 : i64, tpu.core_type = #tpu.core_type<sc_vector_subcore>, window_params = [{transform_indices = #map}, {transform_indices = #map1}, {transform_indices = #map1}, {transform_indices = #map1}]} {
    %mul3A = arith.constant 2 : i32
    %mul3A_0 = arith.muli %arg1, %mul3A : i32
    %add3A = arith.addi %mul3A_0, %arg0 : i32
    %scan3A = arith.constant 0 : i32
    %scan3A_1 = arith.constant 0 : i32
    %scan3A_2 = arith.constant 128 : i32
    %scan3A_3 = arith.addi %scan3A_1, %scan3A_2 : i32
    %scan3A_4 = arith.constant 1 : i32
    scf.for %scan3A_145 = %scan3A_1 to %scan3A_3 step %scan3A_4  : i32 {
      %broadcast_in_dim3A = arith.constant 0.000000e+00 : f32
      %broadcast_in_dim3A_146 = vector.broadcast %broadcast_in_dim3A : f32 to vector<16xf32>
      %swap3A = arith.index_cast %scan3A_145 : i32 to index
      %swap3A_147 = arith.constant 0 : index
      %swap3A_148 = tpu.vector_load %arg13[%swap3A, %swap3A_147] {strides = array<i32>} : memref<128x64xf32, #tpu.memory_space<vmem>>, vector<1x16xf32>,
      %swap3A_149 = vector.shape_cast %swap3A_148 : vector<1x16xf32> to vector<16xf32>
      %swap3A_150 = vector.shape_cast %broadcast_in_dim3A_146 : vector<16xf32> to vector<1x16xf32>
      tpu.vector_store %arg13[%swap3A, %swap3A_147], %swap3A_150 {strides = array<i32>} : memref<128x64xf32, #tpu.memory_space<vmem>>, vector<1x16xf32>,
      %broadcast_in_dim3A_151 = arith.constant 0.000000e+00 : f32
      %broadcast_in_dim3A_152 = vector.broadcast %broadcast_in_dim3A_151 : f32 to vector<16xf32>
      %swap3A_153 = arith.index_cast %scan3A_145 : i32 to index
      %swap3A_154 = arith.constant 16 : index
      %swap3A_155 = tpu.vector_load %arg13[%swap3A_153, %swap3A_154] {strides = array<i32>} : memref<128x64xf32, #tpu.memory_space<vmem>>, vector<1x16xf32>,
      %swap3A_156 = vector.shape_cast %swap3A_155 : vector<1x16xf32> to vector<16xf32>
      %swap3A_157 = vector.shape_cast %broadcast_in_dim3A_152 : vector<16xf32> to vector<1x16xf32>
      tpu.vector_store %arg13[%swap3A_153, %swap3A_154], %swap3A_157 {strides = array<i32>} : memref<128x64xf32, #tpu.memory_space<vmem>>, vector<1x16xf32>,
      %broadcast_in_dim3A_158 = arith.constant 0.000000e+00 : f32
      %broadcast_in_dim3A_159 = vector.broadcast %broadcast_in_dim3A_158 : f32 to vector<16xf32>
      %swap3A_160 = arith.index_cast %scan3A_145 : i32 to index
      %swap3A_161 = arith.constant 32 : index
      %swap3A_162 = tpu.vector_load %arg13[%swap3A_160, %swap3A_161] {strides = array<i32>} : memref<128x64xf32, #tpu.memory_space<vmem>>, vector<1x16xf32>,
      %swap3A_163 = vector.shape_cast %swap3A_162 : vector<1x16xf32> to vector<16xf32>
      %swap3A_164 = vector.shape_cast %broadcast_in_dim3A_159 : vector<16xf32> to vector<1x16xf32>
      tpu.vector_store %arg13[%swap3A_160, %swap3A_161], %swap3A_164 {strides = array<i32>} : memref<128x64xf32, #tpu.memory_space<vmem>>, vector<1x16xf32>,
      %broadcast_in_dim3A_165 = arith.constant 0.000000e+00 : f32
      %broadcast_in_dim3A_166 = vector.broadcast %broadcast_in_dim3A_165 : f32 to vector<16xf32>
      %swap3A_167 = arith.index_cast %scan3A_145 : i32 to index
      %swap3A_168 = arith.constant 48 : index
      %swap3A_169 = tpu.vector_load %arg13[%swap3A_167, %swap3A_168] {strides = array<i32>} : memref<128x64xf32, #tpu.memory_space<vmem>>, vector<1x16xf32>,
      %swap3A_170 = vector.shape_cast %swap3A_169 : vector<1x16xf32> to vector<16xf32>
      %swap3A_171 = vector.shape_cast %broadcast_in_dim3A_166 : vector<16xf32> to vector<1x16xf32>
      tpu.vector_store %arg13[%swap3A_167, %swap3A_168], %swap3A_171 {strides = array<i32>} : memref<128x64xf32, #tpu.memory_space<vmem>>, vector<1x16xf32>,
    }
    %scan3A_5 = arith.constant 128 : i32
    %mul3A_6 = arith.constant 640 : i32
    %mul3A_7 = arith.muli %arg1, %mul3A_6 : i32
    %add3A_8 = arith.constant 0 : i32
    %add3A_9 = arith.addi %mul3A_7, %add3A_8 : i32
    "tpu.region"() ({
      %run_scoped3A_145 = tpu.sem_alloc : memref<!tpu.dma_semaphore, #tpu.memory_space<semaphore_mem>>
      %dma_start3A_146 = arith.constant 0 : i32
      %dma_start3A_147 = tpu.memref_slice %arg14[%add3A_9, %dma_start3A_146] : memref<10240x64xf32, #tpu.memory_space<vmem_shared>> -> memref<128x64xf32, #tpu.memory_space<vmem_shared>>
      %dma_start3A_148 = arith.constant 0 : i32
      %dma_start3A_149 = tpu.memref_slice %arg14[%add3A_9, %dma_start3A_148] : memref<10240x64xf32, #tpu.memory_space<vmem_shared>> -> memref<128x64xf32, #tpu.memory_space<vmem_shared>>
      tpu.enqueue_dma source(%arg13 : memref<128x64xf32, #tpu.memory_space<vmem>>) target(%dma_start3A_149 : memref<128x64xf32, #tpu.memory_space<vmem_shared>>) target_semaphore(%run_scoped3A_145 : memref<!tpu.dma_semaphore, #tpu.memory_space<semaphore_mem>>)
      %dma_wait3A_150 = arith.constant 0 : i32
      %dma_wait3A_151 = tpu.memref_slice %arg14[%add3A_9, %dma_wait3A_150] : memref<10240x64xf32, #tpu.memory_space<vmem_shared>> -> memref<128x64xf32, #tpu.memory_space<vmem_shared>>
      %dma_wait3A_152 = arith.constant 0 : i32
      %dma_wait3A_153 = tpu.memref_slice %arg14[%add3A_9, %dma_wait3A_152] : memref<10240x64xf32, #tpu.memory_space<vmem_shared>> -> memref<128x64xf32, #tpu.memory_space<vmem_shared>>
      tpu.wait_dma2 semaphore(%run_scoped3A_145 : memref<!tpu.dma_semaphore, #tpu.memory_space<semaphore_mem>>) src(%arg13 : memref<128x64xf32, #tpu.memory_space<vmem>>) dst(%dma_wait3A_153 : memref<128x64xf32, #tpu.memory_space<vmem_shared>>)
      tpu.yield
    }) : () -> ()
    %mul3A_10 = arith.constant 640 : i32
    %mul3A_11 = arith.muli %arg1, %mul3A_10 : i32
    %add3A_12 = arith.constant 128 : i32
    %add3A_13 = arith.addi %mul3A_11, %add3A_12 : i32
    "tpu.region"() ({
      %run_scoped3A_145 = tpu.sem_alloc : memref<!tpu.dma_semaphore, #tpu.memory_space<semaphore_mem>>
      %dma_start3A_146 = arith.constant 0 : i32
      %dma_start3A_147 = tpu.memref_slice %arg14[%add3A_13, %dma_start3A_146] : memref<10240x64xf32, #tpu.memory_space<vmem_shared>> -> memref<128x64xf32, #tpu.memory_space<vmem_shared>>
      %dma_start3A_148 = arith.constant 0 : i32
      %dma_start3A_149 = tpu.memref_slice %arg14[%add3A_13, %dma_start3A_148] : memref<10240x64xf32, #tpu.memory_space<vmem_shared>> -> memref<128x64xf32, #tpu.memory_space<vmem_shared>>
      tpu.enqueue_dma source(%arg13 : memref<128x64xf32, #tpu.memory_space<vmem>>) target(%dma_start3A_149 : memref<128x64xf32, #tpu.memory_space<vmem_shared>>) target_semaphore(%run_scoped3A_145 : memref<!tpu.dma_semaphore, #tpu.memory_space<semaphore_mem>>)
      %dma_wait3A_150 = arith.constant 0 : i32
      %dma_wait3A_151 = tpu.memref_slice %arg14[%add3A_13, %dma_wait3A_150] : memref<10240x64xf32, #tpu.memory_space<vmem_shared>> -> memref<128x64xf32, #tpu.memory_space<vmem_shared>>
      %dma_wait3A_152 = arith.constant 0 : i32
      %dma_wait3A_153 = tpu.memref_slice %arg14[%add3A_13, %dma_wait3A_152] : memref<10240x64xf32, #tpu.memory_space<vmem_shared>> -> memref<128x64xf32, #tpu.memory_space<vmem_shared>>
      tpu.wait_dma2 semaphore(%run_scoped3A_145 : memref<!tpu.dma_semaphore, #tpu.memory_space<semaphore_mem>>) src(%arg13 : memref<128x64xf32, #tpu.memory_space<vmem>>) dst(%dma_wait3A_153 : memref<128x64xf32, #tpu.memory_space<vmem_shared>>)
      tpu.yield
    }) : () -> ()
    %mul3A_14 = arith.constant 640 : i32
    %mul3A_15 = arith.muli %arg1, %mul3A_14 : i32
    %add3A_16 = arith.constant 256 : i32
    %add3A_17 = arith.addi %mul3A_15, %add3A_16 : i32
    "tpu.region"() ({
      %run_scoped3A_145 = tpu.sem_alloc : memref<!tpu.dma_semaphore, #tpu.memory_space<semaphore_mem>>
      %dma_start3A_146 = arith.constant 0 : i32
      %dma_start3A_147 = tpu.memref_slice %arg14[%add3A_17, %dma_start3A_146] : memref<10240x64xf32, #tpu.memory_space<vmem_shared>> -> memref<128x64xf32, #tpu.memory_space<vmem_shared>>
      %dma_start3A_148 = arith.constant 0 : i32
      %dma_start3A_149 = tpu.memref_slice %arg14[%add3A_17, %dma_start3A_148] : memref<10240x64xf32, #tpu.memory_space<vmem_shared>> -> memref<128x64xf32, #tpu.memory_space<vmem_shared>>
      tpu.enqueue_dma source(%arg13 : memref<128x64xf32, #tpu.memory_space<vmem>>) target(%dma_start3A_149 : memref<128x64xf32, #tpu.memory_space<vmem_shared>>) target_semaphore(%run_scoped3A_145 : memref<!tpu.dma_semaphore, #tpu.memory_space<semaphore_mem>>)
      %dma_wait3A_150 = arith.constant 0 : i32
      %dma_wait3A_151 = tpu.memref_slice %arg14[%add3A_17, %dma_wait3A_150] : memref<10240x64xf32, #tpu.memory_space<vmem_shared>> -> memref<128x64xf32, #tpu.memory_space<vmem_shared>>
      %dma_wait3A_152 = arith.constant 0 : i32
      %dma_wait3A_153 = tpu.memref_slice %arg14[%add3A_17, %dma_wait3A_152] : memref<10240x64xf32, #tpu.memory_space<vmem_shared>> -> memref<128x64xf32, #tpu.memory_space<vmem_shared>>
      tpu.wait_dma2 semaphore(%run_scoped3A_145 : memref<!tpu.dma_semaphore, #tpu.memory_space<semaphore_mem>>) src(%arg13 : memref<128x64xf32, #tpu.memory_space<vmem>>) dst(%dma_wait3A_153 : memref<128x64xf32, #tpu.memory_space<vmem_shared>>)
      tpu.yield
    }) : () -> ()
    %mul3A_18 = arith.constant 640 : i32
    %mul3A_19 = arith.muli %arg1, %mul3A_18 : i32
    %add3A_20 = arith.constant 384 : i32
    %add3A_21 = arith.addi %mul3A_19, %add3A_20 : i32
    "tpu.region"() ({
      %run_scoped3A_145 = tpu.sem_alloc : memref<!tpu.dma_semaphore, #tpu.memory_space<semaphore_mem>>
      %dma_start3A_146 = arith.constant 0 : i32
      %dma_start3A_147 = tpu.memref_slice %arg14[%add3A_21, %dma_start3A_146] : memref<10240x64xf32, #tpu.memory_space<vmem_shared>> -> memref<128x64xf32, #tpu.memory_space<vmem_shared>>
      %dma_start3A_148 = arith.constant 0 : i32
      %dma_start3A_149 = tpu.memref_slice %arg14[%add3A_21, %dma_start3A_148] : memref<10240x64xf32, #tpu.memory_space<vmem_shared>> -> memref<128x64xf32, #tpu.memory_space<vmem_shared>>
      tpu.enqueue_dma source(%arg13 : memref<128x64xf32, #tpu.memory_space<vmem>>) target(%dma_start3A_149 : memref<128x64xf32, #tpu.memory_space<vmem_shared>>) target_semaphore(%run_scoped3A_145 : memref<!tpu.dma_semaphore, #tpu.memory_space<semaphore_mem>>)
      %dma_wait3A_150 = arith.constant 0 : i32
      %dma_wait3A_151 = tpu.memref_slice %arg14[%add3A_21, %dma_wait3A_150] : memref<10240x64xf32, #tpu.memory_space<vmem_shared>> -> memref<128x64xf32, #tpu.memory_space<vmem_shared>>
      %dma_wait3A_152 = arith.constant 0 : i32
      %dma_wait3A_153 = tpu.memref_slice %arg14[%add3A_21, %dma_wait3A_152] : memref<10240x64xf32, #tpu.memory_space<vmem_shared>> -> memref<128x64xf32, #tpu.memory_space<vmem_shared>>
      tpu.wait_dma2 semaphore(%run_scoped3A_145 : memref<!tpu.dma_semaphore, #tpu.memory_space<semaphore_mem>>) src(%arg13 : memref<128x64xf32, #tpu.memory_space<vmem>>) dst(%dma_wait3A_153 : memref<128x64xf32, #tpu.memory_space<vmem_shared>>)
      tpu.yield
    }) : () -> ()
    %mul3A_22 = arith.constant 640 : i32
    %mul3A_23 = arith.muli %arg1, %mul3A_22 : i32
    %add3A_24 = arith.constant 512 : i32
    %add3A_25 = arith.addi %mul3A_23, %add3A_24 : i32
    "tpu.region"() ({
      %run_scoped3A_145 = tpu.sem_alloc : memref<!tpu.dma_semaphore, #tpu.memory_space<semaphore_mem>>
      %dma_start3A_146 = arith.constant 0 : i32
      %dma_start3A_147 = tpu.memref_slice %arg14[%add3A_25, %dma_start3A_146] : memref<10240x64xf32, #tpu.memory_space<vmem_shared>> -> memref<128x64xf32, #tpu.memory_space<vmem_shared>>
      %dma_start3A_148 = arith.constant 0 : i32
      %dma_start3A_149 = tpu.memref_slice %arg14[%add3A_25, %dma_start3A_148] : memref<10240x64xf32, #tpu.memory_space<vmem_shared>> -> memref<128x64xf32, #tpu.memory_space<vmem_shared>>
      tpu.enqueue_dma source(%arg13 : memref<128x64xf32, #tpu.memory_space<vmem>>) target(%dma_start3A_149 : memref<128x64xf32, #tpu.memory_space<vmem_shared>>) target_semaphore(%run_scoped3A_145 : memref<!tpu.dma_semaphore, #tpu.memory_space<semaphore_mem>>)
      %dma_wait3A_150 = arith.constant 0 : i32
      %dma_wait3A_151 = tpu.memref_slice %arg14[%add3A_25, %dma_wait3A_150] : memref<10240x64xf32, #tpu.memory_space<vmem_shared>> -> memref<128x64xf32, #tpu.memory_space<vmem_shared>>
      %dma_wait3A_152 = arith.constant 0 : i32
      %dma_wait3A_153 = tpu.memref_slice %arg14[%add3A_25, %dma_wait3A_152] : memref<10240x64xf32, #tpu.memory_space<vmem_shared>> -> memref<128x64xf32, #tpu.memory_space<vmem_shared>>
      tpu.wait_dma2 semaphore(%run_scoped3A_145 : memref<!tpu.dma_semaphore, #tpu.memory_space<semaphore_mem>>) src(%arg13 : memref<128x64xf32, #tpu.memory_space<vmem>>) dst(%dma_wait3A_153 : memref<128x64xf32, #tpu.memory_space<vmem_shared>>)
      tpu.yield
    }) : () -> ()
    %barrier3A = arith.constant 0 : index
    tpu.barrier barrier_id(%barrier3A)
    "tpu.region"() ({
      %run_scoped3A_145 = tpu.sem_alloc : memref<!tpu.dma_semaphore, #tpu.memory_space<semaphore_mem>>
      %dma_start3A_146 = arith.constant 0 : i32
      %dma_start3A_147 = arith.constant 0 : i32
      %dma_start3A_148 = tpu.memref_slice %arg3[%add3A, %dma_start3A_146, %dma_start3A_147] : memref<32x80x128xi32, #tpu.memory_space<hbm>> -> memref<1x80x128xi32, #tpu.memory_space<hbm>>
      %dma_start3A_149 = tpu.memref_squeeze %dma_start3A_148 : memref<1x80x128xi32, #tpu.memory_space<hbm>> -> memref<80x128xi32, #tpu.memory_space<hbm>>
      %dma_start3A_150 = arith.constant 0 : i32
      %dma_start3A_151 = arith.constant 0 : i32
      %dma_start3A_152 = tpu.memref_slice %arg3[%add3A, %dma_start3A_150, %dma_start3A_151] : memref<32x80x128xi32, #tpu.memory_space<hbm>> -> memref<1x80x128xi32, #tpu.memory_space<hbm>>
      %dma_start3A_153 = tpu.memref_squeeze %dma_start3A_152 : memref<1x80x128xi32, #tpu.memory_space<hbm>> -> memref<80x128xi32, #tpu.memory_space<hbm>>
      tpu.enqueue_dma source(%dma_start3A_153 : memref<80x128xi32, #tpu.memory_space<hbm>>) target(%arg6 : memref<80x128xi32, #tpu.memory_space<vmem>>) target_semaphore(%run_scoped3A_145 : memref<!tpu.dma_semaphore, #tpu.memory_space<semaphore_mem>>)
      %dma_wait3A_154 = arith.constant 0 : i32
      %dma_wait3A_155 = arith.constant 0 : i32
      %dma_wait3A_156 = tpu.memref_slice %arg3[%add3A, %dma_wait3A_154, %dma_wait3A_155] : memref<32x80x128xi32, #tpu.memory_space<hbm>> -> memref<1x80x128xi32, #tpu.memory_space<hbm>>
      %dma_wait3A_157 = tpu.memref_squeeze %dma_wait3A_156 : memref<1x80x128xi32, #tpu.memory_space<hbm>> -> memref<80x128xi32, #tpu.memory_space<hbm>>
      %dma_wait3A_158 = arith.constant 0 : i32
      %dma_wait3A_159 = arith.constant 0 : i32
      %dma_wait3A_160 = tpu.memref_slice %arg3[%add3A, %dma_wait3A_158, %dma_wait3A_159] : memref<32x80x128xi32, #tpu.memory_space<hbm>> -> memref<1x80x128xi32, #tpu.memory_space<hbm>>
      %dma_wait3A_161 = tpu.memref_squeeze %dma_wait3A_160 : memref<1x80x128xi32, #tpu.memory_space<hbm>> -> memref<80x128xi32, #tpu.memory_space<hbm>>
      tpu.wait_dma2 semaphore(%run_scoped3A_145 : memref<!tpu.dma_semaphore, #tpu.memory_space<semaphore_mem>>) src(%dma_wait3A_161 : memref<80x128xi32, #tpu.memory_space<hbm>>) dst(%arg6 : memref<80x128xi32, #tpu.memory_space<vmem>>)
      tpu.yield
    }) : () -> ()
    "tpu.region"() ({
      %run_scoped3A_145 = tpu.sem_alloc : memref<!tpu.dma_semaphore, #tpu.memory_space<semaphore_mem>>
      %dma_start3A_146 = arith.constant 0 : i32
      %dma_start3A_147 = arith.constant 0 : i32
      %dma_start3A_148 = tpu.memref_slice %arg4[%add3A, %dma_start3A_146, %dma_start3A_147] : memref<32x80x128xi32, #tpu.memory_space<hbm>> -> memref<1x80x128xi32, #tpu.memory_space<hbm>>
      %dma_start3A_149 = tpu.memref_squeeze %dma_start3A_148 : memref<1x80x128xi32, #tpu.memory_space<hbm>> -> memref<80x128xi32, #tpu.memory_space<hbm>>
      %dma_start3A_150 = arith.constant 0 : i32
      %dma_start3A_151 = arith.constant 0 : i32
      %dma_start3A_152 = tpu.memref_slice %arg4[%add3A, %dma_start3A_150, %dma_start3A_151] : memref<32x80x128xi32, #tpu.memory_space<hbm>> -> memref<1x80x128xi32, #tpu.memory_space<hbm>>
      %dma_start3A_153 = tpu.memref_squeeze %dma_start3A_152 : memref<1x80x128xi32, #tpu.memory_space<hbm>> -> memref<80x128xi32, #tpu.memory_space<hbm>>
      tpu.enqueue_dma source(%dma_start3A_153 : memref<80x128xi32, #tpu.memory_space<hbm>>) target(%arg7 : memref<80x128xi32, #tpu.memory_space<vmem>>) target_semaphore(%run_scoped3A_145 : memref<!tpu.dma_semaphore, #tpu.memory_space<semaphore_mem>>)
      %dma_wait3A_154 = arith.constant 0 : i32
      %dma_wait3A_155 = arith.constant 0 : i32
      %dma_wait3A_156 = tpu.memref_slice %arg4[%add3A, %dma_wait3A_154, %dma_wait3A_155] : memref<32x80x128xi32, #tpu.memory_space<hbm>> -> memref<1x80x128xi32, #tpu.memory_space<hbm>>
      %dma_wait3A_157 = tpu.memref_squeeze %dma_wait3A_156 : memref<1x80x128xi32, #tpu.memory_space<hbm>> -> memref<80x128xi32, #tpu.memory_space<hbm>>
      %dma_wait3A_158 = arith.constant 0 : i32
      %dma_wait3A_159 = arith.constant 0 : i32
      %dma_wait3A_160 = tpu.memref_slice %arg4[%add3A, %dma_wait3A_158, %dma_wait3A_159] : memref<32x80x128xi32, #tpu.memory_space<hbm>> -> memref<1x80x128xi32, #tpu.memory_space<hbm>>
      %dma_wait3A_161 = tpu.memref_squeeze %dma_wait3A_160 : memref<1x80x128xi32, #tpu.memory_space<hbm>> -> memref<80x128xi32, #tpu.memory_space<hbm>>
      tpu.wait_dma2 semaphore(%run_scoped3A_145 : memref<!tpu.dma_semaphore, #tpu.memory_space<semaphore_mem>>) src(%dma_wait3A_161 : memref<80x128xi32, #tpu.memory_space<hbm>>) dst(%arg7 : memref<80x128xi32, #tpu.memory_space<vmem>>)
      tpu.yield
    }) : () -> ()
    %dma_start3A = arith.constant 0 : i32
    %dma_start3A_26 = arith.constant 0 : i32
    %dma_start3A_27 = tpu.memref_slice %arg6[%dma_start3A, %dma_start3A_26] : memref<80x128xi32, #tpu.memory_space<vmem>> -> memref<1x128xi32, #tpu.memory_space<vmem>>
    %dma_start3A_28 = tpu.memref_squeeze %dma_start3A_27 : memref<1x128xi32, #tpu.memory_space<vmem>> -> memref<128xi32, #tpu.memory_space<vmem>>
    %dma_start3A_29 = arith.constant 0 : i32
    %dma_start3A_30 = arith.constant 0 : i32
    %dma_start3A_31 = tpu.memref_slice %arg2[%dma_start3A_29, %dma_start3A_30] : memref<10000x64xf32, #tpu.memory_space<hbm>> -> memref<10000x64xf32, #tpu.memory_space<hbm>>
    tpu.enqueue_indirect_dma source(%dma_start3A_31 : memref<10000x64xf32, #tpu.memory_space<hbm>>) target(%arg8 : memref<128x64xf32, #tpu.memory_space<vmem>>) offsets(%dma_start3A_28 : memref<128xi32, #tpu.memory_space<vmem>>) semaphore(%arg15 : memref<!tpu.dma_semaphore, #tpu.memory_space<semaphore_mem>>)
    %dma_start3A_32 = arith.constant 1 : i32
    %dma_start3A_33 = arith.constant 0 : i32
    %dma_start3A_34 = tpu.memref_slice %arg6[%dma_start3A_32, %dma_start3A_33] : memref<80x128xi32, #tpu.memory_space<vmem>> -> memref<1x128xi32, #tpu.memory_space<vmem>>
    %dma_start3A_35 = tpu.memref_squeeze %dma_start3A_34 : memref<1x128xi32, #tpu.memory_space<vmem>> -> memref<128xi32, #tpu.memory_space<vmem>>
    %dma_start3A_36 = arith.constant 0 : i32
    %dma_start3A_37 = arith.constant 0 : i32
    %dma_start3A_38 = tpu.memref_slice %arg2[%dma_start3A_36, %dma_start3A_37] : memref<10000x64xf32, #tpu.memory_space<hbm>> -> memref<10000x64xf32, #tpu.memory_space<hbm>>
    tpu.enqueue_indirect_dma source(%dma_start3A_38 : memref<10000x64xf32, #tpu.memory_space<hbm>>) target(%arg9 : memref<128x64xf32, #tpu.memory_space<vmem>>) offsets(%dma_start3A_35 : memref<128xi32, #tpu.memory_space<vmem>>) semaphore(%arg16 : memref<!tpu.dma_semaphore, #tpu.memory_space<semaphore_mem>>)
    %dma_start3A_39 = arith.constant 2 : i32
    %dma_start3A_40 = arith.constant 0 : i32
    %dma_start3A_41 = tpu.memref_slice %arg6[%dma_start3A_39, %dma_start3A_40] : memref<80x128xi32, #tpu.memory_space<vmem>> -> memref<1x128xi32, #tpu.memory_space<vmem>>
    %dma_start3A_42 = tpu.memref_squeeze %dma_start3A_41 : memref<1x128xi32, #tpu.memory_space<vmem>> -> memref<128xi32, #tpu.memory_space<vmem>>
    %dma_start3A_43 = arith.constant 0 : i32
    %dma_start3A_44 = arith.constant 0 : i32
    %dma_start3A_45 = tpu.memref_slice %arg2[%dma_start3A_43, %dma_start3A_44] : memref<10000x64xf32, #tpu.memory_space<hbm>> -> memref<10000x64xf32, #tpu.memory_space<hbm>>
    tpu.enqueue_indirect_dma source(%dma_start3A_45 : memref<10000x64xf32, #tpu.memory_space<hbm>>) target(%arg10 : memref<128x64xf32, #tpu.memory_space<vmem>>) offsets(%dma_start3A_42 : memref<128xi32, #tpu.memory_space<vmem>>) semaphore(%arg17 : memref<!tpu.dma_semaphore, #tpu.memory_space<semaphore_mem>>)
    %dma_start3A_46 = arith.constant 3 : i32
    %dma_start3A_47 = arith.constant 0 : i32
    %dma_start3A_48 = tpu.memref_slice %arg6[%dma_start3A_46, %dma_start3A_47] : memref<80x128xi32, #tpu.memory_space<vmem>> -> memref<1x128xi32, #tpu.memory_space<vmem>>
    %dma_start3A_49 = tpu.memref_squeeze %dma_start3A_48 : memref<1x128xi32, #tpu.memory_space<vmem>> -> memref<128xi32, #tpu.memory_space<vmem>>
    %dma_start3A_50 = arith.constant 0 : i32
    %dma_start3A_51 = arith.constant 0 : i32
    %dma_start3A_52 = tpu.memref_slice %arg2[%dma_start3A_50, %dma_start3A_51] : memref<10000x64xf32, #tpu.memory_space<hbm>> -> memref<10000x64xf32, #tpu.memory_space<hbm>>
    tpu.enqueue_indirect_dma source(%dma_start3A_52 : memref<10000x64xf32, #tpu.memory_space<hbm>>) target(%arg11 : memref<128x64xf32, #tpu.memory_space<vmem>>) offsets(%dma_start3A_49 : memref<128xi32, #tpu.memory_space<vmem>>) semaphore(%arg18 : memref<!tpu.dma_semaphore, #tpu.memory_space<semaphore_mem>>)
    %dma_start3A_53 = arith.constant 4 : i32
    %dma_start3A_54 = arith.constant 0 : i32
    %dma_start3A_55 = tpu.memref_slice %arg6[%dma_start3A_53, %dma_start3A_54] : memref<80x128xi32, #tpu.memory_space<vmem>> -> memref<1x128xi32, #tpu.memory_space<vmem>>
    %dma_start3A_56 = tpu.memref_squeeze %dma_start3A_55 : memref<1x128xi32, #tpu.memory_space<vmem>> -> memref<128xi32, #tpu.memory_space<vmem>>
    %dma_start3A_57 = arith.constant 0 : i32
    %dma_start3A_58 = arith.constant 0 : i32
    %dma_start3A_59 = tpu.memref_slice %arg2[%dma_start3A_57, %dma_start3A_58] : memref<10000x64xf32, #tpu.memory_space<hbm>> -> memref<10000x64xf32, #tpu.memory_space<hbm>>
    tpu.enqueue_indirect_dma source(%dma_start3A_59 : memref<10000x64xf32, #tpu.memory_space<hbm>>) target(%arg12 : memref<128x64xf32, #tpu.memory_space<vmem>>) offsets(%dma_start3A_56 : memref<128xi32, #tpu.memory_space<vmem>>) semaphore(%arg19 : memref<!tpu.dma_semaphore, #tpu.memory_space<semaphore_mem>>)
    %scan3A_60 = arith.constant 0 : i32
    %scan3A_61 = arith.constant 0 : i32
    %scan3A_62 = arith.constant 15 : i32
    %scan3A_63 = arith.addi %scan3A_61, %scan3A_62 : i32
    %scan3A_64 = arith.constant 1 : i32
    scf.for %scan3A_145 = %scan3A_61 to %scan3A_63 step %scan3A_64  : i32 {
      %mul3A_146 = arith.constant 5 : i32
      %mul3A_147 = arith.muli %scan3A_145, %mul3A_146 : i32
      %add3A_148 = arith.constant 0 : i32
      %add3A_149 = arith.addi %mul3A_147, %add3A_148 : i32
      %dma_wait3A_150 = arith.constant 0 : i32
      %dma_wait3A_151 = tpu.memref_slice %arg6[%add3A_149, %dma_wait3A_150] : memref<80x128xi32, #tpu.memory_space<vmem>> -> memref<1x128xi32, #tpu.memory_space<vmem>>
      %dma_wait3A_152 = tpu.memref_squeeze %dma_wait3A_151 : memref<1x128xi32, #tpu.memory_space<vmem>> -> memref<128xi32, #tpu.memory_space<vmem>>
      %dma_wait3A_153 = arith.constant 0 : i32
      %dma_wait3A_154 = arith.constant 0 : i32
      %dma_wait3A_155 = tpu.memref_slice %arg2[%dma_wait3A_153, %dma_wait3A_154] : memref<10000x64xf32, #tpu.memory_space<hbm>> -> memref<10000x64xf32, #tpu.memory_space<hbm>>
      tpu.wait_indirect_dma semaphore(%arg15 : memref<!tpu.dma_semaphore, #tpu.memory_space<semaphore_mem>>) src(%dma_wait3A_155 : memref<10000x64xf32, #tpu.memory_space<hbm>>) dst(%arg8 : memref<128x64xf32, #tpu.memory_space<vmem>>)
      "tpu.region"() ({
        %run_scoped3A_236 = tpu.sem_alloc : memref<!tpu.dma_semaphore, #tpu.memory_space<semaphore_mem>>
        %dma_start3A_237 = arith.constant 0 : i32
        %dma_start3A_238 = tpu.memref_slice %arg7[%add3A_149, %dma_start3A_237] : memref<80x128xi32, #tpu.memory_space<vmem>> -> memref<1x128xi32, #tpu.memory_space<vmem>>
        %dma_start3A_239 = tpu.memref_squeeze %dma_start3A_238 : memref<1x128xi32, #tpu.memory_space<vmem>> -> memref<128xi32, #tpu.memory_space<vmem>>
        %dma_start3A_240 = arith.constant 0 : i32
        %dma_start3A_241 = arith.constant 0 : i32
        %dma_start3A_242 = tpu.memref_slice %arg14[%dma_start3A_240, %dma_start3A_241] : memref<10240x64xf32, #tpu.memory_space<vmem_shared>> -> memref<10240x64xf32, #tpu.memory_space<vmem_shared>>
        tpu.enqueue_indirect_dma source(%arg8 : memref<128x64xf32, #tpu.memory_space<vmem>>) target(%dma_start3A_242 : memref<10240x64xf32, #tpu.memory_space<vmem_shared>>) offsets(%dma_start3A_239 : memref<128xi32, #tpu.memory_space<vmem>>) semaphore(%run_scoped3A_236 : memref<!tpu.dma_semaphore, #tpu.memory_space<semaphore_mem>>) {add = true}
        %dma_wait3A_243 = arith.constant 0 : i32
        %dma_wait3A_244 = tpu.memref_slice %arg7[%add3A_149, %dma_wait3A_243] : memref<80x128xi32, #tpu.memory_space<vmem>> -> memref<1x128xi32, #tpu.memory_space<vmem>>
        %dma_wait3A_245 = tpu.memref_squeeze %dma_wait3A_244 : memref<1x128xi32, #tpu.memory_space<vmem>> -> memref<128xi32, #tpu.memory_space<vmem>>
        %dma_wait3A_246 = arith.constant 0 : i32
        %dma_wait3A_247 = arith.constant 0 : i32
        %dma_wait3A_248 = tpu.memref_slice %arg14[%dma_wait3A_246, %dma_wait3A_247] : memref<10240x64xf32, #tpu.memory_space<vmem_shared>> -> memref<10240x64xf32, #tpu.memory_space<vmem_shared>>
        tpu.wait_indirect_dma semaphore(%run_scoped3A_236 : memref<!tpu.dma_semaphore, #tpu.memory_space<semaphore_mem>>) src(%arg8 : memref<128x64xf32, #tpu.memory_space<vmem>>) dst(%dma_wait3A_248 : memref<10240x64xf32, #tpu.memory_space<vmem_shared>>)
        tpu.yield
      }) : () -> ()
      %add3A_156 = arith.constant 5 : i32
      %add3A_157 = arith.addi %add3A_149, %add3A_156 : i32
      %dma_start3A_158 = arith.constant 0 : i32
      %dma_start3A_159 = tpu.memref_slice %arg6[%add3A_157, %dma_start3A_158] : memref<80x128xi32, #tpu.memory_space<vmem>> -> memref<1x128xi32, #tpu.memory_space<vmem>>
      %dma_start3A_160 = tpu.memref_squeeze %dma_start3A_159 : memref<1x128xi32, #tpu.memory_space<vmem>> -> memref<128xi32, #tpu.memory_space<vmem>>
      %dma_start3A_161 = arith.constant 0 : i32
      %dma_start3A_162 = arith.constant 0 : i32
      %dma_start3A_163 = tpu.memref_slice %arg2[%dma_start3A_161, %dma_start3A_162] : memref<10000x64xf32, #tpu.memory_space<hbm>> -> memref<10000x64xf32, #tpu.memory_space<hbm>>
      tpu.enqueue_indirect_dma source(%dma_start3A_163 : memref<10000x64xf32, #tpu.memory_space<hbm>>) target(%arg8 : memref<128x64xf32, #tpu.memory_space<vmem>>) offsets(%dma_start3A_160 : memref<128xi32, #tpu.memory_space<vmem>>) semaphore(%arg15 : memref<!tpu.dma_semaphore, #tpu.memory_space<semaphore_mem>>)
      %mul3A_164 = arith.constant 5 : i32
      %mul3A_165 = arith.muli %scan3A_145, %mul3A_164 : i32
      %add3A_166 = arith.constant 1 : i32
      %add3A_167 = arith.addi %mul3A_165, %add3A_166 : i32
      %dma_wait3A_168 = arith.constant 0 : i32
      %dma_wait3A_169 = tpu.memref_slice %arg6[%add3A_167, %dma_wait3A_168] : memref<80x128xi32, #tpu.memory_space<vmem>> -> memref<1x128xi32, #tpu.memory_space<vmem>>
      %dma_wait3A_170 = tpu.memref_squeeze %dma_wait3A_169 : memref<1x128xi32, #tpu.memory_space<vmem>> -> memref<128xi32, #tpu.memory_space<vmem>>
      %dma_wait3A_171 = arith.constant 0 : i32
      %dma_wait3A_172 = arith.constant 0 : i32
      %dma_wait3A_173 = tpu.memref_slice %arg2[%dma_wait3A_171, %dma_wait3A_172] : memref<10000x64xf32, #tpu.memory_space<hbm>> -> memref<10000x64xf32, #tpu.memory_space<hbm>>
      tpu.wait_indirect_dma semaphore(%arg16 : memref<!tpu.dma_semaphore, #tpu.memory_space<semaphore_mem>>) src(%dma_wait3A_173 : memref<10000x64xf32, #tpu.memory_space<hbm>>) dst(%arg9 : memref<128x64xf32, #tpu.memory_space<vmem>>)
      "tpu.region"() ({
        %run_scoped3A_236 = tpu.sem_alloc : memref<!tpu.dma_semaphore, #tpu.memory_space<semaphore_mem>>
        %dma_start3A_237 = arith.constant 0 : i32
        %dma_start3A_238 = tpu.memref_slice %arg7[%add3A_167, %dma_start3A_237] : memref<80x128xi32, #tpu.memory_space<vmem>> -> memref<1x128xi32, #tpu.memory_space<vmem>>
        %dma_start3A_239 = tpu.memref_squeeze %dma_start3A_238 : memref<1x128xi32, #tpu.memory_space<vmem>> -> memref<128xi32, #tpu.memory_space<vmem>>
        %dma_start3A_240 = arith.constant 0 : i32
        %dma_start3A_241 = arith.constant 0 : i32
        %dma_start3A_242 = tpu.memref_slice %arg14[%dma_start3A_240, %dma_start3A_241] : memref<10240x64xf32, #tpu.memory_space<vmem_shared>> -> memref<10240x64xf32, #tpu.memory_space<vmem_shared>>
        tpu.enqueue_indirect_dma source(%arg9 : memref<128x64xf32, #tpu.memory_space<vmem>>) target(%dma_start3A_242 : memref<10240x64xf32, #tpu.memory_space<vmem_shared>>) offsets(%dma_start3A_239 : memref<128xi32, #tpu.memory_space<vmem>>) semaphore(%run_scoped3A_236 : memref<!tpu.dma_semaphore, #tpu.memory_space<semaphore_mem>>) {add = true}
        %dma_wait3A_243 = arith.constant 0 : i32
        %dma_wait3A_244 = tpu.memref_slice %arg7[%add3A_167, %dma_wait3A_243] : memref<80x128xi32, #tpu.memory_space<vmem>> -> memref<1x128xi32, #tpu.memory_space<vmem>>
        %dma_wait3A_245 = tpu.memref_squeeze %dma_wait3A_244 : memref<1x128xi32, #tpu.memory_space<vmem>> -> memref<128xi32, #tpu.memory_space<vmem>>
        %dma_wait3A_246 = arith.constant 0 : i32
        %dma_wait3A_247 = arith.constant 0 : i32
        %dma_wait3A_248 = tpu.memref_slice %arg14[%dma_wait3A_246, %dma_wait3A_247] : memref<10240x64xf32, #tpu.memory_space<vmem_shared>> -> memref<10240x64xf32, #tpu.memory_space<vmem_shared>>
        tpu.wait_indirect_dma semaphore(%run_scoped3A_236 : memref<!tpu.dma_semaphore, #tpu.memory_space<semaphore_mem>>) src(%arg9 : memref<128x64xf32, #tpu.memory_space<vmem>>) dst(%dma_wait3A_248 : memref<10240x64xf32, #tpu.memory_space<vmem_shared>>)
        tpu.yield
      }) : () -> ()
      %add3A_174 = arith.constant 5 : i32
      %add3A_175 = arith.addi %add3A_167, %add3A_174 : i32
      %dma_start3A_176 = arith.constant 0 : i32
      %dma_start3A_177 = tpu.memref_slice %arg6[%add3A_175, %dma_start3A_176] : memref<80x128xi32, #tpu.memory_space<vmem>> -> memref<1x128xi32, #tpu.memory_space<vmem>>
      %dma_start3A_178 = tpu.memref_squeeze %dma_start3A_177 : memref<1x128xi32, #tpu.memory_space<vmem>> -> memref<128xi32, #tpu.memory_space<vmem>>
      %dma_start3A_179 = arith.constant 0 : i32
      %dma_start3A_180 = arith.constant 0 : i32
      %dma_start3A_181 = tpu.memref_slice %arg2[%dma_start3A_179, %dma_start3A_180] : memref<10000x64xf32, #tpu.memory_space<hbm>> -> memref<10000x64xf32, #tpu.memory_space<hbm>>
      tpu.enqueue_indirect_dma source(%dma_start3A_181 : memref<10000x64xf32, #tpu.memory_space<hbm>>) target(%arg9 : memref<128x64xf32, #tpu.memory_space<vmem>>) offsets(%dma_start3A_178 : memref<128xi32, #tpu.memory_space<vmem>>) semaphore(%arg16 : memref<!tpu.dma_semaphore, #tpu.memory_space<semaphore_mem>>)
      %mul3A_182 = arith.constant 5 : i32
      %mul3A_183 = arith.muli %scan3A_145, %mul3A_182 : i32
      %add3A_184 = arith.constant 2 : i32
      %add3A_185 = arith.addi %mul3A_183, %add3A_184 : i32
      %dma_wait3A_186 = arith.constant 0 : i32
      %dma_wait3A_187 = tpu.memref_slice %arg6[%add3A_185, %dma_wait3A_186] : memref<80x128xi32, #tpu.memory_space<vmem>> -> memref<1x128xi32, #tpu.memory_space<vmem>>
      %dma_wait3A_188 = tpu.memref_squeeze %dma_wait3A_187 : memref<1x128xi32, #tpu.memory_space<vmem>> -> memref<128xi32, #tpu.memory_space<vmem>>
      %dma_wait3A_189 = arith.constant 0 : i32
      %dma_wait3A_190 = arith.constant 0 : i32
      %dma_wait3A_191 = tpu.memref_slice %arg2[%dma_wait3A_189, %dma_wait3A_190] : memref<10000x64xf32, #tpu.memory_space<hbm>> -> memref<10000x64xf32, #tpu.memory_space<hbm>>
      tpu.wait_indirect_dma semaphore(%arg17 : memref<!tpu.dma_semaphore, #tpu.memory_space<semaphore_mem>>) src(%dma_wait3A_191 : memref<10000x64xf32, #tpu.memory_space<hbm>>) dst(%arg10 : memref<128x64xf32, #tpu.memory_space<vmem>>)
      "tpu.region"() ({
        %run_scoped3A_236 = tpu.sem_alloc : memref<!tpu.dma_semaphore, #tpu.memory_space<semaphore_mem>>
        %dma_start3A_237 = arith.constant 0 : i32
        %dma_start3A_238 = tpu.memref_slice %arg7[%add3A_185, %dma_start3A_237] : memref<80x128xi32, #tpu.memory_space<vmem>> -> memref<1x128xi32, #tpu.memory_space<vmem>>
        %dma_start3A_239 = tpu.memref_squeeze %dma_start3A_238 : memref<1x128xi32, #tpu.memory_space<vmem>> -> memref<128xi32, #tpu.memory_space<vmem>>
        %dma_start3A_240 = arith.constant 0 : i32
        %dma_start3A_241 = arith.constant 0 : i32
        %dma_start3A_242 = tpu.memref_slice %arg14[%dma_start3A_240, %dma_start3A_241] : memref<10240x64xf32, #tpu.memory_space<vmem_shared>> -> memref<10240x64xf32, #tpu.memory_space<vmem_shared>>
        tpu.enqueue_indirect_dma source(%arg10 : memref<128x64xf32, #tpu.memory_space<vmem>>) target(%dma_start3A_242 : memref<10240x64xf32, #tpu.memory_space<vmem_shared>>) offsets(%dma_start3A_239 : memref<128xi32, #tpu.memory_space<vmem>>) semaphore(%run_scoped3A_236 : memref<!tpu.dma_semaphore, #tpu.memory_space<semaphore_mem>>) {add = true}
        %dma_wait3A_243 = arith.constant 0 : i32
        %dma_wait3A_244 = tpu.memref_slice %arg7[%add3A_185, %dma_wait3A_243] : memref<80x128xi32, #tpu.memory_space<vmem>> -> memref<1x128xi32, #tpu.memory_space<vmem>>
        %dma_wait3A_245 = tpu.memref_squeeze %dma_wait3A_244 : memref<1x128xi32, #tpu.memory_space<vmem>> -> memref<128xi32, #tpu.memory_space<vmem>>
        %dma_wait3A_246 = arith.constant 0 : i32
        %dma_wait3A_247 = arith.constant 0 : i32
        %dma_wait3A_248 = tpu.memref_slice %arg14[%dma_wait3A_246, %dma_wait3A_247] : memref<10240x64xf32, #tpu.memory_space<vmem_shared>> -> memref<10240x64xf32, #tpu.memory_space<vmem_shared>>
        tpu.wait_indirect_dma semaphore(%run_scoped3A_236 : memref<!tpu.dma_semaphore, #tpu.memory_space<semaphore_mem>>) src(%arg10 : memref<128x64xf32, #tpu.memory_space<vmem>>) dst(%dma_wait3A_248 : memref<10240x64xf32, #tpu.memory_space<vmem_shared>>)
        tpu.yield
      }) : () -> ()
      %add3A_192 = arith.constant 5 : i32
      %add3A_193 = arith.addi %add3A_185, %add3A_192 : i32
      %dma_start3A_194 = arith.constant 0 : i32
      %dma_start3A_195 = tpu.memref_slice %arg6[%add3A_193, %dma_start3A_194] : memref<80x128xi32, #tpu.memory_space<vmem>> -> memref<1x128xi32, #tpu.memory_space<vmem>>
      %dma_start3A_196 = tpu.memref_squeeze %dma_start3A_195 : memref<1x128xi32, #tpu.memory_space<vmem>> -> memref<128xi32, #tpu.memory_space<vmem>>
      %dma_start3A_197 = arith.constant 0 : i32
      %dma_start3A_198 = arith.constant 0 : i32
      %dma_start3A_199 = tpu.memref_slice %arg2[%dma_start3A_197, %dma_start3A_198] : memref<10000x64xf32, #tpu.memory_space<hbm>> -> memref<10000x64xf32, #tpu.memory_space<hbm>>
      tpu.enqueue_indirect_dma source(%dma_start3A_199 : memref<10000x64xf32, #tpu.memory_space<hbm>>) target(%arg10 : memref<128x64xf32, #tpu.memory_space<vmem>>) offsets(%dma_start3A_196 : memref<128xi32, #tpu.memory_space<vmem>>) semaphore(%arg17 : memref<!tpu.dma_semaphore, #tpu.memory_space<semaphore_mem>>)
      %mul3A_200 = arith.constant 5 : i32
      %mul3A_201 = arith.muli %scan3A_145, %mul3A_200 : i32
      %add3A_202 = arith.constant 3 : i32
      %add3A_203 = arith.addi %mul3A_201, %add3A_202 : i32
      %dma_wait3A_204 = arith.constant 0 : i32
      %dma_wait3A_205 = tpu.memref_slice %arg6[%add3A_203, %dma_wait3A_204] : memref<80x128xi32, #tpu.memory_space<vmem>> -> memref<1x128xi32, #tpu.memory_space<vmem>>
      %dma_wait3A_206 = tpu.memref_squeeze %dma_wait3A_205 : memref<1x128xi32, #tpu.memory_space<vmem>> -> memref<128xi32, #tpu.memory_space<vmem>>
      %dma_wait3A_207 = arith.constant 0 : i32
      %dma_wait3A_208 = arith.constant 0 : i32
      %dma_wait3A_209 = tpu.memref_slice %arg2[%dma_wait3A_207, %dma_wait3A_208] : memref<10000x64xf32, #tpu.memory_space<hbm>> -> memref<10000x64xf32, #tpu.memory_space<hbm>>
      tpu.wait_indirect_dma semaphore(%arg18 : memref<!tpu.dma_semaphore, #tpu.memory_space<semaphore_mem>>) src(%dma_wait3A_209 : memref<10000x64xf32, #tpu.memory_space<hbm>>) dst(%arg11 : memref<128x64xf32, #tpu.memory_space<vmem>>)
      "tpu.region"() ({
        %run_scoped3A_236 = tpu.sem_alloc : memref<!tpu.dma_semaphore, #tpu.memory_space<semaphore_mem>>
        %dma_start3A_237 = arith.constant 0 : i32
        %dma_start3A_238 = tpu.memref_slice %arg7[%add3A_203, %dma_start3A_237] : memref<80x128xi32, #tpu.memory_space<vmem>> -> memref<1x128xi32, #tpu.memory_space<vmem>>
        %dma_start3A_239 = tpu.memref_squeeze %dma_start3A_238 : memref<1x128xi32, #tpu.memory_space<vmem>> -> memref<128xi32, #tpu.memory_space<vmem>>
        %dma_start3A_240 = arith.constant 0 : i32
        %dma_start3A_241 = arith.constant 0 : i32
        %dma_start3A_242 = tpu.memref_slice %arg14[%dma_start3A_240, %dma_start3A_241] : memref<10240x64xf32, #tpu.memory_space<vmem_shared>> -> memref<10240x64xf32, #tpu.memory_space<vmem_shared>>
        tpu.enqueue_indirect_dma source(%arg11 : memref<128x64xf32, #tpu.memory_space<vmem>>) target(%dma_start3A_242 : memref<10240x64xf32, #tpu.memory_space<vmem_shared>>) offsets(%dma_start3A_239 : memref<128xi32, #tpu.memory_space<vmem>>) semaphore(%run_scoped3A_236 : memref<!tpu.dma_semaphore, #tpu.memory_space<semaphore_mem>>) {add = true}
        %dma_wait3A_243 = arith.constant 0 : i32
        %dma_wait3A_244 = tpu.memref_slice %arg7[%add3A_203, %dma_wait3A_243] : memref<80x128xi32, #tpu.memory_space<vmem>> -> memref<1x128xi32, #tpu.memory_space<vmem>>
        %dma_wait3A_245 = tpu.memref_squeeze %dma_wait3A_244 : memref<1x128xi32, #tpu.memory_space<vmem>> -> memref<128xi32, #tpu.memory_space<vmem>>
        %dma_wait3A_246 = arith.constant 0 : i32
        %dma_wait3A_247 = arith.constant 0 : i32
        %dma_wait3A_248 = tpu.memref_slice %arg14[%dma_wait3A_246, %dma_wait3A_247] : memref<10240x64xf32, #tpu.memory_space<vmem_shared>> -> memref<10240x64xf32, #tpu.memory_space<vmem_shared>>
        tpu.wait_indirect_dma semaphore(%run_scoped3A_236 : memref<!tpu.dma_semaphore, #tpu.memory_space<semaphore_mem>>) src(%arg11 : memref<128x64xf32, #tpu.memory_space<vmem>>) dst(%dma_wait3A_248 : memref<10240x64xf32, #tpu.memory_space<vmem_shared>>)
        tpu.yield
      }) : () -> ()
      %add3A_210 = arith.constant 5 : i32
      %add3A_211 = arith.addi %add3A_203, %add3A_210 : i32
      %dma_start3A_212 = arith.constant 0 : i32
      %dma_start3A_213 = tpu.memref_slice %arg6[%add3A_211, %dma_start3A_212] : memref<80x128xi32, #tpu.memory_space<vmem>> -> memref<1x128xi32, #tpu.memory_space<vmem>>
      %dma_start3A_214 = tpu.memref_squeeze %dma_start3A_213 : memref<1x128xi32, #tpu.memory_space<vmem>> -> memref<128xi32, #tpu.memory_space<vmem>>
      %dma_start3A_215 = arith.constant 0 : i32
      %dma_start3A_216 = arith.constant 0 : i32
      %dma_start3A_217 = tpu.memref_slice %arg2[%dma_start3A_215, %dma_start3A_216] : memref<10000x64xf32, #tpu.memory_space<hbm>> -> memref<10000x64xf32, #tpu.memory_space<hbm>>
      tpu.enqueue_indirect_dma source(%dma_start3A_217 : memref<10000x64xf32, #tpu.memory_space<hbm>>) target(%arg11 : memref<128x64xf32, #tpu.memory_space<vmem>>) offsets(%dma_start3A_214 : memref<128xi32, #tpu.memory_space<vmem>>) semaphore(%arg18 : memref<!tpu.dma_semaphore, #tpu.memory_space<semaphore_mem>>)
      %mul3A_218 = arith.constant 5 : i32
      %mul3A_219 = arith.muli %scan3A_145, %mul3A_218 : i32
      %add3A_220 = arith.constant 4 : i32
      %add3A_221 = arith.addi %mul3A_219, %add3A_220 : i32
      %dma_wait3A_222 = arith.constant 0 : i32
      %dma_wait3A_223 = tpu.memref_slice %arg6[%add3A_221, %dma_wait3A_222] : memref<80x128xi32, #tpu.memory_space<vmem>> -> memref<1x128xi32, #tpu.memory_space<vmem>>
      %dma_wait3A_224 = tpu.memref_squeeze %dma_wait3A_223 : memref<1x128xi32, #tpu.memory_space<vmem>> -> memref<128xi32, #tpu.memory_space<vmem>>
      %dma_wait3A_225 = arith.constant 0 : i32
      %dma_wait3A_226 = arith.constant 0 : i32
      %dma_wait3A_227 = tpu.memref_slice %arg2[%dma_wait3A_225, %dma_wait3A_226] : memref<10000x64xf32, #tpu.memory_space<hbm>> -> memref<10000x64xf32, #tpu.memory_space<hbm>>
      tpu.wait_indirect_dma semaphore(%arg19 : memref<!tpu.dma_semaphore, #tpu.memory_space<semaphore_mem>>) src(%dma_wait3A_227 : memref<10000x64xf32, #tpu.memory_space<hbm>>) dst(%arg12 : memref<128x64xf32, #tpu.memory_space<vmem>>)
      "tpu.region"() ({
        %run_scoped3A_236 = tpu.sem_alloc : memref<!tpu.dma_semaphore, #tpu.memory_space<semaphore_mem>>
        %dma_start3A_237 = arith.constant 0 : i32
        %dma_start3A_238 = tpu.memref_slice %arg7[%add3A_221, %dma_start3A_237] : memref<80x128xi32, #tpu.memory_space<vmem>> -> memref<1x128xi32, #tpu.memory_space<vmem>>
        %dma_start3A_239 = tpu.memref_squeeze %dma_start3A_238 : memref<1x128xi32, #tpu.memory_space<vmem>> -> memref<128xi32, #tpu.memory_space<vmem>>
        %dma_start3A_240 = arith.constant 0 : i32
        %dma_start3A_241 = arith.constant 0 : i32
        %dma_start3A_242 = tpu.memref_slice %arg14[%dma_start3A_240, %dma_start3A_241] : memref<10240x64xf32, #tpu.memory_space<vmem_shared>> -> memref<10240x64xf32, #tpu.memory_space<vmem_shared>>
        tpu.enqueue_indirect_dma source(%arg12 : memref<128x64xf32, #tpu.memory_space<vmem>>) target(%dma_start3A_242 : memref<10240x64xf32, #tpu.memory_space<vmem_shared>>) offsets(%dma_start3A_239 : memref<128xi32, #tpu.memory_space<vmem>>) semaphore(%run_scoped3A_236 : memref<!tpu.dma_semaphore, #tpu.memory_space<semaphore_mem>>) {add = true}
        %dma_wait3A_243 = arith.constant 0 : i32
        %dma_wait3A_244 = tpu.memref_slice %arg7[%add3A_221, %dma_wait3A_243] : memref<80x128xi32, #tpu.memory_space<vmem>> -> memref<1x128xi32, #tpu.memory_space<vmem>>
        %dma_wait3A_245 = tpu.memref_squeeze %dma_wait3A_244 : memref<1x128xi32, #tpu.memory_space<vmem>> -> memref<128xi32, #tpu.memory_space<vmem>>
        %dma_wait3A_246 = arith.constant 0 : i32
        %dma_wait3A_247 = arith.constant 0 : i32
        %dma_wait3A_248 = tpu.memref_slice %arg14[%dma_wait3A_246, %dma_wait3A_247] : memref<10240x64xf32, #tpu.memory_space<vmem_shared>> -> memref<10240x64xf32, #tpu.memory_space<vmem_shared>>
        tpu.wait_indirect_dma semaphore(%run_scoped3A_236 : memref<!tpu.dma_semaphore, #tpu.memory_space<semaphore_mem>>) src(%arg12 : memref<128x64xf32, #tpu.memory_space<vmem>>) dst(%dma_wait3A_248 : memref<10240x64xf32, #tpu.memory_space<vmem_shared>>)
        tpu.yield
      }) : () -> ()
      %add3A_228 = arith.constant 5 : i32
      %add3A_229 = arith.addi %add3A_221, %add3A_228 : i32
      %dma_start3A_230 = arith.constant 0 : i32
      %dma_start3A_231 = tpu.memref_slice %arg6[%add3A_229, %dma_start3A_230] : memref<80x128xi32, #tpu.memory_space<vmem>> -> memref<1x128xi32, #tpu.memory_space<vmem>>
      %dma_start3A_232 = tpu.memref_squeeze %dma_start3A_231 : memref<1x128xi32, #tpu.memory_space<vmem>> -> memref<128xi32, #tpu.memory_space<vmem>>
      %dma_start3A_233 = arith.constant 0 : i32
      %dma_start3A_234 = arith.constant 0 : i32
      %dma_start3A_235 = tpu.memref_slice %arg2[%dma_start3A_233, %dma_start3A_234] : memref<10000x64xf32, #tpu.memory_space<hbm>> -> memref<10000x64xf32, #tpu.memory_space<hbm>>
      tpu.enqueue_indirect_dma source(%dma_start3A_235 : memref<10000x64xf32, #tpu.memory_space<hbm>>) target(%arg12 : memref<128x64xf32, #tpu.memory_space<vmem>>) offsets(%dma_start3A_232 : memref<128xi32, #tpu.memory_space<vmem>>) semaphore(%arg19 : memref<!tpu.dma_semaphore, #tpu.memory_space<semaphore_mem>>)
    }
    %scan3A_65 = arith.constant 15 : i32
    %dma_wait3A = arith.constant 75 : i32
    %dma_wait3A_66 = arith.constant 0 : i32
    %dma_wait3A_67 = tpu.memref_slice %arg6[%dma_wait3A, %dma_wait3A_66] : memref<80x128xi32, #tpu.memory_space<vmem>> -> memref<1x128xi32, #tpu.memory_space<vmem>>
    %dma_wait3A_68 = tpu.memref_squeeze %dma_wait3A_67 : memref<1x128xi32, #tpu.memory_space<vmem>> -> memref<128xi32, #tpu.memory_space<vmem>>
    %dma_wait3A_69 = arith.constant 0 : i32
    %dma_wait3A_70 = arith.constant 0 : i32
    %dma_wait3A_71 = tpu.memref_slice %arg2[%dma_wait3A_69, %dma_wait3A_70] : memref<10000x64xf32, #tpu.memory_space<hbm>> -> memref<10000x64xf32, #tpu.memory_space<hbm>>
    tpu.wait_indirect_dma semaphore(%arg15 : memref<!tpu.dma_semaphore, #tpu.memory_space<semaphore_mem>>) src(%dma_wait3A_71 : memref<10000x64xf32, #tpu.memory_space<hbm>>) dst(%arg8 : memref<128x64xf32, #tpu.memory_space<vmem>>)
    %run_scoped3A = arith.constant 75 : i32
    "tpu.region"() ({
      %run_scoped3A_145 = tpu.sem_alloc : memref<!tpu.dma_semaphore, #tpu.memory_space<semaphore_mem>>
      %dma_start3A_146 = arith.constant 0 : i32
      %dma_start3A_147 = tpu.memref_slice %arg7[%run_scoped3A, %dma_start3A_146] : memref<80x128xi32, #tpu.memory_space<vmem>> -> memref<1x128xi32, #tpu.memory_space<vmem>>
      %dma_start3A_148 = tpu.memref_squeeze %dma_start3A_147 : memref<1x128xi32, #tpu.memory_space<vmem>> -> memref<128xi32, #tpu.memory_space<vmem>>
      %dma_start3A_149 = arith.constant 0 : i32
      %dma_start3A_150 = arith.constant 0 : i32
      %dma_start3A_151 = tpu.memref_slice %arg14[%dma_start3A_149, %dma_start3A_150] : memref<10240x64xf32, #tpu.memory_space<vmem_shared>> -> memref<10240x64xf32, #tpu.memory_space<vmem_shared>>
      tpu.enqueue_indirect_dma source(%arg8 : memref<128x64xf32, #tpu.memory_space<vmem>>) target(%dma_start3A_151 : memref<10240x64xf32, #tpu.memory_space<vmem_shared>>) offsets(%dma_start3A_148 : memref<128xi32, #tpu.memory_space<vmem>>) semaphore(%run_scoped3A_145 : memref<!tpu.dma_semaphore, #tpu.memory_space<semaphore_mem>>) {add = true}
      %dma_wait3A_152 = arith.constant 0 : i32
      %dma_wait3A_153 = tpu.memref_slice %arg7[%run_scoped3A, %dma_wait3A_152] : memref<80x128xi32, #tpu.memory_space<vmem>> -> memref<1x128xi32, #tpu.memory_space<vmem>>
      %dma_wait3A_154 = tpu.memref_squeeze %dma_wait3A_153 : memref<1x128xi32, #tpu.memory_space<vmem>> -> memref<128xi32, #tpu.memory_space<vmem>>
      %dma_wait3A_155 = arith.constant 0 : i32
      %dma_wait3A_156 = arith.constant 0 : i32
      %dma_wait3A_157 = tpu.memref_slice %arg14[%dma_wait3A_155, %dma_wait3A_156] : memref<10240x64xf32, #tpu.memory_space<vmem_shared>> -> memref<10240x64xf32, #tpu.memory_space<vmem_shared>>
      tpu.wait_indirect_dma semaphore(%run_scoped3A_145 : memref<!tpu.dma_semaphore, #tpu.memory_space<semaphore_mem>>) src(%arg8 : memref<128x64xf32, #tpu.memory_space<vmem>>) dst(%dma_wait3A_157 : memref<10240x64xf32, #tpu.memory_space<vmem_shared>>)
      tpu.yield
    }) : () -> ()
    %dma_wait3A_72 = arith.constant 76 : i32
    %dma_wait3A_73 = arith.constant 0 : i32
    %dma_wait3A_74 = tpu.memref_slice %arg6[%dma_wait3A_72, %dma_wait3A_73] : memref<80x128xi32, #tpu.memory_space<vmem>> -> memref<1x128xi32, #tpu.memory_space<vmem>>
    %dma_wait3A_75 = tpu.memref_squeeze %dma_wait3A_74 : memref<1x128xi32, #tpu.memory_space<vmem>> -> memref<128xi32, #tpu.memory_space<vmem>>
    %dma_wait3A_76 = arith.constant 0 : i32
    %dma_wait3A_77 = arith.constant 0 : i32
    %dma_wait3A_78 = tpu.memref_slice %arg2[%dma_wait3A_76, %dma_wait3A_77] : memref<10000x64xf32, #tpu.memory_space<hbm>> -> memref<10000x64xf32, #tpu.memory_space<hbm>>
    tpu.wait_indirect_dma semaphore(%arg16 : memref<!tpu.dma_semaphore, #tpu.memory_space<semaphore_mem>>) src(%dma_wait3A_78 : memref<10000x64xf32, #tpu.memory_space<hbm>>) dst(%arg9 : memref<128x64xf32, #tpu.memory_space<vmem>>)
    %run_scoped3A_79 = arith.constant 76 : i32
    "tpu.region"() ({
      %run_scoped3A_145 = tpu.sem_alloc : memref<!tpu.dma_semaphore, #tpu.memory_space<semaphore_mem>>
      %dma_start3A_146 = arith.constant 0 : i32
      %dma_start3A_147 = tpu.memref_slice %arg7[%run_scoped3A_79, %dma_start3A_146] : memref<80x128xi32, #tpu.memory_space<vmem>> -> memref<1x128xi32, #tpu.memory_space<vmem>>
      %dma_start3A_148 = tpu.memref_squeeze %dma_start3A_147 : memref<1x128xi32, #tpu.memory_space<vmem>> -> memref<128xi32, #tpu.memory_space<vmem>>
      %dma_start3A_149 = arith.constant 0 : i32
      %dma_start3A_150 = arith.constant 0 : i32
      %dma_start3A_151 = tpu.memref_slice %arg14[%dma_start3A_149, %dma_start3A_150] : memref<10240x64xf32, #tpu.memory_space<vmem_shared>> -> memref<10240x64xf32, #tpu.memory_space<vmem_shared>>
      tpu.enqueue_indirect_dma source(%arg9 : memref<128x64xf32, #tpu.memory_space<vmem>>) target(%dma_start3A_151 : memref<10240x64xf32, #tpu.memory_space<vmem_shared>>) offsets(%dma_start3A_148 : memref<128xi32, #tpu.memory_space<vmem>>) semaphore(%run_scoped3A_145 : memref<!tpu.dma_semaphore, #tpu.memory_space<semaphore_mem>>) {add = true}
      %dma_wait3A_152 = arith.constant 0 : i32
      %dma_wait3A_153 = tpu.memref_slice %arg7[%run_scoped3A_79, %dma_wait3A_152] : memref<80x128xi32, #tpu.memory_space<vmem>> -> memref<1x128xi32, #tpu.memory_space<vmem>>
      %dma_wait3A_154 = tpu.memref_squeeze %dma_wait3A_153 : memref<1x128xi32, #tpu.memory_space<vmem>> -> memref<128xi32, #tpu.memory_space<vmem>>
      %dma_wait3A_155 = arith.constant 0 : i32
      %dma_wait3A_156 = arith.constant 0 : i32
      %dma_wait3A_157 = tpu.memref_slice %arg14[%dma_wait3A_155, %dma_wait3A_156] : memref<10240x64xf32, #tpu.memory_space<vmem_shared>> -> memref<10240x64xf32, #tpu.memory_space<vmem_shared>>
      tpu.wait_indirect_dma semaphore(%run_scoped3A_145 : memref<!tpu.dma_semaphore, #tpu.memory_space<semaphore_mem>>) src(%arg9 : memref<128x64xf32, #tpu.memory_space<vmem>>) dst(%dma_wait3A_157 : memref<10240x64xf32, #tpu.memory_space<vmem_shared>>)
      tpu.yield
    }) : () -> ()
    %dma_wait3A_80 = arith.constant 77 : i32
    %dma_wait3A_81 = arith.constant 0 : i32
    %dma_wait3A_82 = tpu.memref_slice %arg6[%dma_wait3A_80, %dma_wait3A_81] : memref<80x128xi32, #tpu.memory_space<vmem>> -> memref<1x128xi32, #tpu.memory_space<vmem>>
    %dma_wait3A_83 = tpu.memref_squeeze %dma_wait3A_82 : memref<1x128xi32, #tpu.memory_space<vmem>> -> memref<128xi32, #tpu.memory_space<vmem>>
    %dma_wait3A_84 = arith.constant 0 : i32
    %dma_wait3A_85 = arith.constant 0 : i32
    %dma_wait3A_86 = tpu.memref_slice %arg2[%dma_wait3A_84, %dma_wait3A_85] : memref<10000x64xf32, #tpu.memory_space<hbm>> -> memref<10000x64xf32, #tpu.memory_space<hbm>>
    tpu.wait_indirect_dma semaphore(%arg17 : memref<!tpu.dma_semaphore, #tpu.memory_space<semaphore_mem>>) src(%dma_wait3A_86 : memref<10000x64xf32, #tpu.memory_space<hbm>>) dst(%arg10 : memref<128x64xf32, #tpu.memory_space<vmem>>)
    %run_scoped3A_87 = arith.constant 77 : i32
    "tpu.region"() ({
      %run_scoped3A_145 = tpu.sem_alloc : memref<!tpu.dma_semaphore, #tpu.memory_space<semaphore_mem>>
      %dma_start3A_146 = arith.constant 0 : i32
      %dma_start3A_147 = tpu.memref_slice %arg7[%run_scoped3A_87, %dma_start3A_146] : memref<80x128xi32, #tpu.memory_space<vmem>> -> memref<1x128xi32, #tpu.memory_space<vmem>>
      %dma_start3A_148 = tpu.memref_squeeze %dma_start3A_147 : memref<1x128xi32, #tpu.memory_space<vmem>> -> memref<128xi32, #tpu.memory_space<vmem>>
      %dma_start3A_149 = arith.constant 0 : i32
      %dma_start3A_150 = arith.constant 0 : i32
      %dma_start3A_151 = tpu.memref_slice %arg14[%dma_start3A_149, %dma_start3A_150] : memref<10240x64xf32, #tpu.memory_space<vmem_shared>> -> memref<10240x64xf32, #tpu.memory_space<vmem_shared>>
      tpu.enqueue_indirect_dma source(%arg10 : memref<128x64xf32, #tpu.memory_space<vmem>>) target(%dma_start3A_151 : memref<10240x64xf32, #tpu.memory_space<vmem_shared>>) offsets(%dma_start3A_148 : memref<128xi32, #tpu.memory_space<vmem>>) semaphore(%run_scoped3A_145 : memref<!tpu.dma_semaphore, #tpu.memory_space<semaphore_mem>>) {add = true}
      %dma_wait3A_152 = arith.constant 0 : i32
      %dma_wait3A_153 = tpu.memref_slice %arg7[%run_scoped3A_87, %dma_wait3A_152] : memref<80x128xi32, #tpu.memory_space<vmem>> -> memref<1x128xi32, #tpu.memory_space<vmem>>
      %dma_wait3A_154 = tpu.memref_squeeze %dma_wait3A_153 : memref<1x128xi32, #tpu.memory_space<vmem>> -> memref<128xi32, #tpu.memory_space<vmem>>
      %dma_wait3A_155 = arith.constant 0 : i32
      %dma_wait3A_156 = arith.constant 0 : i32
      %dma_wait3A_157 = tpu.memref_slice %arg14[%dma_wait3A_155, %dma_wait3A_156] : memref<10240x64xf32, #tpu.memory_space<vmem_shared>> -> memref<10240x64xf32, #tpu.memory_space<vmem_shared>>
      tpu.wait_indirect_dma semaphore(%run_scoped3A_145 : memref<!tpu.dma_semaphore, #tpu.memory_space<semaphore_mem>>) src(%arg10 : memref<128x64xf32, #tpu.memory_space<vmem>>) dst(%dma_wait3A_157 : memref<10240x64xf32, #tpu.memory_space<vmem_shared>>)
      tpu.yield
    }) : () -> ()
    %dma_wait3A_88 = arith.constant 78 : i32
    %dma_wait3A_89 = arith.constant 0 : i32
    %dma_wait3A_90 = tpu.memref_slice %arg6[%dma_wait3A_88, %dma_wait3A_89] : memref<80x128xi32, #tpu.memory_space<vmem>> -> memref<1x128xi32, #tpu.memory_space<vmem>>
    %dma_wait3A_91 = tpu.memref_squeeze %dma_wait3A_90 : memref<1x128xi32, #tpu.memory_space<vmem>> -> memref<128xi32, #tpu.memory_space<vmem>>
    %dma_wait3A_92 = arith.constant 0 : i32
    %dma_wait3A_93 = arith.constant 0 : i32
    %dma_wait3A_94 = tpu.memref_slice %arg2[%dma_wait3A_92, %dma_wait3A_93] : memref<10000x64xf32, #tpu.memory_space<hbm>> -> memref<10000x64xf32, #tpu.memory_space<hbm>>
    tpu.wait_indirect_dma semaphore(%arg18 : memref<!tpu.dma_semaphore, #tpu.memory_space<semaphore_mem>>) src(%dma_wait3A_94 : memref<10000x64xf32, #tpu.memory_space<hbm>>) dst(%arg11 : memref<128x64xf32, #tpu.memory_space<vmem>>)
    %run_scoped3A_95 = arith.constant 78 : i32
    "tpu.region"() ({
      %run_scoped3A_145 = tpu.sem_alloc : memref<!tpu.dma_semaphore, #tpu.memory_space<semaphore_mem>>
      %dma_start3A_146 = arith.constant 0 : i32
      %dma_start3A_147 = tpu.memref_slice %arg7[%run_scoped3A_95, %dma_start3A_146] : memref<80x128xi32, #tpu.memory_space<vmem>> -> memref<1x128xi32, #tpu.memory_space<vmem>>
      %dma_start3A_148 = tpu.memref_squeeze %dma_start3A_147 : memref<1x128xi32, #tpu.memory_space<vmem>> -> memref<128xi32, #tpu.memory_space<vmem>>
      %dma_start3A_149 = arith.constant 0 : i32
      %dma_start3A_150 = arith.constant 0 : i32
      %dma_start3A_151 = tpu.memref_slice %arg14[%dma_start3A_149, %dma_start3A_150] : memref<10240x64xf32, #tpu.memory_space<vmem_shared>> -> memref<10240x64xf32, #tpu.memory_space<vmem_shared>>
      tpu.enqueue_indirect_dma source(%arg11 : memref<128x64xf32, #tpu.memory_space<vmem>>) target(%dma_start3A_151 : memref<10240x64xf32, #tpu.memory_space<vmem_shared>>) offsets(%dma_start3A_148 : memref<128xi32, #tpu.memory_space<vmem>>) semaphore(%run_scoped3A_145 : memref<!tpu.dma_semaphore, #tpu.memory_space<semaphore_mem>>) {add = true}
      %dma_wait3A_152 = arith.constant 0 : i32
      %dma_wait3A_153 = tpu.memref_slice %arg7[%run_scoped3A_95, %dma_wait3A_152] : memref<80x128xi32, #tpu.memory_space<vmem>> -> memref<1x128xi32, #tpu.memory_space<vmem>>
      %dma_wait3A_154 = tpu.memref_squeeze %dma_wait3A_153 : memref<1x128xi32, #tpu.memory_space<vmem>> -> memref<128xi32, #tpu.memory_space<vmem>>
      %dma_wait3A_155 = arith.constant 0 : i32
      %dma_wait3A_156 = arith.constant 0 : i32
      %dma_wait3A_157 = tpu.memref_slice %arg14[%dma_wait3A_155, %dma_wait3A_156] : memref<10240x64xf32, #tpu.memory_space<vmem_shared>> -> memref<10240x64xf32, #tpu.memory_space<vmem_shared>>
      tpu.wait_indirect_dma semaphore(%run_scoped3A_145 : memref<!tpu.dma_semaphore, #tpu.memory_space<semaphore_mem>>) src(%arg11 : memref<128x64xf32, #tpu.memory_space<vmem>>) dst(%dma_wait3A_157 : memref<10240x64xf32, #tpu.memory_space<vmem_shared>>)
      tpu.yield
    }) : () -> ()
    %dma_wait3A_96 = arith.constant 79 : i32
    %dma_wait3A_97 = arith.constant 0 : i32
    %dma_wait3A_98 = tpu.memref_slice %arg6[%dma_wait3A_96, %dma_wait3A_97] : memref<80x128xi32, #tpu.memory_space<vmem>> -> memref<1x128xi32, #tpu.memory_space<vmem>>
    %dma_wait3A_99 = tpu.memref_squeeze %dma_wait3A_98 : memref<1x128xi32, #tpu.memory_space<vmem>> -> memref<128xi32, #tpu.memory_space<vmem>>
    %dma_wait3A_100 = arith.constant 0 : i32
    %dma_wait3A_101 = arith.constant 0 : i32
    %dma_wait3A_102 = tpu.memref_slice %arg2[%dma_wait3A_100, %dma_wait3A_101] : memref<10000x64xf32, #tpu.memory_space<hbm>> -> memref<10000x64xf32, #tpu.memory_space<hbm>>
    tpu.wait_indirect_dma semaphore(%arg19 : memref<!tpu.dma_semaphore, #tpu.memory_space<semaphore_mem>>) src(%dma_wait3A_102 : memref<10000x64xf32, #tpu.memory_space<hbm>>) dst(%arg12 : memref<128x64xf32, #tpu.memory_space<vmem>>)
    %run_scoped3A_103 = arith.constant 79 : i32
    "tpu.region"() ({
      %run_scoped3A_145 = tpu.sem_alloc : memref<!tpu.dma_semaphore, #tpu.memory_space<semaphore_mem>>
      %dma_start3A_146 = arith.constant 0 : i32
      %dma_start3A_147 = tpu.memref_slice %arg7[%run_scoped3A_103, %dma_start3A_146] : memref<80x128xi32, #tpu.memory_space<vmem>> -> memref<1x128xi32, #tpu.memory_space<vmem>>
      %dma_start3A_148 = tpu.memref_squeeze %dma_start3A_147 : memref<1x128xi32, #tpu.memory_space<vmem>> -> memref<128xi32, #tpu.memory_space<vmem>>
      %dma_start3A_149 = arith.constant 0 : i32
      %dma_start3A_150 = arith.constant 0 : i32
      %dma_start3A_151 = tpu.memref_slice %arg14[%dma_start3A_149, %dma_start3A_150] : memref<10240x64xf32, #tpu.memory_space<vmem_shared>> -> memref<10240x64xf32, #tpu.memory_space<vmem_shared>>
      tpu.enqueue_indirect_dma source(%arg12 : memref<128x64xf32, #tpu.memory_space<vmem>>) target(%dma_start3A_151 : memref<10240x64xf32, #tpu.memory_space<vmem_shared>>) offsets(%dma_start3A_148 : memref<128xi32, #tpu.memory_space<vmem>>) semaphore(%run_scoped3A_145 : memref<!tpu.dma_semaphore, #tpu.memory_space<semaphore_mem>>) {add = true}
      %dma_wait3A_152 = arith.constant 0 : i32
      %dma_wait3A_153 = tpu.memref_slice %arg7[%run_scoped3A_103, %dma_wait3A_152] : memref<80x128xi32, #tpu.memory_space<vmem>> -> memref<1x128xi32, #tpu.memory_space<vmem>>
      %dma_wait3A_154 = tpu.memref_squeeze %dma_wait3A_153 : memref<1x128xi32, #tpu.memory_space<vmem>> -> memref<128xi32, #tpu.memory_space<vmem>>
      %dma_wait3A_155 = arith.constant 0 : i32
      %dma_wait3A_156 = arith.constant 0 : i32
      %dma_wait3A_157 = tpu.memref_slice %arg14[%dma_wait3A_155, %dma_wait3A_156] : memref<10240x64xf32, #tpu.memory_space<vmem_shared>> -> memref<10240x64xf32, #tpu.memory_space<vmem_shared>>
      tpu.wait_indirect_dma semaphore(%run_scoped3A_145 : memref<!tpu.dma_semaphore, #tpu.memory_space<semaphore_mem>>) src(%arg12 : memref<128x64xf32, #tpu.memory_space<vmem>>) dst(%dma_wait3A_157 : memref<10240x64xf32, #tpu.memory_space<vmem_shared>>)
      tpu.yield
    }) : () -> ()
    %barrier3A_104 = arith.constant 0 : index
    tpu.barrier barrier_id(%barrier3A_104)
    %mul3A_105 = arith.constant 640 : i32
    %mul3A_106 = arith.muli %arg1, %mul3A_105 : i32
    %add3A_107 = arith.constant 0 : i32
    %add3A_108 = arith.addi %mul3A_106, %add3A_107 : i32
    "tpu.region"() ({
      %run_scoped3A_145 = tpu.sem_alloc : memref<!tpu.dma_semaphore, #tpu.memory_space<semaphore_mem>>
      %dma_start3A_146 = arith.constant 0 : i32
      %dma_start3A_147 = tpu.memref_slice %arg14[%add3A_108, %dma_start3A_146] : memref<10240x64xf32, #tpu.memory_space<vmem_shared>> -> memref<128x64xf32, #tpu.memory_space<vmem_shared>>
      %dma_start3A_148 = arith.constant 0 : i32
      %dma_start3A_149 = tpu.memref_slice %arg14[%add3A_108, %dma_start3A_148] : memref<10240x64xf32, #tpu.memory_space<vmem_shared>> -> memref<128x64xf32, #tpu.memory_space<vmem_shared>>
      tpu.enqueue_dma source(%dma_start3A_149 : memref<128x64xf32, #tpu.memory_space<vmem_shared>>) target(%arg13 : memref<128x64xf32, #tpu.memory_space<vmem>>) target_semaphore(%run_scoped3A_145 : memref<!tpu.dma_semaphore, #tpu.memory_space<semaphore_mem>>)
      %dma_wait3A_150 = arith.constant 0 : i32
      %dma_wait3A_151 = tpu.memref_slice %arg14[%add3A_108, %dma_wait3A_150] : memref<10240x64xf32, #tpu.memory_space<vmem_shared>> -> memref<128x64xf32, #tpu.memory_space<vmem_shared>>
      %dma_wait3A_152 = arith.constant 0 : i32
      %dma_wait3A_153 = tpu.memref_slice %arg14[%add3A_108, %dma_wait3A_152] : memref<10240x64xf32, #tpu.memory_space<vmem_shared>> -> memref<128x64xf32, #tpu.memory_space<vmem_shared>>
      tpu.wait_dma2 semaphore(%run_scoped3A_145 : memref<!tpu.dma_semaphore, #tpu.memory_space<semaphore_mem>>) src(%dma_wait3A_153 : memref<128x64xf32, #tpu.memory_space<vmem_shared>>) dst(%arg13 : memref<128x64xf32, #tpu.memory_space<vmem>>)
      tpu.yield
    }) : () -> ()
    %mul3A_109 = arith.constant 640 : i32
    %mul3A_110 = arith.muli %arg1, %mul3A_109 : i32
    %add3A_111 = arith.constant 0 : i32
    %add3A_112 = arith.addi %mul3A_110, %add3A_111 : i32
    "tpu.region"() ({
      %run_scoped3A_145 = tpu.sem_alloc : memref<!tpu.dma_semaphore, #tpu.memory_space<semaphore_mem>>
      %dma_start3A_146 = arith.constant 0 : i32
      %dma_start3A_147 = tpu.memref_slice %arg5[%arg0, %add3A_112, %dma_start3A_146] : memref<2x10240x64xf32, #tpu.memory_space<hbm>> -> memref<1x128x64xf32, #tpu.memory_space<hbm>>
      %dma_start3A_148 = tpu.memref_squeeze %dma_start3A_147 : memref<1x128x64xf32, #tpu.memory_space<hbm>> -> memref<128x64xf32, #tpu.memory_space<hbm>>
      %dma_start3A_149 = arith.constant 0 : i32
      %dma_start3A_150 = tpu.memref_slice %arg5[%arg0, %add3A_112, %dma_start3A_149] : memref<2x10240x64xf32, #tpu.memory_space<hbm>> -> memref<1x128x64xf32, #tpu.memory_space<hbm>>
      %dma_start3A_151 = tpu.memref_squeeze %dma_start3A_150 : memref<1x128x64xf32, #tpu.memory_space<hbm>> -> memref<128x64xf32, #tpu.memory_space<hbm>>
      tpu.enqueue_dma source(%arg13 : memref<128x64xf32, #tpu.memory_space<vmem>>) target(%dma_start3A_151 : memref<128x64xf32, #tpu.memory_space<hbm>>) target_semaphore(%run_scoped3A_145 : memref<!tpu.dma_semaphore, #tpu.memory_space<semaphore_mem>>)
      %dma_wait3A_152 = arith.constant 0 : i32
      %dma_wait3A_153 = tpu.memref_slice %arg5[%arg0, %add3A_112, %dma_wait3A_152] : memref<2x10240x64xf32, #tpu.memory_space<hbm>> -> memref<1x128x64xf32, #tpu.memory_space<hbm>>
      %dma_wait3A_154 = tpu.memref_squeeze %dma_wait3A_153 : memref<1x128x64xf32, #tpu.memory_space<hbm>> -> memref<128x64xf32, #tpu.memory_space<hbm>>
      %dma_wait3A_155 = arith.constant 0 : i32
      %dma_wait3A_156 = tpu.memref_slice %arg5[%arg0, %add3A_112, %dma_wait3A_155] : memref<2x10240x64xf32, #tpu.memory_space<hbm>> -> memref<1x128x64xf32, #tpu.memory_space<hbm>>
      %dma_wait3A_157 = tpu.memref_squeeze %dma_wait3A_156 : memref<1x128x64xf32, #tpu.memory_space<hbm>> -> memref<128x64xf32, #tpu.memory_space<hbm>>
      tpu.wait_dma2 semaphore(%run_scoped3A_145 : memref<!tpu.dma_semaphore, #tpu.memory_space<semaphore_mem>>) src(%arg13 : memref<128x64xf32, #tpu.memory_space<vmem>>) dst(%dma_wait3A_157 : memref<128x64xf32, #tpu.memory_space<hbm>>)
      tpu.yield
    }) : () -> ()
    %mul3A_113 = arith.constant 640 : i32
    %mul3A_114 = arith.muli %arg1, %mul3A_113 : i32
    %add3A_115 = arith.constant 128 : i32
    %add3A_116 = arith.addi %mul3A_114, %add3A_115 : i32
    "tpu.region"() ({
      %run_scoped3A_145 = tpu.sem_alloc : memref<!tpu.dma_semaphore, #tpu.memory_space<semaphore_mem>>
      %dma_start3A_146 = arith.constant 0 : i32
      %dma_start3A_147 = tpu.memref_slice %arg14[%add3A_116, %dma_start3A_146] : memref<10240x64xf32, #tpu.memory_space<vmem_shared>> -> memref<128x64xf32, #tpu.memory_space<vmem_shared>>
      %dma_start3A_148 = arith.constant 0 : i32
      %dma_start3A_149 = tpu.memref_slice %arg14[%add3A_116, %dma_start3A_148] : memref<10240x64xf32, #tpu.memory_space<vmem_shared>> -> memref<128x64xf32, #tpu.memory_space<vmem_shared>>
      tpu.enqueue_dma source(%dma_start3A_149 : memref<128x64xf32, #tpu.memory_space<vmem_shared>>) target(%arg13 : memref<128x64xf32, #tpu.memory_space<vmem>>) target_semaphore(%run_scoped3A_145 : memref<!tpu.dma_semaphore, #tpu.memory_space<semaphore_mem>>)
      %dma_wait3A_150 = arith.constant 0 : i32
      %dma_wait3A_151 = tpu.memref_slice %arg14[%add3A_116, %dma_wait3A_150] : memref<10240x64xf32, #tpu.memory_space<vmem_shared>> -> memref<128x64xf32, #tpu.memory_space<vmem_shared>>
      %dma_wait3A_152 = arith.constant 0 : i32
      %dma_wait3A_153 = tpu.memref_slice %arg14[%add3A_116, %dma_wait3A_152] : memref<10240x64xf32, #tpu.memory_space<vmem_shared>> -> memref<128x64xf32, #tpu.memory_space<vmem_shared>>
      tpu.wait_dma2 semaphore(%run_scoped3A_145 : memref<!tpu.dma_semaphore, #tpu.memory_space<semaphore_mem>>) src(%dma_wait3A_153 : memref<128x64xf32, #tpu.memory_space<vmem_shared>>) dst(%arg13 : memref<128x64xf32, #tpu.memory_space<vmem>>)
      tpu.yield
    }) : () -> ()
    %mul3A_117 = arith.constant 640 : i32
    %mul3A_118 = arith.muli %arg1, %mul3A_117 : i32
    %add3A_119 = arith.constant 128 : i32
    %add3A_120 = arith.addi %mul3A_118, %add3A_119 : i32
    "tpu.region"() ({
      %run_scoped3A_145 = tpu.sem_alloc : memref<!tpu.dma_semaphore, #tpu.memory_space<semaphore_mem>>
      %dma_start3A_146 = arith.constant 0 : i32
      %dma_start3A_147 = tpu.memref_slice %arg5[%arg0, %add3A_120, %dma_start3A_146] : memref<2x10240x64xf32, #tpu.memory_space<hbm>> -> memref<1x128x64xf32, #tpu.memory_space<hbm>>
      %dma_start3A_148 = tpu.memref_squeeze %dma_start3A_147 : memref<1x128x64xf32, #tpu.memory_space<hbm>> -> memref<128x64xf32, #tpu.memory_space<hbm>>
      %dma_start3A_149 = arith.constant 0 : i32
      %dma_start3A_150 = tpu.memref_slice %arg5[%arg0, %add3A_120, %dma_start3A_149] : memref<2x10240x64xf32, #tpu.memory_space<hbm>> -> memref<1x128x64xf32, #tpu.memory_space<hbm>>
      %dma_start3A_151 = tpu.memref_squeeze %dma_start3A_150 : memref<1x128x64xf32, #tpu.memory_space<hbm>> -> memref<128x64xf32, #tpu.memory_space<hbm>>
      tpu.enqueue_dma source(%arg13 : memref<128x64xf32, #tpu.memory_space<vmem>>) target(%dma_start3A_151 : memref<128x64xf32, #tpu.memory_space<hbm>>) target_semaphore(%run_scoped3A_145 : memref<!tpu.dma_semaphore, #tpu.memory_space<semaphore_mem>>)
      %dma_wait3A_152 = arith.constant 0 : i32
      %dma_wait3A_153 = tpu.memref_slice %arg5[%arg0, %add3A_120, %dma_wait3A_152] : memref<2x10240x64xf32, #tpu.memory_space<hbm>> -> memref<1x128x64xf32, #tpu.memory_space<hbm>>
      %dma_wait3A_154 = tpu.memref_squeeze %dma_wait3A_153 : memref<1x128x64xf32, #tpu.memory_space<hbm>> -> memref<128x64xf32, #tpu.memory_space<hbm>>
      %dma_wait3A_155 = arith.constant 0 : i32
      %dma_wait3A_156 = tpu.memref_slice %arg5[%arg0, %add3A_120, %dma_wait3A_155] : memref<2x10240x64xf32, #tpu.memory_space<hbm>> -> memref<1x128x64xf32, #tpu.memory_space<hbm>>
      %dma_wait3A_157 = tpu.memref_squeeze %dma_wait3A_156 : memref<1x128x64xf32, #tpu.memory_space<hbm>> -> memref<128x64xf32, #tpu.memory_space<hbm>>
      tpu.wait_dma2 semaphore(%run_scoped3A_145 : memref<!tpu.dma_semaphore, #tpu.memory_space<semaphore_mem>>) src(%arg13 : memref<128x64xf32, #tpu.memory_space<vmem>>) dst(%dma_wait3A_157 : memref<128x64xf32, #tpu.memory_space<hbm>>)
      tpu.yield
    }) : () -> ()
    %mul3A_121 = arith.constant 640 : i32
    %mul3A_122 = arith.muli %arg1, %mul3A_121 : i32
    %add3A_123 = arith.constant 256 : i32
    %add3A_124 = arith.addi %mul3A_122, %add3A_123 : i32
    "tpu.region"() ({
      %run_scoped3A_145 = tpu.sem_alloc : memref<!tpu.dma_semaphore, #tpu.memory_space<semaphore_mem>>
      %dma_start3A_146 = arith.constant 0 : i32
      %dma_start3A_147 = tpu.memref_slice %arg14[%add3A_124, %dma_start3A_146] : memref<10240x64xf32, #tpu.memory_space<vmem_shared>> -> memref<128x64xf32, #tpu.memory_space<vmem_shared>>
      %dma_start3A_148 = arith.constant 0 : i32
      %dma_start3A_149 = tpu.memref_slice %arg14[%add3A_124, %dma_start3A_148] : memref<10240x64xf32, #tpu.memory_space<vmem_shared>> -> memref<128x64xf32, #tpu.memory_space<vmem_shared>>
      tpu.enqueue_dma source(%dma_start3A_149 : memref<128x64xf32, #tpu.memory_space<vmem_shared>>) target(%arg13 : memref<128x64xf32, #tpu.memory_space<vmem>>) target_semaphore(%run_scoped3A_145 : memref<!tpu.dma_semaphore, #tpu.memory_space<semaphore_mem>>)
      %dma_wait3A_150 = arith.constant 0 : i32
      %dma_wait3A_151 = tpu.memref_slice %arg14[%add3A_124, %dma_wait3A_150] : memref<10240x64xf32, #tpu.memory_space<vmem_shared>> -> memref<128x64xf32, #tpu.memory_space<vmem_shared>>
      %dma_wait3A_152 = arith.constant 0 : i32
      %dma_wait3A_153 = tpu.memref_slice %arg14[%add3A_124, %dma_wait3A_152] : memref<10240x64xf32, #tpu.memory_space<vmem_shared>> -> memref<128x64xf32, #tpu.memory_space<vmem_shared>>
      tpu.wait_dma2 semaphore(%run_scoped3A_145 : memref<!tpu.dma_semaphore, #tpu.memory_space<semaphore_mem>>) src(%dma_wait3A_153 : memref<128x64xf32, #tpu.memory_space<vmem_shared>>) dst(%arg13 : memref<128x64xf32, #tpu.memory_space<vmem>>)
      tpu.yield
    }) : () -> ()
    %mul3A_125 = arith.constant 640 : i32
    %mul3A_126 = arith.muli %arg1, %mul3A_125 : i32
    %add3A_127 = arith.constant 256 : i32
    %add3A_128 = arith.addi %mul3A_126, %add3A_127 : i32
    "tpu.region"() ({
      %run_scoped3A_145 = tpu.sem_alloc : memref<!tpu.dma_semaphore, #tpu.memory_space<semaphore_mem>>
      %dma_start3A_146 = arith.constant 0 : i32
      %dma_start3A_147 = tpu.memref_slice %arg5[%arg0, %add3A_128, %dma_start3A_146] : memref<2x10240x64xf32, #tpu.memory_space<hbm>> -> memref<1x128x64xf32, #tpu.memory_space<hbm>>
      %dma_start3A_148 = tpu.memref_squeeze %dma_start3A_147 : memref<1x128x64xf32, #tpu.memory_space<hbm>> -> memref<128x64xf32, #tpu.memory_space<hbm>>
      %dma_start3A_149 = arith.constant 0 : i32
      %dma_start3A_150 = tpu.memref_slice %arg5[%arg0, %add3A_128, %dma_start3A_149] : memref<2x10240x64xf32, #tpu.memory_space<hbm>> -> memref<1x128x64xf32, #tpu.memory_space<hbm>>
      %dma_start3A_151 = tpu.memref_squeeze %dma_start3A_150 : memref<1x128x64xf32, #tpu.memory_space<hbm>> -> memref<128x64xf32, #tpu.memory_space<hbm>>
      tpu.enqueue_dma source(%arg13 : memref<128x64xf32, #tpu.memory_space<vmem>>) target(%dma_start3A_151 : memref<128x64xf32, #tpu.memory_space<hbm>>) target_semaphore(%run_scoped3A_145 : memref<!tpu.dma_semaphore, #tpu.memory_space<semaphore_mem>>)
      %dma_wait3A_152 = arith.constant 0 : i32
      %dma_wait3A_153 = tpu.memref_slice %arg5[%arg0, %add3A_128, %dma_wait3A_152] : memref<2x10240x64xf32, #tpu.memory_space<hbm>> -> memref<1x128x64xf32, #tpu.memory_space<hbm>>
      %dma_wait3A_154 = tpu.memref_squeeze %dma_wait3A_153 : memref<1x128x64xf32, #tpu.memory_space<hbm>> -> memref<128x64xf32, #tpu.memory_space<hbm>>
      %dma_wait3A_155 = arith.constant 0 : i32
      %dma_wait3A_156 = tpu.memref_slice %arg5[%arg0, %add3A_128, %dma_wait3A_155] : memref<2x10240x64xf32, #tpu.memory_space<hbm>> -> memref<1x128x64xf32, #tpu.memory_space<hbm>>
      %dma_wait3A_157 = tpu.memref_squeeze %dma_wait3A_156 : memref<1x128x64xf32, #tpu.memory_space<hbm>> -> memref<128x64xf32, #tpu.memory_space<hbm>>
      tpu.wait_dma2 semaphore(%run_scoped3A_145 : memref<!tpu.dma_semaphore, #tpu.memory_space<semaphore_mem>>) src(%arg13 : memref<128x64xf32, #tpu.memory_space<vmem>>) dst(%dma_wait3A_157 : memref<128x64xf32, #tpu.memory_space<hbm>>)
      tpu.yield
    }) : () -> ()
    %mul3A_129 = arith.constant 640 : i32
    %mul3A_130 = arith.muli %arg1, %mul3A_129 : i32
    %add3A_131 = arith.constant 384 : i32
    %add3A_132 = arith.addi %mul3A_130, %add3A_131 : i32
    "tpu.region"() ({
      %run_scoped3A_145 = tpu.sem_alloc : memref<!tpu.dma_semaphore, #tpu.memory_space<semaphore_mem>>
      %dma_start3A_146 = arith.constant 0 : i32
      %dma_start3A_147 = tpu.memref_slice %arg14[%add3A_132, %dma_start3A_146] : memref<10240x64xf32, #tpu.memory_space<vmem_shared>> -> memref<128x64xf32, #tpu.memory_space<vmem_shared>>
      %dma_start3A_148 = arith.constant 0 : i32
      %dma_start3A_149 = tpu.memref_slice %arg14[%add3A_132, %dma_start3A_148] : memref<10240x64xf32, #tpu.memory_space<vmem_shared>> -> memref<128x64xf32, #tpu.memory_space<vmem_shared>>
      tpu.enqueue_dma source(%dma_start3A_149 : memref<128x64xf32, #tpu.memory_space<vmem_shared>>) target(%arg13 : memref<128x64xf32, #tpu.memory_space<vmem>>) target_semaphore(%run_scoped3A_145 : memref<!tpu.dma_semaphore, #tpu.memory_space<semaphore_mem>>)
      %dma_wait3A_150 = arith.constant 0 : i32
      %dma_wait3A_151 = tpu.memref_slice %arg14[%add3A_132, %dma_wait3A_150] : memref<10240x64xf32, #tpu.memory_space<vmem_shared>> -> memref<128x64xf32, #tpu.memory_space<vmem_shared>>
      %dma_wait3A_152 = arith.constant 0 : i32
      %dma_wait3A_153 = tpu.memref_slice %arg14[%add3A_132, %dma_wait3A_152] : memref<10240x64xf32, #tpu.memory_space<vmem_shared>> -> memref<128x64xf32, #tpu.memory_space<vmem_shared>>
      tpu.wait_dma2 semaphore(%run_scoped3A_145 : memref<!tpu.dma_semaphore, #tpu.memory_space<semaphore_mem>>) src(%dma_wait3A_153 : memref<128x64xf32, #tpu.memory_space<vmem_shared>>) dst(%arg13 : memref<128x64xf32, #tpu.memory_space<vmem>>)
      tpu.yield
    }) : () -> ()
    %mul3A_133 = arith.constant 640 : i32
    %mul3A_134 = arith.muli %arg1, %mul3A_133 : i32
    %add3A_135 = arith.constant 384 : i32
    %add3A_136 = arith.addi %mul3A_134, %add3A_135 : i32
    "tpu.region"() ({
      %run_scoped3A_145 = tpu.sem_alloc : memref<!tpu.dma_semaphore, #tpu.memory_space<semaphore_mem>>
      %dma_start3A_146 = arith.constant 0 : i32
      %dma_start3A_147 = tpu.memref_slice %arg5[%arg0, %add3A_136, %dma_start3A_146] : memref<2x10240x64xf32, #tpu.memory_space<hbm>> -> memref<1x128x64xf32, #tpu.memory_space<hbm>>
      %dma_start3A_148 = tpu.memref_squeeze %dma_start3A_147 : memref<1x128x64xf32, #tpu.memory_space<hbm>> -> memref<128x64xf32, #tpu.memory_space<hbm>>
      %dma_start3A_149 = arith.constant 0 : i32
      %dma_start3A_150 = tpu.memref_slice %arg5[%arg0, %add3A_136, %dma_start3A_149] : memref<2x10240x64xf32, #tpu.memory_space<hbm>> -> memref<1x128x64xf32, #tpu.memory_space<hbm>>
      %dma_start3A_151 = tpu.memref_squeeze %dma_start3A_150 : memref<1x128x64xf32, #tpu.memory_space<hbm>> -> memref<128x64xf32, #tpu.memory_space<hbm>>
      tpu.enqueue_dma source(%arg13 : memref<128x64xf32, #tpu.memory_space<vmem>>) target(%dma_start3A_151 : memref<128x64xf32, #tpu.memory_space<hbm>>) target_semaphore(%run_scoped3A_145 : memref<!tpu.dma_semaphore, #tpu.memory_space<semaphore_mem>>)
      %dma_wait3A_152 = arith.constant 0 : i32
      %dma_wait3A_153 = tpu.memref_slice %arg5[%arg0, %add3A_136, %dma_wait3A_152] : memref<2x10240x64xf32, #tpu.memory_space<hbm>> -> memref<1x128x64xf32, #tpu.memory_space<hbm>>
      %dma_wait3A_154 = tpu.memref_squeeze %dma_wait3A_153 : memref<1x128x64xf32, #tpu.memory_space<hbm>> -> memref<128x64xf32, #tpu.memory_space<hbm>>
      %dma_wait3A_155 = arith.constant 0 : i32
      %dma_wait3A_156 = tpu.memref_slice %arg5[%arg0, %add3A_136, %dma_wait3A_155] : memref<2x10240x64xf32, #tpu.memory_space<hbm>> -> memref<1x128x64xf32, #tpu.memory_space<hbm>>
      %dma_wait3A_157 = tpu.memref_squeeze %dma_wait3A_156 : memref<1x128x64xf32, #tpu.memory_space<hbm>> -> memref<128x64xf32, #tpu.memory_space<hbm>>
      tpu.wait_dma2 semaphore(%run_scoped3A_145 : memref<!tpu.dma_semaphore, #tpu.memory_space<semaphore_mem>>) src(%arg13 : memref<128x64xf32, #tpu.memory_space<vmem>>) dst(%dma_wait3A_157 : memref<128x64xf32, #tpu.memory_space<hbm>>)
      tpu.yield
    }) : () -> ()
    %mul3A_137 = arith.constant 640 : i32
    %mul3A_138 = arith.muli %arg1, %mul3A_137 : i32
    %add3A_139 = arith.constant 512 : i32
    %add3A_140 = arith.addi %mul3A_138, %add3A_139 : i32
    "tpu.region"() ({
      %run_scoped3A_145 = tpu.sem_alloc : memref<!tpu.dma_semaphore, #tpu.memory_space<semaphore_mem>>
      %dma_start3A_146 = arith.constant 0 : i32
      %dma_start3A_147 = tpu.memref_slice %arg14[%add3A_140, %dma_start3A_146] : memref<10240x64xf32, #tpu.memory_space<vmem_shared>> -> memref<128x64xf32, #tpu.memory_space<vmem_shared>>
      %dma_start3A_148 = arith.constant 0 : i32
      %dma_start3A_149 = tpu.memref_slice %arg14[%add3A_140, %dma_start3A_148] : memref<10240x64xf32, #tpu.memory_space<vmem_shared>> -> memref<128x64xf32, #tpu.memory_space<vmem_shared>>
      tpu.enqueue_dma source(%dma_start3A_149 : memref<128x64xf32, #tpu.memory_space<vmem_shared>>) target(%arg13 : memref<128x64xf32, #tpu.memory_space<vmem>>) target_semaphore(%run_scoped3A_145 : memref<!tpu.dma_semaphore, #tpu.memory_space<semaphore_mem>>)
      %dma_wait3A_150 = arith.constant 0 : i32
      %dma_wait3A_151 = tpu.memref_slice %arg14[%add3A_140, %dma_wait3A_150] : memref<10240x64xf32, #tpu.memory_space<vmem_shared>> -> memref<128x64xf32, #tpu.memory_space<vmem_shared>>
      %dma_wait3A_152 = arith.constant 0 : i32
      %dma_wait3A_153 = tpu.memref_slice %arg14[%add3A_140, %dma_wait3A_152] : memref<10240x64xf32, #tpu.memory_space<vmem_shared>> -> memref<128x64xf32, #tpu.memory_space<vmem_shared>>
      tpu.wait_dma2 semaphore(%run_scoped3A_145 : memref<!tpu.dma_semaphore, #tpu.memory_space<semaphore_mem>>) src(%dma_wait3A_153 : memref<128x64xf32, #tpu.memory_space<vmem_shared>>) dst(%arg13 : memref<128x64xf32, #tpu.memory_space<vmem>>)
      tpu.yield
    }) : () -> ()
    %mul3A_141 = arith.constant 640 : i32
    %mul3A_142 = arith.muli %arg1, %mul3A_141 : i32
    %add3A_143 = arith.constant 512 : i32
    %add3A_144 = arith.addi %mul3A_142, %add3A_143 : i32
    "tpu.region"() ({
      %run_scoped3A_145 = tpu.sem_alloc : memref<!tpu.dma_semaphore, #tpu.memory_space<semaphore_mem>>
      %dma_start3A_146 = arith.constant 0 : i32
      %dma_start3A_147 = tpu.memref_slice %arg5[%arg0, %add3A_144, %dma_start3A_146] : memref<2x10240x64xf32, #tpu.memory_space<hbm>> -> memref<1x128x64xf32, #tpu.memory_space<hbm>>
      %dma_start3A_148 = tpu.memref_squeeze %dma_start3A_147 : memref<1x128x64xf32, #tpu.memory_space<hbm>> -> memref<128x64xf32, #tpu.memory_space<hbm>>
      %dma_start3A_149 = arith.constant 0 : i32
      %dma_start3A_150 = tpu.memref_slice %arg5[%arg0, %add3A_144, %dma_start3A_149] : memref<2x10240x64xf32, #tpu.memory_space<hbm>> -> memref<1x128x64xf32, #tpu.memory_space<hbm>>
      %dma_start3A_151 = tpu.memref_squeeze %dma_start3A_150 : memref<1x128x64xf32, #tpu.memory_space<hbm>> -> memref<128x64xf32, #tpu.memory_space<hbm>>
      tpu.enqueue_dma source(%arg13 : memref<128x64xf32, #tpu.memory_space<vmem>>) target(%dma_start3A_151 : memref<128x64xf32, #tpu.memory_space<hbm>>) target_semaphore(%run_scoped3A_145 : memref<!tpu.dma_semaphore, #tpu.memory_space<semaphore_mem>>)
      %dma_wait3A_152 = arith.constant 0 : i32
      %dma_wait3A_153 = tpu.memref_slice %arg5[%arg0, %add3A_144, %dma_wait3A_152] : memref<2x10240x64xf32, #tpu.memory_space<hbm>> -> memref<1x128x64xf32, #tpu.memory_space<hbm>>
      %dma_wait3A_154 = tpu.memref_squeeze %dma_wait3A_153 : memref<1x128x64xf32, #tpu.memory_space<hbm>> -> memref<128x64xf32, #tpu.memory_space<hbm>>
      %dma_wait3A_155 = arith.constant 0 : i32
      %dma_wait3A_156 = tpu.memref_slice %arg5[%arg0, %add3A_144, %dma_wait3A_155] : memref<2x10240x64xf32, #tpu.memory_space<hbm>> -> memref<1x128x64xf32, #tpu.memory_space<hbm>>
      %dma_wait3A_157 = tpu.memref_squeeze %dma_wait3A_156 : memref<1x128x64xf32, #tpu.memory_space<hbm>> -> memref<128x64xf32, #tpu.memory_space<hbm>>
      tpu.wait_dma2 semaphore(%run_scoped3A_145 : memref<!tpu.dma_semaphore, #tpu.memory_space<semaphore_mem>>) src(%arg13 : memref<128x64xf32, #tpu.memory_space<vmem>>) dst(%dma_wait3A_157 : memref<128x64xf32, #tpu.memory_space<hbm>>)
      tpu.yield
    }) : () -> ()
    return
  }
}

#map = affine_map<(d0, d1) -> (0, 0, 0)>
module attributes {stable_mosaic.version = 14 : i64} {
  func.func @_deg_kernel(%arg0: i32, %arg1: i32, %arg2: memref<32x80x128xi32, #tpu.memory_space<hbm>>, %arg3: memref<2x10240x16xf32, #tpu.memory_space<hbm>>, %arg4: memref<80x128xi32, #tpu.memory_space<vmem>>, %arg5: memref<128x16xf32, #tpu.memory_space<vmem>>, %arg6: memref<640x16xf32, #tpu.memory_space<vmem>>, %arg7: memref<10240x16xf32, #tpu.memory_space<vmem_shared>>) attributes {dimension_semantics = [#tpu.dimension_semantics<core_parallel>, #tpu.dimension_semantics<subcore_parallel>], iteration_bounds = array<i64: 2, 16>, scalar_prefetch = 0 : i64, scratch_operands = 4 : i64, tpu.core_type = #tpu.core_type<sc_vector_subcore>, window_params = [{transform_indices = #map}, {transform_indices = #map}]} {
    %mul3A = arith.constant 2 : i32
    %mul3A_0 = arith.muli %arg1, %mul3A : i32
    %add3A = arith.addi %mul3A_0, %arg0 : i32
    %scan3A = arith.constant 0 : i32
    %scan3A_1 = arith.constant 0 : i32
    %scan3A_2 = arith.constant 128 : i32
    %scan3A_3 = arith.addi %scan3A_1, %scan3A_2 : i32
    %scan3A_4 = arith.constant 1 : i32
    scf.for %scan3A_25 = %scan3A_1 to %scan3A_3 step %scan3A_4  : i32 {
      %broadcast_in_dim3A = arith.constant 1.000000e+00 : f32
      %broadcast_in_dim3A_26 = vector.broadcast %broadcast_in_dim3A : f32 to vector<16xf32>
      %swap3A = arith.index_cast %scan3A_25 : i32 to index
      %swap3A_27 = arith.constant 0 : index
      %swap3A_28 = tpu.vector_load %arg5[%swap3A, %swap3A_27] {strides = array<i32>} : memref<128x16xf32, #tpu.memory_space<vmem>>, vector<1x16xf32>,
      %swap3A_29 = vector.shape_cast %swap3A_28 : vector<1x16xf32> to vector<16xf32>
      %swap3A_30 = vector.shape_cast %broadcast_in_dim3A_26 : vector<16xf32> to vector<1x16xf32>
      tpu.vector_store %arg5[%swap3A, %swap3A_27], %swap3A_30 {strides = array<i32>} : memref<128x16xf32, #tpu.memory_space<vmem>>, vector<1x16xf32>,
    }
    %scan3A_5 = arith.constant 128 : i32
    %scan3A_6 = arith.constant 0 : i32
    %scan3A_7 = arith.constant 0 : i32
    %scan3A_8 = arith.constant 640 : i32
    %scan3A_9 = arith.addi %scan3A_7, %scan3A_8 : i32
    %scan3A_10 = arith.constant 1 : i32
    scf.for %scan3A_25 = %scan3A_7 to %scan3A_9 step %scan3A_10  : i32 {
      %broadcast_in_dim3A = arith.constant 0.000000e+00 : f32
      %broadcast_in_dim3A_26 = vector.broadcast %broadcast_in_dim3A : f32 to vector<16xf32>
      %swap3A = arith.index_cast %scan3A_25 : i32 to index
      %swap3A_27 = arith.constant 0 : index
      %swap3A_28 = tpu.vector_load %arg6[%swap3A, %swap3A_27] {strides = array<i32>} : memref<640x16xf32, #tpu.memory_space<vmem>>, vector<1x16xf32>,
      %swap3A_29 = vector.shape_cast %swap3A_28 : vector<1x16xf32> to vector<16xf32>
      %swap3A_30 = vector.shape_cast %broadcast_in_dim3A_26 : vector<16xf32> to vector<1x16xf32>
      tpu.vector_store %arg6[%swap3A, %swap3A_27], %swap3A_30 {strides = array<i32>} : memref<640x16xf32, #tpu.memory_space<vmem>>, vector<1x16xf32>,
    }
    %scan3A_11 = arith.constant 640 : i32
    %mul3A_12 = arith.constant 640 : i32
    %mul3A_13 = arith.muli %arg1, %mul3A_12 : i32
    "tpu.region"() ({
      %run_scoped3A = tpu.sem_alloc : memref<!tpu.dma_semaphore, #tpu.memory_space<semaphore_mem>>
      %dma_start3A = arith.constant 0 : i32
      %dma_start3A_25 = tpu.memref_slice %arg7[%mul3A_13, %dma_start3A] : memref<10240x16xf32, #tpu.memory_space<vmem_shared>> -> memref<640x16xf32, #tpu.memory_space<vmem_shared>>
      %dma_start3A_26 = arith.constant 0 : i32
      %dma_start3A_27 = tpu.memref_slice %arg7[%mul3A_13, %dma_start3A_26] : memref<10240x16xf32, #tpu.memory_space<vmem_shared>> -> memref<640x16xf32, #tpu.memory_space<vmem_shared>>
      tpu.enqueue_dma source(%arg6 : memref<640x16xf32, #tpu.memory_space<vmem>>) target(%dma_start3A_27 : memref<640x16xf32, #tpu.memory_space<vmem_shared>>) target_semaphore(%run_scoped3A : memref<!tpu.dma_semaphore, #tpu.memory_space<semaphore_mem>>)
      %dma_wait3A = arith.constant 0 : i32
      %dma_wait3A_28 = tpu.memref_slice %arg7[%mul3A_13, %dma_wait3A] : memref<10240x16xf32, #tpu.memory_space<vmem_shared>> -> memref<640x16xf32, #tpu.memory_space<vmem_shared>>
      %dma_wait3A_29 = arith.constant 0 : i32
      %dma_wait3A_30 = tpu.memref_slice %arg7[%mul3A_13, %dma_wait3A_29] : memref<10240x16xf32, #tpu.memory_space<vmem_shared>> -> memref<640x16xf32, #tpu.memory_space<vmem_shared>>
      tpu.wait_dma2 semaphore(%run_scoped3A : memref<!tpu.dma_semaphore, #tpu.memory_space<semaphore_mem>>) src(%arg6 : memref<640x16xf32, #tpu.memory_space<vmem>>) dst(%dma_wait3A_30 : memref<640x16xf32, #tpu.memory_space<vmem_shared>>)
      tpu.yield
    }) : () -> ()
    %barrier3A = arith.constant 0 : index
    tpu.barrier barrier_id(%barrier3A)
    "tpu.region"() ({
      %run_scoped3A = tpu.sem_alloc : memref<!tpu.dma_semaphore, #tpu.memory_space<semaphore_mem>>
      %dma_start3A = arith.constant 0 : i32
      %dma_start3A_25 = arith.constant 0 : i32
      %dma_start3A_26 = tpu.memref_slice %arg2[%add3A, %dma_start3A, %dma_start3A_25] : memref<32x80x128xi32, #tpu.memory_space<hbm>> -> memref<1x80x128xi32, #tpu.memory_space<hbm>>
      %dma_start3A_27 = tpu.memref_squeeze %dma_start3A_26 : memref<1x80x128xi32, #tpu.memory_space<hbm>> -> memref<80x128xi32, #tpu.memory_space<hbm>>
      %dma_start3A_28 = arith.constant 0 : i32
      %dma_start3A_29 = arith.constant 0 : i32
      %dma_start3A_30 = tpu.memref_slice %arg2[%add3A, %dma_start3A_28, %dma_start3A_29] : memref<32x80x128xi32, #tpu.memory_space<hbm>> -> memref<1x80x128xi32, #tpu.memory_space<hbm>>
      %dma_start3A_31 = tpu.memref_squeeze %dma_start3A_30 : memref<1x80x128xi32, #tpu.memory_space<hbm>> -> memref<80x128xi32, #tpu.memory_space<hbm>>
      tpu.enqueue_dma source(%dma_start3A_31 : memref<80x128xi32, #tpu.memory_space<hbm>>) target(%arg4 : memref<80x128xi32, #tpu.memory_space<vmem>>) target_semaphore(%run_scoped3A : memref<!tpu.dma_semaphore, #tpu.memory_space<semaphore_mem>>)
      %dma_wait3A = arith.constant 0 : i32
      %dma_wait3A_32 = arith.constant 0 : i32
      %dma_wait3A_33 = tpu.memref_slice %arg2[%add3A, %dma_wait3A, %dma_wait3A_32] : memref<32x80x128xi32, #tpu.memory_space<hbm>> -> memref<1x80x128xi32, #tpu.memory_space<hbm>>
      %dma_wait3A_34 = tpu.memref_squeeze %dma_wait3A_33 : memref<1x80x128xi32, #tpu.memory_space<hbm>> -> memref<80x128xi32, #tpu.memory_space<hbm>>
      %dma_wait3A_35 = arith.constant 0 : i32
      %dma_wait3A_36 = arith.constant 0 : i32
      %dma_wait3A_37 = tpu.memref_slice %arg2[%add3A, %dma_wait3A_35, %dma_wait3A_36] : memref<32x80x128xi32, #tpu.memory_space<hbm>> -> memref<1x80x128xi32, #tpu.memory_space<hbm>>
      %dma_wait3A_38 = tpu.memref_squeeze %dma_wait3A_37 : memref<1x80x128xi32, #tpu.memory_space<hbm>> -> memref<80x128xi32, #tpu.memory_space<hbm>>
      tpu.wait_dma2 semaphore(%run_scoped3A : memref<!tpu.dma_semaphore, #tpu.memory_space<semaphore_mem>>) src(%dma_wait3A_38 : memref<80x128xi32, #tpu.memory_space<hbm>>) dst(%arg4 : memref<80x128xi32, #tpu.memory_space<vmem>>)
      tpu.yield
    }) : () -> ()
    %scan3A_14 = arith.constant 0 : i32
    %scan3A_15 = arith.constant 0 : i32
    %scan3A_16 = arith.constant 80 : i32
    %scan3A_17 = arith.addi %scan3A_15, %scan3A_16 : i32
    %scan3A_18 = arith.constant 1 : i32
    scf.for %scan3A_25 = %scan3A_15 to %scan3A_17 step %scan3A_18  : i32 {
      "tpu.region"() ({
        %run_scoped3A = tpu.sem_alloc : memref<!tpu.dma_semaphore, #tpu.memory_space<semaphore_mem>>
        %dma_start3A = arith.constant 0 : i32
        %dma_start3A_26 = tpu.memref_slice %arg4[%scan3A_25, %dma_start3A] : memref<80x128xi32, #tpu.memory_space<vmem>> -> memref<1x128xi32, #tpu.memory_space<vmem>>
        %dma_start3A_27 = tpu.memref_squeeze %dma_start3A_26 : memref<1x128xi32, #tpu.memory_space<vmem>> -> memref<128xi32, #tpu.memory_space<vmem>>
        %dma_start3A_28 = arith.constant 0 : i32
        %dma_start3A_29 = arith.constant 0 : i32
        %dma_start3A_30 = tpu.memref_slice %arg7[%dma_start3A_28, %dma_start3A_29] : memref<10240x16xf32, #tpu.memory_space<vmem_shared>> -> memref<10240x16xf32, #tpu.memory_space<vmem_shared>>
        tpu.enqueue_indirect_dma source(%arg5 : memref<128x16xf32, #tpu.memory_space<vmem>>) target(%dma_start3A_30 : memref<10240x16xf32, #tpu.memory_space<vmem_shared>>) offsets(%dma_start3A_27 : memref<128xi32, #tpu.memory_space<vmem>>) semaphore(%run_scoped3A : memref<!tpu.dma_semaphore, #tpu.memory_space<semaphore_mem>>) {add = true}
        %dma_wait3A = arith.constant 0 : i32
        %dma_wait3A_31 = tpu.memref_slice %arg4[%scan3A_25, %dma_wait3A] : memref<80x128xi32, #tpu.memory_space<vmem>> -> memref<1x128xi32, #tpu.memory_space<vmem>>
        %dma_wait3A_32 = tpu.memref_squeeze %dma_wait3A_31 : memref<1x128xi32, #tpu.memory_space<vmem>> -> memref<128xi32, #tpu.memory_space<vmem>>
        %dma_wait3A_33 = arith.constant 0 : i32
        %dma_wait3A_34 = arith.constant 0 : i32
        %dma_wait3A_35 = tpu.memref_slice %arg7[%dma_wait3A_33, %dma_wait3A_34] : memref<10240x16xf32, #tpu.memory_space<vmem_shared>> -> memref<10240x16xf32, #tpu.memory_space<vmem_shared>>
        tpu.wait_indirect_dma semaphore(%run_scoped3A : memref<!tpu.dma_semaphore, #tpu.memory_space<semaphore_mem>>) src(%arg5 : memref<128x16xf32, #tpu.memory_space<vmem>>) dst(%dma_wait3A_35 : memref<10240x16xf32, #tpu.memory_space<vmem_shared>>)
        tpu.yield
      }) : () -> ()
    }
    %scan3A_19 = arith.constant 80 : i32
    %barrier3A_20 = arith.constant 0 : index
    tpu.barrier barrier_id(%barrier3A_20)
    %mul3A_21 = arith.constant 640 : i32
    %mul3A_22 = arith.muli %arg1, %mul3A_21 : i32
    "tpu.region"() ({
      %run_scoped3A = tpu.sem_alloc : memref<!tpu.dma_semaphore, #tpu.memory_space<semaphore_mem>>
      %dma_start3A = arith.constant 0 : i32
      %dma_start3A_25 = tpu.memref_slice %arg7[%mul3A_22, %dma_start3A] : memref<10240x16xf32, #tpu.memory_space<vmem_shared>> -> memref<640x16xf32, #tpu.memory_space<vmem_shared>>
      %dma_start3A_26 = arith.constant 0 : i32
      %dma_start3A_27 = tpu.memref_slice %arg7[%mul3A_22, %dma_start3A_26] : memref<10240x16xf32, #tpu.memory_space<vmem_shared>> -> memref<640x16xf32, #tpu.memory_space<vmem_shared>>
      tpu.enqueue_dma source(%dma_start3A_27 : memref<640x16xf32, #tpu.memory_space<vmem_shared>>) target(%arg6 : memref<640x16xf32, #tpu.memory_space<vmem>>) target_semaphore(%run_scoped3A : memref<!tpu.dma_semaphore, #tpu.memory_space<semaphore_mem>>)
      %dma_wait3A = arith.constant 0 : i32
      %dma_wait3A_28 = tpu.memref_slice %arg7[%mul3A_22, %dma_wait3A] : memref<10240x16xf32, #tpu.memory_space<vmem_shared>> -> memref<640x16xf32, #tpu.memory_space<vmem_shared>>
      %dma_wait3A_29 = arith.constant 0 : i32
      %dma_wait3A_30 = tpu.memref_slice %arg7[%mul3A_22, %dma_wait3A_29] : memref<10240x16xf32, #tpu.memory_space<vmem_shared>> -> memref<640x16xf32, #tpu.memory_space<vmem_shared>>
      tpu.wait_dma2 semaphore(%run_scoped3A : memref<!tpu.dma_semaphore, #tpu.memory_space<semaphore_mem>>) src(%dma_wait3A_30 : memref<640x16xf32, #tpu.memory_space<vmem_shared>>) dst(%arg6 : memref<640x16xf32, #tpu.memory_space<vmem>>)
      tpu.yield
    }) : () -> ()
    %mul3A_23 = arith.constant 640 : i32
    %mul3A_24 = arith.muli %arg1, %mul3A_23 : i32
    "tpu.region"() ({
      %run_scoped3A = tpu.sem_alloc : memref<!tpu.dma_semaphore, #tpu.memory_space<semaphore_mem>>
      %dma_start3A = arith.constant 0 : i32
      %dma_start3A_25 = tpu.memref_slice %arg3[%arg0, %mul3A_24, %dma_start3A] : memref<2x10240x16xf32, #tpu.memory_space<hbm>> -> memref<1x640x16xf32, #tpu.memory_space<hbm>>
      %dma_start3A_26 = tpu.memref_squeeze %dma_start3A_25 : memref<1x640x16xf32, #tpu.memory_space<hbm>> -> memref<640x16xf32, #tpu.memory_space<hbm>>
      %dma_start3A_27 = arith.constant 0 : i32
      %dma_start3A_28 = tpu.memref_slice %arg3[%arg0, %mul3A_24, %dma_start3A_27] : memref<2x10240x16xf32, #tpu.memory_space<hbm>> -> memref<1x640x16xf32, #tpu.memory_space<hbm>>
      %dma_start3A_29 = tpu.memref_squeeze %dma_start3A_28 : memref<1x640x16xf32, #tpu.memory_space<hbm>> -> memref<640x16xf32, #tpu.memory_space<hbm>>
      tpu.enqueue_dma source(%arg6 : memref<640x16xf32, #tpu.memory_space<vmem>>) target(%dma_start3A_29 : memref<640x16xf32, #tpu.memory_space<hbm>>) target_semaphore(%run_scoped3A : memref<!tpu.dma_semaphore, #tpu.memory_space<semaphore_mem>>)
      %dma_wait3A = arith.constant 0 : i32
      %dma_wait3A_30 = tpu.memref_slice %arg3[%arg0, %mul3A_24, %dma_wait3A] : memref<2x10240x16xf32, #tpu.memory_space<hbm>> -> memref<1x640x16xf32, #tpu.memory_space<hbm>>
      %dma_wait3A_31 = tpu.memref_squeeze %dma_wait3A_30 : memref<1x640x16xf32, #tpu.memory_space<hbm>> -> memref<640x16xf32, #tpu.memory_space<hbm>>
      %dma_wait3A_32 = arith.constant 0 : i32
      %dma_wait3A_33 = tpu.memref_slice %arg3[%arg0, %mul3A_24, %dma_wait3A_32] : memref<2x10240x16xf32, #tpu.memory_space<hbm>> -> memref<1x640x16xf32, #tpu.memory_space<hbm>>
      %dma_wait3A_34 = tpu.memref_squeeze %dma_wait3A_33 : memref<1x640x16xf32, #tpu.memory_space<hbm>> -> memref<640x16xf32, #tpu.memory_space<hbm>>
      tpu.wait_dma2 semaphore(%run_scoped3A : memref<!tpu.dma_semaphore, #tpu.memory_space<semaphore_mem>>) src(%arg6 : memref<640x16xf32, #tpu.memory_space<vmem>>) dst(%dma_wait3A_34 : memref<640x16xf32, #tpu.memory_space<hbm>>)
      tpu.yield
    }) : () -> ()
    return
  }
}

module attributes {stable_mosaic.version = 14 : i64} {
  func.func @_tc1_body(%arg0: i32, %arg1: memref<2000x128xf32, #tpu.memory_space<vmem>>, %arg2: memref<128x64xf32, #tpu.memory_space<vmem>>, %arg3: memref<2x2000x16xf32, #tpu.memory_space<vmem>>, %arg4: memref<2000x64xf32, #tpu.memory_space<vmem>>, %arg5: memref<2000x64xf32, #tpu.memory_space<vmem>>) attributes {dimension_semantics = [#tpu.dimension_semantics<arbitrary>], iteration_bounds = array<i64: 5>, scalar_prefetch = 0 : i64, scratch_operands = 0 : i64, tpu.core_type = #tpu.core_type<tc>, window_params = [{transform_indices = @transform_0, window_bounds = array<i64: 2000, 128>}, {pipeline_mode = #tpu.pipeline_mode<synchronous>, transform_indices = @transform_1, window_bounds = array<i64: 128, 64>}, {transform_indices = @transform_2, window_bounds = array<i64: 2, 2000, 16>}, {transform_indices = @transform_3, window_bounds = array<i64: 2000, 64>}, {transform_indices = @transform_4, window_bounds = array<i64: 2000, 64>}]} {
    %get3A = arith.constant 0 : index
    %get3A_0 = arith.constant 0 : index
    %get3A_1 = arith.constant 0 : index
    %get3A_2 = vector.load %arg3[%get3A, %get3A_0, %get3A_1] : memref<2x2000x16xf32, #tpu.memory_space<vmem>>, vector<1x2000x1xf32>
    %get3A_3 = vector.shape_cast %get3A_2 : vector<1x2000x1xf32> to vector<2000x1xf32>
    %get3A_4 = arith.constant 1 : index
    %get3A_5 = arith.constant 0 : index
    %get3A_6 = arith.constant 0 : index
    %get3A_7 = vector.load %arg3[%get3A_4, %get3A_5, %get3A_6] : memref<2x2000x16xf32, #tpu.memory_space<vmem>>, vector<1x2000x1xf32>
    %get3A_8 = vector.shape_cast %get3A_7 : vector<1x2000x1xf32> to vector<2000x1xf32>
    %add3A = arith.addf %get3A_3, %get3A_8 : vector<2000x1xf32>
    %add3A_9 = arith.constant 1.000000e+00 : f32
    %add3A_10 = vector.broadcast %add3A_9 : f32 to vector<2000x1xf32>
    %add3A_11 = arith.addf %add3A, %add3A_10 : vector<2000x1xf32>
    %rsqrt3A = math.rsqrt %add3A_11 : vector<2000x1xf32>
    %get3A_12 = arith.constant 0 : index
    %get3A_13 = arith.constant 0 : index
    %get3A_14 = vector.load %arg1[%get3A_12, %get3A_13] : memref<2000x128xf32, #tpu.memory_space<vmem>>, vector<2000x128xf32>
    %get3A_15 = arith.constant 0 : index
    %get3A_16 = arith.constant 0 : index
    %get3A_17 = vector.load %arg2[%get3A_15, %get3A_16] : memref<128x64xf32, #tpu.memory_space<vmem>>, vector<128x64xf32>
    %dot_general3A = arith.constant dense<0.000000e+00> : vector<2000x64xf32>
    %dot_general3A_18 = tpu.matmul %get3A_14, %get3A_17, %dot_general3A {dimension_numbers = #tpu.dot_dimension_numbers<[1], [0], [0], [1], [0, 0, 1, 1], [], []>, transpose_lhs_hint = false} : vector<2000x128xf32>, vector<128x64xf32>, vector<2000x64xf32> -> vector<2000x64xf32>
    %swap3A = arith.constant 0 : index
    %swap3A_19 = arith.constant 0 : index
    %swap3A_20 = vector.load %arg4[%swap3A, %swap3A_19] : memref<2000x64xf32, #tpu.memory_space<vmem>>, vector<2000x64xf32>
    tpu.vector_store %arg4[%swap3A, %swap3A_19], %dot_general3A_18 {strides = array<i32>} : memref<2000x64xf32, #tpu.memory_space<vmem>>, vector<2000x64xf32>,
    %mul3A = vector.broadcast %rsqrt3A : vector<2000x1xf32> to vector<2000x64xf32>
    %mul3A_21 = arith.mulf %dot_general3A_18, %mul3A : vector<2000x64xf32>
    %swap3A_22 = arith.constant 0 : index
    %swap3A_23 = arith.constant 0 : index
    %swap3A_24 = vector.load %arg5[%swap3A_22, %swap3A_23] : memref<2000x64xf32, #tpu.memory_space<vmem>>, vector<2000x64xf32>
    tpu.vector_store %arg5[%swap3A_22, %swap3A_23], %mul3A_21 {strides = array<i32>} : memref<2000x64xf32, #tpu.memory_space<vmem>>, vector<2000x64xf32>,
    return
  }
  func.func @transform_0(%arg0: i32) -> (i32, i32) {
    %c0_i32 = arith.constant 0 : i32
    %c0_i32_0 = arith.constant 0 : i32
    return %arg0, %c0_i32 : i32, i32
  }
  func.func @transform_1(%arg0: i32) -> (i32, i32) {
    %c0_i32 = arith.constant 0 : i32
    %c0_i32_0 = arith.constant 0 : i32
    %c0_i32_1 = arith.constant 0 : i32
    return %c0_i32, %c0_i32_0 : i32, i32
  }
  func.func @transform_2(%arg0: i32) -> (i32, i32, i32) {
    %c0_i32 = arith.constant 0 : i32
    %c0_i32_0 = arith.constant 0 : i32
    %c0_i32_1 = arith.constant 0 : i32
    return %c0_i32, %arg0, %c0_i32_0 : i32, i32, i32
  }
  func.func @transform_3(%arg0: i32) -> (i32, i32) {
    %c0_i32 = arith.constant 0 : i32
    %c0_i32_0 = arith.constant 0 : i32
    return %arg0, %c0_i32 : i32, i32
  }
  func.func @transform_4(%arg0: i32) -> (i32, i32) {
    %c0_i32 = arith.constant 0 : i32
    %c0_i32_0 = arith.constant 0 : i32
    return %arg0, %c0_i32 : i32, i32
  }
}

module attributes {stable_mosaic.version = 14 : i64} {
  func.func @_tc2_body(%arg0: i32, %arg1: memref<2x2000x16xf32, #tpu.memory_space<vmem>>, %arg2: memref<2x2000x64xf32, #tpu.memory_space<vmem>>, %arg3: memref<2000x64xf32, #tpu.memory_space<vmem>>, %arg4: memref<1x64xf32, #tpu.memory_space<vmem>>, %arg5: memref<64x32xf32, #tpu.memory_space<vmem>>, %arg6: memref<2000x32xf32, #tpu.memory_space<vmem>>, %arg7: memref<2000x32xf32, #tpu.memory_space<vmem>>) attributes {dimension_semantics = [#tpu.dimension_semantics<arbitrary>], iteration_bounds = array<i64: 5>, scalar_prefetch = 0 : i64, scratch_operands = 0 : i64, tpu.core_type = #tpu.core_type<tc>, window_params = [{transform_indices = @transform_0, window_bounds = array<i64: 2, 2000, 16>}, {transform_indices = @transform_1, window_bounds = array<i64: 2, 2000, 64>}, {transform_indices = @transform_2, window_bounds = array<i64: 2000, 64>}, {pipeline_mode = #tpu.pipeline_mode<synchronous>, transform_indices = @transform_3, window_bounds = array<i64: 1, 64>}, {pipeline_mode = #tpu.pipeline_mode<synchronous>, transform_indices = @transform_4, window_bounds = array<i64: 64, 32>}, {transform_indices = @transform_5, window_bounds = array<i64: 2000, 32>}, {transform_indices = @transform_6, window_bounds = array<i64: 2000, 32>}]} {
    %get3A = arith.constant 0 : index
    %get3A_0 = arith.constant 0 : index
    %get3A_1 = arith.constant 0 : index
    %get3A_2 = vector.load %arg1[%get3A, %get3A_0, %get3A_1] : memref<2x2000x16xf32, #tpu.memory_space<vmem>>, vector<1x2000x1xf32>
    %get3A_3 = vector.shape_cast %get3A_2 : vector<1x2000x1xf32> to vector<2000x1xf32>
    %get3A_4 = arith.constant 1 : index
    %get3A_5 = arith.constant 0 : index
    %get3A_6 = arith.constant 0 : index
    %get3A_7 = vector.load %arg1[%get3A_4, %get3A_5, %get3A_6] : memref<2x2000x16xf32, #tpu.memory_space<vmem>>, vector<1x2000x1xf32>
    %get3A_8 = vector.shape_cast %get3A_7 : vector<1x2000x1xf32> to vector<2000x1xf32>
    %add3A = arith.addf %get3A_3, %get3A_8 : vector<2000x1xf32>
    %add3A_9 = arith.constant 1.000000e+00 : f32
    %add3A_10 = vector.broadcast %add3A_9 : f32 to vector<2000x1xf32>
    %add3A_11 = arith.addf %add3A, %add3A_10 : vector<2000x1xf32>
    %rsqrt3A = math.rsqrt %add3A_11 : vector<2000x1xf32>
    %get3A_12 = arith.constant 0 : index
    %get3A_13 = arith.constant 0 : index
    %get3A_14 = arith.constant 0 : index
    %get3A_15 = vector.load %arg2[%get3A_12, %get3A_13, %get3A_14] : memref<2x2000x64xf32, #tpu.memory_space<vmem>>, vector<1x2000x64xf32>
    %get3A_16 = vector.shape_cast %get3A_15 : vector<1x2000x64xf32> to vector<2000x64xf32>
    %get3A_17 = arith.constant 1 : index
    %get3A_18 = arith.constant 0 : index
    %get3A_19 = arith.constant 0 : index
    %get3A_20 = vector.load %arg2[%get3A_17, %get3A_18, %get3A_19] : memref<2x2000x64xf32, #tpu.memory_space<vmem>>, vector<1x2000x64xf32>
    %get3A_21 = vector.shape_cast %get3A_20 : vector<1x2000x64xf32> to vector<2000x64xf32>
    %add3A_22 = arith.addf %get3A_16, %get3A_21 : vector<2000x64xf32>
    %mul3A = vector.broadcast %rsqrt3A : vector<2000x1xf32> to vector<2000x64xf32>
    %mul3A_23 = arith.mulf %mul3A, %add3A_22 : vector<2000x64xf32>
    %mul3A_24 = arith.mulf %rsqrt3A, %rsqrt3A : vector<2000x1xf32>
    %get3A_25 = arith.constant 0 : index
    %get3A_26 = arith.constant 0 : index
    %get3A_27 = vector.load %arg3[%get3A_25, %get3A_26] : memref<2000x64xf32, #tpu.memory_space<vmem>>, vector<2000x64xf32>
    %mul3A_28 = vector.broadcast %mul3A_24 : vector<2000x1xf32> to vector<2000x64xf32>
    %mul3A_29 = arith.mulf %mul3A_28, %get3A_27 : vector<2000x64xf32>
    %add3A_30 = arith.addf %mul3A_23, %mul3A_29 : vector<2000x64xf32>
    %get3A_31 = arith.constant 0 : index
    %get3A_32 = arith.constant 0 : index
    %get3A_33 = vector.load %arg4[%get3A_31, %get3A_32] : memref<1x64xf32, #tpu.memory_space<vmem>>, vector<1x64xf32>
    %add3A_34 = vector.broadcast %get3A_33 : vector<1x64xf32> to vector<2000x64xf32>
    %add3A_35 = arith.addf %add3A_30, %add3A_34 : vector<2000x64xf32>
    %max3A = arith.constant 0.000000e+00 : f32
    %max3A_36 = vector.broadcast %max3A : f32 to vector<2000x64xf32>
    %max3A_37 = arith.maximumf %add3A_35, %max3A_36 : vector<2000x64xf32>
    %get3A_38 = arith.constant 0 : index
    %get3A_39 = arith.constant 0 : index
    %get3A_40 = vector.load %arg5[%get3A_38, %get3A_39] : memref<64x32xf32, #tpu.memory_space<vmem>>, vector<64x32xf32>
    %dot_general3A = arith.constant dense<0.000000e+00> : vector<2000x32xf32>
    %dot_general3A_41 = tpu.matmul %max3A_37, %get3A_40, %dot_general3A {dimension_numbers = #tpu.dot_dimension_numbers<[1], [0], [0], [1], [0, 0, 1, 1], [], []>, transpose_lhs_hint = false} : vector<2000x64xf32>, vector<64x32xf32>, vector<2000x32xf32> -> vector<2000x32xf32>
    %swap3A = arith.constant 0 : index
    %swap3A_42 = arith.constant 0 : index
    %swap3A_43 = vector.load %arg6[%swap3A, %swap3A_42] : memref<2000x32xf32, #tpu.memory_space<vmem>>, vector<2000x32xf32>
    tpu.vector_store %arg6[%swap3A, %swap3A_42], %dot_general3A_41 {strides = array<i32>} : memref<2000x32xf32, #tpu.memory_space<vmem>>, vector<2000x32xf32>,
    %mul3A_44 = vector.broadcast %rsqrt3A : vector<2000x1xf32> to vector<2000x32xf32>
    %mul3A_45 = arith.mulf %dot_general3A_41, %mul3A_44 : vector<2000x32xf32>
    %swap3A_46 = arith.constant 0 : index
    %swap3A_47 = arith.constant 0 : index
    %swap3A_48 = vector.load %arg7[%swap3A_46, %swap3A_47] : memref<2000x32xf32, #tpu.memory_space<vmem>>, vector<2000x32xf32>
    tpu.vector_store %arg7[%swap3A_46, %swap3A_47], %mul3A_45 {strides = array<i32>} : memref<2000x32xf32, #tpu.memory_space<vmem>>, vector<2000x32xf32>,
    return
  }
  func.func @transform_0(%arg0: i32) -> (i32, i32, i32) {
    %c0_i32 = arith.constant 0 : i32
    %c0_i32_0 = arith.constant 0 : i32
    %c0_i32_1 = arith.constant 0 : i32
    return %c0_i32, %arg0, %c0_i32_0 : i32, i32, i32
  }
  func.func @transform_1(%arg0: i32) -> (i32, i32, i32) {
    %c0_i32 = arith.constant 0 : i32
    %c0_i32_0 = arith.constant 0 : i32
    %c0_i32_1 = arith.constant 0 : i32
    return %c0_i32, %arg0, %c0_i32_0 : i32, i32, i32
  }
  func.func @transform_2(%arg0: i32) -> (i32, i32) {
    %c0_i32 = arith.constant 0 : i32
    %c0_i32_0 = arith.constant 0 : i32
    return %arg0, %c0_i32 : i32, i32
  }
  func.func @transform_3(%arg0: i32) -> (i32, i32) {
    %c0_i32 = arith.constant 0 : i32
    %c0_i32_0 = arith.constant 0 : i32
    %c0_i32_1 = arith.constant 0 : i32
    return %c0_i32, %c0_i32_0 : i32, i32
  }
  func.func @transform_4(%arg0: i32) -> (i32, i32) {
    %c0_i32 = arith.constant 0 : i32
    %c0_i32_0 = arith.constant 0 : i32
    %c0_i32_1 = arith.constant 0 : i32
    return %c0_i32, %c0_i32_0 : i32, i32
  }
  func.func @transform_5(%arg0: i32) -> (i32, i32) {
    %c0_i32 = arith.constant 0 : i32
    %c0_i32_0 = arith.constant 0 : i32
    return %arg0, %c0_i32 : i32, i32
  }
  func.func @transform_6(%arg0: i32) -> (i32, i32) {
    %c0_i32 = arith.constant 0 : i32
    %c0_i32_0 = arith.constant 0 : i32
    return %arg0, %c0_i32 : i32, i32
  }
}

module attributes {stable_mosaic.version = 14 : i64} {
  func.func @_tc3_body(%arg0: i32, %arg1: memref<2x2000x16xf32, #tpu.memory_space<vmem>>, %arg2: memref<2x2000x32xf32, #tpu.memory_space<vmem>>, %arg3: memref<2000x32xf32, #tpu.memory_space<vmem>>, %arg4: memref<1x32xf32, #tpu.memory_space<vmem>>, %arg5: memref<2000x32xf32, #tpu.memory_space<vmem>>) attributes {dimension_semantics = [#tpu.dimension_semantics<arbitrary>], iteration_bounds = array<i64: 5>, scalar_prefetch = 0 : i64, scratch_operands = 0 : i64, tpu.core_type = #tpu.core_type<tc>, window_params = [{transform_indices = @transform_0, window_bounds = array<i64: 2, 2000, 16>}, {transform_indices = @transform_1, window_bounds = array<i64: 2, 2000, 32>}, {transform_indices = @transform_2, window_bounds = array<i64: 2000, 32>}, {pipeline_mode = #tpu.pipeline_mode<synchronous>, transform_indices = @transform_3, window_bounds = array<i64: 1, 32>}, {transform_indices = @transform_4, window_bounds = array<i64: 2000, 32>}]} {
    %get3A = arith.constant 0 : index
    %get3A_0 = arith.constant 0 : index
    %get3A_1 = arith.constant 0 : index
    %get3A_2 = vector.load %arg1[%get3A, %get3A_0, %get3A_1] : memref<2x2000x16xf32, #tpu.memory_space<vmem>>, vector<1x2000x1xf32>
    %get3A_3 = vector.shape_cast %get3A_2 : vector<1x2000x1xf32> to vector<2000x1xf32>
    %get3A_4 = arith.constant 1 : index
    %get3A_5 = arith.constant 0 : index
    %get3A_6 = arith.constant 0 : index
    %get3A_7 = vector.load %arg1[%get3A_4, %get3A_5, %get3A_6] : memref<2x2000x16xf32, #tpu.memory_space<vmem>>, vector<1x2000x1xf32>
    %get3A_8 = vector.shape_cast %get3A_7 : vector<1x2000x1xf32> to vector<2000x1xf32>
    %add3A = arith.addf %get3A_3, %get3A_8 : vector<2000x1xf32>
    %add3A_9 = arith.constant 1.000000e+00 : f32
    %add3A_10 = vector.broadcast %add3A_9 : f32 to vector<2000x1xf32>
    %add3A_11 = arith.addf %add3A, %add3A_10 : vector<2000x1xf32>
    %rsqrt3A = math.rsqrt %add3A_11 : vector<2000x1xf32>
    %get3A_12 = arith.constant 0 : index
    %get3A_13 = arith.constant 0 : index
    %get3A_14 = arith.constant 0 : index
    %get3A_15 = vector.load %arg2[%get3A_12, %get3A_13, %get3A_14] : memref<2x2000x32xf32, #tpu.memory_space<vmem>>, vector<1x2000x32xf32>
    %get3A_16 = vector.shape_cast %get3A_15 : vector<1x2000x32xf32> to vector<2000x32xf32>
    %get3A_17 = arith.constant 1 : index
    %get3A_18 = arith.constant 0 : index
    %get3A_19 = arith.constant 0 : index
    %get3A_20 = vector.load %arg2[%get3A_17, %get3A_18, %get3A_19] : memref<2x2000x32xf32, #tpu.memory_space<vmem>>, vector<1x2000x32xf32>
    %get3A_21 = vector.shape_cast %get3A_20 : vector<1x2000x32xf32> to vector<2000x32xf32>
    %add3A_22 = arith.addf %get3A_16, %get3A_21 : vector<2000x32xf32>
    %mul3A = vector.broadcast %rsqrt3A : vector<2000x1xf32> to vector<2000x32xf32>
    %mul3A_23 = arith.mulf %mul3A, %add3A_22 : vector<2000x32xf32>
    %mul3A_24 = arith.mulf %rsqrt3A, %rsqrt3A : vector<2000x1xf32>
    %get3A_25 = arith.constant 0 : index
    %get3A_26 = arith.constant 0 : index
    %get3A_27 = vector.load %arg3[%get3A_25, %get3A_26] : memref<2000x32xf32, #tpu.memory_space<vmem>>, vector<2000x32xf32>
    %mul3A_28 = vector.broadcast %mul3A_24 : vector<2000x1xf32> to vector<2000x32xf32>
    %mul3A_29 = arith.mulf %mul3A_28, %get3A_27 : vector<2000x32xf32>
    %add3A_30 = arith.addf %mul3A_23, %mul3A_29 : vector<2000x32xf32>
    %get3A_31 = arith.constant 0 : index
    %get3A_32 = arith.constant 0 : index
    %get3A_33 = vector.load %arg4[%get3A_31, %get3A_32] : memref<1x32xf32, #tpu.memory_space<vmem>>, vector<1x32xf32>
    %add3A_34 = vector.broadcast %get3A_33 : vector<1x32xf32> to vector<2000x32xf32>
    %add3A_35 = arith.addf %add3A_30, %add3A_34 : vector<2000x32xf32>
    %swap3A = arith.constant 0 : index
    %swap3A_36 = arith.constant 0 : index
    %swap3A_37 = vector.load %arg5[%swap3A, %swap3A_36] : memref<2000x32xf32, #tpu.memory_space<vmem>>, vector<2000x32xf32>
    tpu.vector_store %arg5[%swap3A, %swap3A_36], %add3A_35 {strides = array<i32>} : memref<2000x32xf32, #tpu.memory_space<vmem>>, vector<2000x32xf32>,
    return
  }
  func.func @transform_0(%arg0: i32) -> (i32, i32, i32) {
    %c0_i32 = arith.constant 0 : i32
    %c0_i32_0 = arith.constant 0 : i32
    %c0_i32_1 = arith.constant 0 : i32
    return %c0_i32, %arg0, %c0_i32_0 : i32, i32, i32
  }
  func.func @transform_1(%arg0: i32) -> (i32, i32, i32) {
    %c0_i32 = arith.constant 0 : i32
    %c0_i32_0 = arith.constant 0 : i32
    %c0_i32_1 = arith.constant 0 : i32
    return %c0_i32, %arg0, %c0_i32_0 : i32, i32, i32
  }
  func.func @transform_2(%arg0: i32) -> (i32, i32) {
    %c0_i32 = arith.constant 0 : i32
    %c0_i32_0 = arith.constant 0 : i32
    return %arg0, %c0_i32 : i32, i32
  }
  func.func @transform_3(%arg0: i32) -> (i32, i32) {
    %c0_i32 = arith.constant 0 : i32
    %c0_i32_0 = arith.constant 0 : i32
    %c0_i32_1 = arith.constant 0 : i32
    return %c0_i32, %c0_i32_0 : i32, i32
  }
  func.func @transform_4(%arg0: i32) -> (i32, i32) {
    %c0_i32 = arith.constant 0 : i32
    %c0_i32_0 = arith.constant 0 : i32
    return %arg0, %c0_i32 : i32, i32
  }
}

</mosaic_0001>

<sc_bundles>
// kernel: kernel.11.cloned.1.call-start
scs
__scs_entry_jumppad:
0x0: {  	(pc) =	sbr.rel $0x88, $3  }
0x1: {  	(tag) =	ssettag $0x0;
	lr =	simm.s32 $0x1  }
0x2: {  	[smem:$0x3F9B] =	sst lr;
	_ =	strace $0xD0000000  }
0x3: {  	_ = 	snop  }
0x4: {  	_ = 	snop  }
0x5: {  	_ = 	snop  }
0x6: {  	_ = 	snop  }
0x7: {  	_ = 	snop  }
__scs_overlays_trampoline_lowered:
0x8: {  	[smem:$0x3FAA] =	sst s0  }
0x9: {  	[smem:$0x3FAB] =	sst s1  }
0xa: {  	[smem:$0x3FAC] =	sst s2  }
0xb: {  	[smem:$0x3FAD] =	sst s3  }
0xc: {  	[smem:$0x3FAE] =	sst s4  }
0xd: {  	[smem:$0x3FAF] =	sst s5  }
0xe: {  	[smem:$0x3FB0] =	sst s6  }
0xf: {  	[smem:$0x3FB1] =	sst s7  }
0x10: {  	[smem:$0x3FB2] =	sst s8  }
0x11: {  	[smem:$0x3FB3] =	sst s9;
	s0 =	simm.s32 @!p0 $0x0  }
0x12: {  	s1 =	sld [smem:$0x3F99];
	s0 =	simm.s32 @p0 $0x1  }
0x13: {  	[smem:$0x3FB4] =	sst s0;
	s0 =	simm.s32 @!p1 $0x0  }
0x14: {  	s2 =	sld [smem:$0x3F98];
	s0 =	simm.s32 @p1 $0x1  }
0x15: {  	[smem:$0x3FB5] =	sst s0;
	s0 =	simm.s32 @!p2 $0x0  }
0x16: {  	s3 =	sld [smem:$0x3FDB];
	s0 =	simm.s32 @p2 $0x1  }
0x17: {  	s4 =	simm.s32 $0x1BF5;
	[smem:$0x3FB7] =	sst s0  }
0x18: {  	s0 =	sld [smem:$0x3F9A];
	_ =	swait.ge [sflag:s4], $0x0  }
0x19: {  	s7 =	sld [smem:$0x3F9B]  }
0x1a: {  	s8 =	sadd.s32 $0xFFFFE003, lr  }
0x1b: {  	s9 =	sadd.s32 $0xFFFFFEF7, lr;
	s5 =	simm.s32 $0xFFFFFFFF;
	p2 =	slt.u32 s8, $0xFFFFF086  }
0x1c: {  	p1 =	slt.u32 s9, $0xF7A;
	s5 =	simm.s32 @!p2 $0x0  }
0x1d: {  	s5 =	simm.s32 @p1 $0x1;
	p0 =	seq.s32 s7, s2  }
0x1e: {  	s7 =	smul.u32 @!p0 $0xF7A, s2;
	p2 =	seq.s32 @!p0 s5, $0x0  }
0x1f: {  	s9 =	smul.u32 $0xF7A, s1;
	s8 =	simm.s32 @!p0 $0x1BF5;
	p2 =	por !p2, p0  }
0x20: {  	[sflag:s8] =	ssyncset.s32 @!p0 $0xFFFFF086;
	s6 =	sadd.s32 @!p0 s3, s7;
	s7 =	simm.s32 @!p0 $0x108  }
0x21: {  	s3 =	sadd.s32 s3, s9;
	s6 =	sadd.s32 @!p0 $0x88, s6;
	s7 =	simm.s32 @p2 $0x1082  }
0x22: {  	[simem:s7], [sflag:s8] =	dma.local @!p0 [hbm:s6], $0xF7A  }
0x23: {  	s9 =	sor.u32 $0xD0000000, s2;
	s6 =	simm.s32 $0x108;
	_ =	swait.ge @!p0 [sflag:s8], $0x0  }
0x24: {  	s3 =	sadd.s32 $0x88, s3;
	s6 =	simm.s32 @!p1 $0x1082;
	[sflag:s4] =	ssyncset.s32 $0xFFFFF086  }
0x25: {  	[simem:s6], [sflag:s4] =	dma.local [hbm:s3], $0xF7A  }
0x26: {  	[smem:$0x3F9B] =	sst s1;
	(tag) =	ssettag s2;
	_ =	strace s9  }
0x27: {  	s1 =	sld [smem:$0x3FAB]  }
0x28: {  	s2 =	sld [smem:$0x3FAC]  }
0x29: {  	s4 =	sld [smem:$0x3FAE]  }
0x2a: {  	p0 =	seq.s32 s5, $0x0;
	s5 =	sld [smem:$0x3FAF]  }
0x2b: {  	s6 =	sld [smem:$0x3FB0]  }
0x2c: {  	s7 =	sld [smem:$0x3FB1]  }
0x2d: {  	s3 =	simm.s32 $0x108;
	s8 =	sld [smem:$0x3FB2]  }
0x2e: {  	s3 =	simm.s32 @!p0 $0x1082;
	s9 =	sld [smem:$0x3FB3]  }
0x2f: {  	lr =	sadd.s32 s0, s3;
	s0 =	sld [smem:$0x3FAA]  }
0x30: {  	s3 =	sld [smem:$0x3FAD]  }
0x31: {  	[smem:$0x3FB6] =	sst s10  }
0x32: {  	s10 =	sld [smem:$0x3FB4];
	_ =	sdelay $0x3  }
0x33: {  	p0 =	seq.s32 s10, $0x1;
	s10 =	sld [smem:$0x3FB6];
	_ =	sdelay $0x3  }
0x34: {  	[smem:$0x3FB6] =	sst s10  }
0x35: {  	s10 =	sld [smem:$0x3FB5];
	_ =	sdelay $0x3  }
0x36: {  	p1 =	seq.s32 s10, $0x1;
	s10 =	sld [smem:$0x3FB6];
	_ =	sdelay $0x3  }
0x37: {  	[smem:$0x3FB6] =	sst s10  }
0x38: {  	s10 =	sld [smem:$0x3FB7]  }
0x39: {  	_ = 	snop;
	(pc) =	sbr.ind lr, $3  }
0x3a: {  	_ = 	snop  }
0x3b: {  	_ = 	snop  }
0x3c: {  	p2 =	seq.s32 s10, $0x1;
	s10 =	sld [smem:$0x3FB6]  }
0x3d: {  	_ =	shalt  }
0x3e: {  	_ =	shalt  }
0x3f: {  	_ =	shalt  }
0x40: {  	_ =	shalt  }
0x41: {  	_ =	shalt  }
0x42: {  	_ =	shalt  }
0x43: {  	_ =	shalt  }
0x44: {  	_ =	shalt  }
0x45: {  	_ =	shalt  }
0x46: {  	_ =	shalt  }
0x47: {  	_ =	shalt  }
0x48: {  	_ =	shalt  }
0x49: {  	_ =	shalt  }
0x4a: {  	_ =	shalt  }
0x4b: {  	_ =	shalt  }
0x4c: {  	_ =	shalt  }
0x4d: {  	_ =	shalt  }
0x4e: {  	_ =	shalt  }
0x4f: {  	_ =	shalt  }
0x50: {  	_ =	shalt  }
0x51: {  	_ =	shalt  }
0x52: {  	_ =	shalt  }
0x53: {  	_ =	shalt  }
0x54: {  	_ =	shalt  }
0x55: {  	_ =	shalt  }
0x56: {  	_ =	shalt  }
0x57: {  	_ =	shalt  }
0x58: {  	_ =	shalt  }
0x59: {  	_ =	shalt  }
0x5a: {  	_ =	shalt  }
0x5b: {  	_ =	shalt  }
0x5c: {  	_ =	shalt  }
0x5d: {  	_ =	shalt  }
0x5e: {  	_ =	shalt  }
0x5f: {  	_ =	shalt  }
0x60: {  	_ =	shalt  }
0x61: {  	_ =	shalt  }
0x62: {  	_ =	shalt  }
0x63: {  	_ =	shalt  }
0x64: {  	_ =	shalt  }
0x65: {  	_ =	shalt  }
0x66: {  	_ =	shalt  }
0x67: {  	_ =	shalt  }
0x68: {  	_ =	shalt  }
0x69: {  	_ =	shalt  }
0x6a: {  	_ =	shalt  }
0x6b: {  	_ =	shalt  }
0x6c: {  	_ =	shalt  }
0x6d: {  	_ =	shalt  }
0x6e: {  	_ =	shalt  }
0x6f: {  	_ =	shalt  }
0x70: {  	_ =	shalt  }
0x71: {  	_ =	shalt  }
0x72: {  	_ =	shalt  }
0x73: {  	_ =	shalt  }
0x74: {  	_ =	shalt  }
0x75: {  	_ =	shalt  }
0x76: {  	_ =	shalt  }
0x77: {  	_ =	shalt  }
0x78: {  	_ =	shalt  }
0x79: {  	_ =	shalt  }
0x7a: {  	_ =	shalt  }
0x7b: {  	_ =	shalt  }
0x7c: {  	_ =	shalt  }
0x7d: {  	_ =	shalt  }
0x7e: {  	_ =	shalt  }
0x7f: {  	_ =	shalt  }
0x80: {  	_ =	shalt  }
0x81: {  	_ =	shalt  }
0x82: {  	_ =	shalt  }
0x83: {  	_ =	shalt  }
0x84: {  	_ =	shalt  }
0x85: {  	_ =	shalt  }
0x86: {  	_ =	shalt  }
0x87: {  	_ =	shalt  }
.Lfunc_end0:
.L_simem_size_0:
called_computation.1_lowered:
.L_overlay_start_0:
0x88: {  	s2 =	sld [smem:$0x3FD9]  }
0x89: {  	s3 =	sld [smem:$0x3FFE];
	_ =	sdelay $0x1  }
0x8a: {  	s1 =	srdreg.scid  }
0x8b: {  	s0 =	sand.u32 $0x1, s1  }
0x8c: {  	s16 =	sshll.u32 s0, $0xA;
	s2 =	sadd.s32 s3, s2  }
0x8d: {  	s2 =	sadd.s32 s2, s16  }
0x8e: {  	[smem:$0x3FC2] =	sst s2  }
0x8f: {  	_ = 	snop  }
0x90: {  	(tm) =	ssettm $0x1  }
0x91: {  	s17 =	sld [smem:$0x3FFB];
	_ =	sdelay $0x3  }
0x92: {  	_ =	strace s17  }
0x93: {  	s2 =	sld [smem:$0x3FFC];
	_ =	sdelay $0x3  }
0x94: {  	_ =	strace s2  }
0x95: {  	s2 =	sld [smem:$0x3FFD];
	_ =	sdelay $0x3  }
0x96: {  	_ =	strace s2  }
0x97: {  	_ =	strace $0x8FFFFFFF  }
0x98: {  	s18 =	sld [smem:$0x3FDB];
	_ =	sdelay $0x1  }
0x99: {  	s19 =	simm.s32 $_scs_section_size  }
0x9a: {  	s4 =	simm.s32 $_size__tile_overlayer_lowered;
	s5 =	simm.s32 $_tile_overlayer_lowered  }
0x9b: {  	s22 =	simm.s32 $0x1BFF;
	s21 =	sshll.u32 s5, $0x1;
	s2 =	sadd.s32 s19, s18  }
0x9c: {  	s6 =	simm.s32 $0x0;
	s20 =	sshll.u32 s4, $0x1;
	s4 =	sadd.s32 s21, s2  }
0x9d: {  	[timem:s6], [sflag:s22] =	dma.local [hbm:s4], s20  }
0x9e: {  	_ =	swait.ge [sflag:s22], s20  }
0x9f: {  	s3 =	ssub.s32 $0x0, s20;
	[sflag:s22] =	ssyncset.done $0x0  }
0xa0: {  	[sflag:s22] =	ssyncadd.s32 s3;
	_ =	sdelay $0x1  }
0xa1: {  	s23 =	simm.s32 $0x1B8B  }
0xa2: {  	_ =	swait.ge [sflag:s23], $0x1  }
0xa3: {  	[sflag:s23] =	ssyncset.done $0x0  }
0xa4: {  	s25 =	simm.s32 $0x1B8E;
	s24 =	sld [smem:$0x3FFE];
	[sflag:s23] =	ssyncadd.s32 $0xFFFFFFFF  }
0xa5: {  	s26 =	simm.s32 $execute0_lowered;
	[smem:$0x3FD2] =	sst s25  }
0xa6: {  	s4 =	sshll.u32 s26, $0x1;
	_ =	strace $0x80000049;
	[dreg:$0x1] =	wrdreg $0xFFFFFFFF  }
0xa7: {  	s28 =	simm.s32 $_size_execute0_lowered;
	s2 =	sadd.s32 s2, s4;
	[dreg:$0x0] =	wrdreg $0x0  }
0xa8: {  	s4 =	sshll.u32 s28, $0x1;
	[dreg:$0x2] =	wrdreg s2  }
0xa9: {  	[dreg:$0x3] =	wrdreg s4  }
0xaa: {  	[dreg:$0x4] =	wrdreg $0xC0  }
0xab: {  	_ =	task [dreg:s6], $0x5FFFF  }
0xac: {  	[dreg:$0x1] =	wrdreg $0xFFFFFFFF  }
0xad: {  	[dreg:$0x0] =	wrdreg $0x60  }
0xae: {  	[dreg:$0x2] =	wrdreg s24  }
0xaf: {  	[dreg:$0x3] =	wrdreg $0x110000  }
0xb0: {  	[dreg:$0x4] =	wrdreg $0x9  }
0xb1: {  	_ =	task.clear_ibuf [dreg:s6], $0x5FFFF;
	_ =	strace $0x90000049  }
0xb2: {  	s29 =	simm.s32 $0x9;
	_ =	strace $0x8000004B  }
0xb3: {  	_ =	swait.ge [sflag:s29], $0x1  }
0xb4: {  	[sflag:s29] =	ssyncadd.s32 $0xFFFFFFFF  }
0xb5: {  	_ =	strace $0x9000004B  }
0xb6: {  	_ =	sfence  }
0xb7: {  	s30 =	sld [smem:$0x0];
	_ =	sdelay $0x2  }
0xb8: {  	s31 =	sshll.u32 s1, $0xD;
	s1 =	sshrl.u32 s1, $0x2  }
0xb9: {  	s3 =	sand.u32 $0x4000, s31;
	s1 =	sadd.s32 s1, s30  }
0xba: {  	s0 =	sor.u32 s3, s0;
	s1 =	sshll.u32 s1, $0x11  }
0xbb: {  	s0 =	sor.u32 s1, s0  }
0xbc: {  	s0 =	sadd.s32 $0x8F2B, s0  }
0xbd: {  	[sflag:s0] =	ssyncadd.remote.s32 $0x1  }
0xbe: {  	_ =	sfence.sel $0xFFFF  }
0xbf: {  	[dreg:$0x0] =	wrdreg $0xFFFFFFFF;
	(pc) =	sbr.abs _section_cstart, $3  }
0xc0: {  	[dreg:$0x1] =	wrdreg $0xFFFFFFFF  }
0xc1: {  	_ =	task.clear_ibuf [dreg:s6], $0x2FFFF;
	_ =	strace $0x9FFFFFFF  }
0xc2: {  	(tm) =	ssettm $0x7FFFFFFF  }
0xc3: {  	_ =	shalt  }
tec
execute0_lowered:
.L_overlay_start_1:
0x0: {  	(tag) =	ssettag $0x1  }
0x1: {  	s0 =	rddreg [dreg:$0x0];
	s1 =	srdreg.scid  }
0x2: {  	s6 =	stileid.u32;
	s2 =	rddreg [dreg:$0x1];
	s3 =	simm.s32 $0x0  }
0x3: {  	s18 =	simm.s32 $0xF000;
	s19 =	simm.s32 $0x6;
	s21 =	simm.s32 $0x80  }
0x4: {  	s28 =	simm.s32 $0xB000;
	s30 =	simm.s32 $0xD000;
	s31 =	simm.s32 $0x1  }
0x5: {  	s20 =	simm.s32 $0x4;
	s29 =	simm.s32 $0x0;
	s1 =	sand.u32 $0x1, s1  }
0x6: {  	s4 =	sshll.u32 s6, $0x1;
	[smem:$0x7FF] =	sst s3;
	s10 =	smul.u32 $0xA000, s6  }
0x7: {  	s4 =	sor.u32 s1, s4;
	s22 =	ssub.s32 $0x2, s1;
	s1 =	smul.u32 $0xA0000, s1  }
0x8: {  	_ =	strace $0x8000004A;
	s5 =	smul.u32 $0x500, s4;
	s4 =	sadd.s32 $0x70400, s0  }
0x9: {  	s23 =	sshrl.u32 s22, $0x1;
	s12 =	sadd.s32 $0x2000, s10;
	s14 =	sadd.s32 $0x4000, s10  }
0xa: {  	s15 =	sadd.s32 $0x6000, s10;
	s16 =	sadd.s32 $0x8000, s10;
	s17 =	ssub.s32 s22, s23  }
0xb: {  	s6 =	sadd.s32 s12, s2;
	s7 =	sadd.s32 s14, s2;
	s8 =	sadd.s32 s15, s2  }
0xc: {  	s9 =	sadd.s32 s16, s2;
	s12 =	sadd.s32 s1, s12;
	s25 =	sadd.s32 s1, s14  }
0xd: {  	s26 =	sadd.s32 s1, s15;
	s22 =	simm.s32 $0x5000;
	s23 =	simm.s32 $0x7000  }
0xe: {  	s11 =	sadd.s32 s5, s0;
	s0 =	sadd.s32 $0x83E00, s0;
	s5 =	sadd.s32 s10, s2  }
0xf: {  	s10 =	sadd.s32 s10, s1;
	s24 =	sshrl.u32 s12, $0x3;
	s1 =	sadd.s32 s1, s16  }
0x10: {  	s15 =	sshrl.u32 s26, $0x3;
	s17 =	smax.u32 s17, $0x1;
	s13 =	sadd.s32 $0x16400, s11  }
0x11: {  	s10 =	sshrl.u32 s10, $0x3;
	s11 =	sadd.s32 $0x2400, s11;
	[dreg:$0x3] =	wrdreg s13  }
0x12: {  	s1 =	sshrl.u32 s1, $0x3;
	s15 =	sadd.s32 s0, s15;
	[dreg:$0x4] =	wrdreg s11  }
0x13: {  	s12 =	sadd.s32 s0, s10;
	s13 =	sadd.s32 s0, s24;
	s10 =	sshrl.u32 s25, $0x3  }
0x14: {  	s16 =	sadd.s32 s0, s1;
	s25 =	simm.s32 $0x9000;
	s1 =	simm.s32 $0x2  }
0x15: {  	v0 =	vimm.f32 $0.0e+00;
	s24 =	simm.s32 $0x5;
	s14 =	sadd.s32 s0, s10;
	s0 =	simm.s32 $0x3  }
.LBB2_1:
0x16: {  	s26 =	simm.s32 $0x100;
	s10 =	simm.s32 $0x0  }
.LBB2_2:
0x17: {  	p0 =	sne.s32 s26, $0x7F00;
	[tilespmem:s10+$0xF030] =	vst v0;
	s11 =	smov.u32 s26;
	s26 =	sadd.s32 $0x100, s26  }
.Ltmp0:
0x18: {  	[tilespmem:s10+$0xF020] =	vst v0;
	(pc) =	sbr.rel @p0 .LBB2_2-.Ltmp0, $3  }
0x19: {  	[tilespmem:s10+$0xF000] =	vst v0  }
0x1a: {  	[tilespmem:s10+$0xF010] =	vst v0;
	_ =	sdelay $0x1  }
0x1b: {  	s10 =	sshra.s32 s11, $0x2  }
0x1c: {  	[tilespmem:s10+$0xF030] =	vst v0  }
0x1d: {  	[tilespmem:s10+$0xF020] =	vst v0  }
0x1e: {  	[tilespmem:s10+$0xF000] =	vst v0  }
0x1f: {  	[tilespmem:s10+$0xF010] =	vst v0  }
0x20: {  	[spmem:s5] =	stream.linear.scatter [tilespmem:s18], [sflag:$0x6], $0x2000, $0x38;
	[tilespmem:$0x1B000] =	vst v63  }
0x21: {  	_ =	swait.ge [sflag:s19], $0x2000  }
0x22: {  	[sflag:s19] =	ssyncset.done $0x0  }
0x23: {  	[sflag:s19] =	ssyncadd.s32 $0xFFFFE000  }
0x24: {  	[spmem:s6] =	stream.linear.scatter [tilespmem:s18], [sflag:$0x6], $0x2000, $0x38;
	[tilespmem:$0x1B000] =	vst v63  }
0x25: {  	_ =	swait.ge [sflag:s19], $0x2000  }
0x26: {  	[sflag:s19] =	ssyncset.done $0x0  }
0x27: {  	[sflag:s19] =	ssyncadd.s32 $0xFFFFE000  }
0x28: {  	[spmem:s7] =	stream.linear.scatter [tilespmem:s18], [sflag:$0x6], $0x2000, $0x38;
	[tilespmem:$0x1B000] =	vst v63  }
0x29: {  	_ =	swait.ge [sflag:s19], $0x2000  }
0x2a: {  	[sflag:s19] =	ssyncset.done $0x0  }
0x2b: {  	[sflag:s19] =	ssyncadd.s32 $0xFFFFE000  }
0x2c: {  	[spmem:s8] =	stream.linear.scatter [tilespmem:s18], [sflag:$0x6], $0x2000, $0x38;
	[tilespmem:$0x1B000] =	vst v63  }
0x2d: {  	_ =	swait.ge [sflag:s19], $0x2000  }
0x2e: {  	[sflag:s19] =	ssyncset.done $0x0  }
0x2f: {  	[sflag:s19] =	ssyncadd.s32 $0xFFFFE000  }
0x30: {  	[spmem:s9] =	stream.linear.scatter [tilespmem:s18], [sflag:$0x6], $0x2000, $0x38;
	[tilespmem:$0x1B000] =	vst v63  }
0x31: {  	_ =	swait.ge [sflag:s19], $0x2000  }
0x32: {  	[sflag:s19] =	ssyncset.done $0x0  }
0x33: {  	[sflag:s19] =	ssyncadd.s32 $0xFFFFE000  }
0x34: {  	[bflag:$0x0] =	sbarrier.arrive $0xFFFF  }
0x35: {  	s10 =	simm.s32 $0x0;
	s11 =	rddreg [dreg:$0x3]  }
0x36: {  	[tilespmem:s10], [sflag:$0x6] =	stream.linear.gather [hbm4b:s11+s10], $0x2800, $0x38;
	[tilespmem:$0x1B000] =	vst v63  }
0x37: {  	_ =	swait.ge [sflag:s19], $0x2800  }
0x38: {  	[sflag:s19] =	ssyncset.done $0x0  }
0x39: {  	s26 =	simm.s32 $0x2800;
	s11 =	rddreg [dreg:$0x4];
	[sflag:s19] =	ssyncadd.s32 $0xFFFFD800  }
0x3a: {  	[tilespmem:s26], [sflag:$0x6] =	stream.linear.gather [hbm4b:s11+s10], $0x2800, $0x38;
	[tilespmem:$0x1B000] =	vst v63  }
0x3b: {  	_ =	swait.ge [sflag:s19], $0x2800  }
0x3c: {  	[sflag:s19] =	ssyncset.done $0x0  }
0x3d: {  	[sflag:s19] =	ssyncadd.s32 $0xFFFFD800  }
0x3e: {  	[tilespmem:s22], [sflag:$0x1] =	stream.indirect.gather [hbm4b:s4+s21], $0x40, s10, s21, $0xb8;
	[tilespmem:$0x1B000] =	vst v63  }
0x3f: {  	_ = 	snop  }
0x40: {  	[tilespmem:s23], [sflag:$0x2] =	stream.indirect.gather [hbm4b:s4+s21], $0x40, s21, s21, $0xb8;
	[tilespmem:$0x1B000] =	vst v63  }
0x41: {  	s11 =	simm.s32 $0x100  }
0x42: {  	[tilespmem:s25], [sflag:$0x3] =	stream.indirect.gather [hbm4b:s4+s21], $0x40, s11, s21, $0xb8;
	[tilespmem:$0x1B000] =	vst v63  }
0x43: {  	s26 =	simm.s32 $0x180  }
0x44: {  	[tilespmem:s28], [sflag:$0x4] =	stream.indirect.gather [hbm4b:s4+s21], $0x40, s26, s21, $0xb8;
	[tilespmem:$0x1B000] =	vst v63  }
0x45: {  	s11 =	simm.s32 $0x200  }
0x46: {  	[tilespmem:s30], [sflag:$0x5] =	stream.indirect.gather [hbm4b:s4+s21], $0x40, s11, s21, $0xb8;
	[tilespmem:$0x1B000] =	vst v63  }
0x47: {  	_ =	swait.ge [sflag:s31], $0x2000  }
0x48: {  	[sflag:s31] =	ssyncset.done $0x0  }
0x49: {  	s26 =	simm.s32 $0x2800;
	[sflag:s31] =	ssyncadd.s32 $0xFFFFE000  }
0x4a: {  	[spmem:s2] =	stream.indirect.scatter.add.f32 [tilespmem:s22], [sflag:$0x6], $0x40, s26, s21, $0xb8;
	[tilespmem:$0x1B000] =	vst v63  }
0x4b: {  	_ =	swait.ge [sflag:s19], $0x2000  }
0x4c: {  	[sflag:s19] =	ssyncset.done $0x0  }
0x4d: {  	s11 =	simm.s32 $0x280;
	[sflag:s19] =	ssyncadd.s32 $0xFFFFE000  }
0x4e: {  	[tilespmem:s22], [sflag:$0x1] =	stream.indirect.gather [hbm4b:s4+s21], $0x40, s11, s21, $0xb8;
	[tilespmem:$0x1B000] =	vst v63  }
0x4f: {  	_ =	swait.ge [sflag:s1], $0x2000  }
0x50: {  	[sflag:s1] =	ssyncset.done $0x0  }
0x51: {  	s26 =	simm.s32 $0x2880;
	[sflag:s1] =	ssyncadd.s32 $0xFFFFE000  }
0x52: {  	[spmem:s2] =	stream.indirect.scatter.add.f32 [tilespmem:s23], [sflag:$0x6], $0x40, s26, s21, $0xb8;
	[tilespmem:$0x1B000] =	vst v63  }
0x53: {  	_ =	swait.ge [sflag:s19], $0x2000  }
0x54: {  	[sflag:s19] =	ssyncset.done $0x0  }
0x55: {  	s11 =	simm.s32 $0x300;
	[sflag:s19] =	ssyncadd.s32 $0xFFFFE000  }
0x56: {  	[tilespmem:s23], [sflag:$0x2] =	stream.indirect.gather [hbm4b:s4+s21], $0x40, s11, s21, $0xb8;
	[tilespmem:$0x1B000] =	vst v63  }
0x57: {  	_ =	swait.ge [sflag:s0], $0x2000  }
0x58: {  	[sflag:s0] =	ssyncset.done $0x0  }
0x59: {  	s26 =	simm.s32 $0x2900;
	[sflag:s0] =	ssyncadd.s32 $0xFFFFE000  }
0x5a: {  	[spmem:s2] =	stream.indirect.scatter.add.f32 [tilespmem:s25], [sflag:$0x6], $0x40, s26, s21, $0xb8;
	[tilespmem:$0x1B000] =	vst v63  }
0x5b: {  	_ =	swait.ge [sflag:s19], $0x2000  }
0x5c: {  	[sflag:s19] =	ssyncset.done $0x0  }
0x5d: {  	s11 =	simm.s32 $0x380;
	[sflag:s19] =	ssyncadd.s32 $0xFFFFE000  }
0x5e: {  	[tilespmem:s25], [sflag:$0x3] =	stream.indirect.gather [hbm4b:s4+s21], $0x40, s11, s21, $0xb8;
	[tilespmem:$0x1B000] =	vst v63  }
0x5f: {  	_ =	swait.ge [sflag:s20], $0x2000  }
0x60: {  	[sflag:s20] =	ssyncset.done $0x0  }
0x61: {  	s26 =	simm.s32 $0x2980;
	[sflag:s20] =	ssyncadd.s32 $0xFFFFE000  }
0x62: {  	[spmem:s2] =	stream.indirect.scatter.add.f32 [tilespmem:s28], [sflag:$0x6], $0x40, s26, s21, $0xb8;
	[tilespmem:$0x1B000] =	vst v63  }
0x63: {  	_ =	swait.ge [sflag:s19], $0x2000  }
0x64: {  	[sflag:s19] =	ssyncset.done $0x0  }
0x65: {  	s11 =	simm.s32 $0x400;
	[sflag:s19] =	ssyncadd.s32 $0xFFFFE000  }
0x66: {  	[tilespmem:s28], [sflag:$0x4] =	stream.indirect.gather [hbm4b:s4+s21], $0x40, s11, s21, $0xb8;
	[tilespmem:$0x1B000] =	vst v63  }
0x67: {  	_ =	swait.ge [sflag:s24], $0x2000  }
0x68: {  	[sflag:s24] =	ssyncset.done $0x0  }
0x69: {  	s26 =	simm.s32 $0x2A00;
	[sflag:s24] =	ssyncadd.s32 $0xFFFFE000  }
0x6a: {  	[spmem:s2] =	stream.indirect.scatter.add.f32 [tilespmem:s30], [sflag:$0x6], $0x40, s26, s21, $0xb8;
	[tilespmem:$0x1B000] =	vst v63  }
0x6b: {  	_ =	swait.ge [sflag:s19], $0x2000  }
0x6c: {  	[sflag:s19] =	ssyncset.done $0x0  }
0x6d: {  	s10 =	simm.s32 $0x480;
	s26 =	simm.s32 $0xA00;
	[sflag:s19] =	ssyncadd.s32 $0xFFFFE000  }
.LBB2_4:
0x6e: {  	[tilespmem:s30], [sflag:$0x5] =	stream.indirect.gather [hbm4b:s4+s21], $0x40, s10, s21, $0xb8;
	[tilespmem:$0x1B000] =	vst v63  }
0x6f: {  	s10 =	smov.u32 s26  }
0x70: {  	p0 =	sne.s32 s26, $0x8C00;
	s26 =	sadd.s32 $0xA00, s26;
	_ =	swait.ge [sflag:s31], $0x2000  }
0x71: {  	s10 =	sshra.s32 s10, $0x2;
	[sflag:s31] =	ssyncset.done $0x0  }
0x72: {  	s11 =	sadd.s32 $0x2800, s10;
	[sflag:s31] =	ssyncadd.s32 $0xFFFFE000  }
0x73: {  	[spmem:s2] =	stream.indirect.scatter.add.f32 [tilespmem:s22], [sflag:$0x6], $0x40, s11, s21, $0xb8;
	[tilespmem:$0x1B000] =	vst v63  }
0x74: {  	_ =	swait.ge [sflag:s19], $0x2000  }
0x75: {  	[sflag:s19] =	ssyncset.done $0x0  }
0x76: {  	s11 =	sadd.s32 $0x280, s10;
	[sflag:s19] =	ssyncadd.s32 $0xFFFFE000  }
0x77: {  	[tilespmem:s22], [sflag:$0x1] =	stream.indirect.gather [hbm4b:s4+s21], $0x40, s11, s21, $0xb8;
	[tilespmem:$0x1B000] =	vst v63  }
0x78: {  	_ =	swait.ge [sflag:s1], $0x2000  }
0x79: {  	[sflag:s1] =	ssyncset.done $0x0  }
0x7a: {  	s11 =	sadd.s32 $0x2880, s10;
	[sflag:s1] =	ssyncadd.s32 $0xFFFFE000  }
0x7b: {  	[spmem:s2] =	stream.indirect.scatter.add.f32 [tilespmem:s23], [sflag:$0x6], $0x40, s11, s21, $0xb8;
	[tilespmem:$0x1B000] =	vst v63  }
0x7c: {  	_ =	swait.ge [sflag:s19], $0x2000  }
0x7d: {  	[sflag:s19] =	ssyncset.done $0x0  }
0x7e: {  	s11 =	sadd.s32 $0x300, s10;
	[sflag:s19] =	ssyncadd.s32 $0xFFFFE000  }
0x7f: {  	[tilespmem:s23], [sflag:$0x2] =	stream.indirect.gather [hbm4b:s4+s21], $0x40, s11, s21, $0xb8;
	[tilespmem:$0x1B000] =	vst v63  }
0x80: {  	_ =	swait.ge [sflag:s0], $0x2000  }
0x81: {  	[sflag:s0] =	ssyncset.done $0x0  }
0x82: {  	s11 =	sadd.s32 $0x2900, s10;
	[sflag:s0] =	ssyncadd.s32 $0xFFFFE000  }
0x83: {  	[spmem:s2] =	stream.indirect.scatter.add.f32 [tilespmem:s25], [sflag:$0x6], $0x40, s11, s21, $0xb8;
	[tilespmem:$0x1B000] =	vst v63  }
0x84: {  	_ =	swait.ge [sflag:s19], $0x2000  }
0x85: {  	[sflag:s19] =	ssyncset.done $0x0  }
0x86: {  	s11 =	sadd.s32 $0x380, s10;
	[sflag:s19] =	ssyncadd.s32 $0xFFFFE000  }
0x87: {  	[tilespmem:s25], [sflag:$0x3] =	stream.indirect.gather [hbm4b:s4+s21], $0x40, s11, s21, $0xb8;
	[tilespmem:$0x1B000] =	vst v63  }
0x88: {  	_ =	swait.ge [sflag:s20], $0x2000  }
0x89: {  	[sflag:s20] =	ssyncset.done $0x0  }
0x8a: {  	s11 =	sadd.s32 $0x2980, s10;
	[sflag:s20] =	ssyncadd.s32 $0xFFFFE000  }
0x8b: {  	[spmem:s2] =	stream.indirect.scatter.add.f32 [tilespmem:s28], [sflag:$0x6], $0x40, s11, s21, $0xb8;
	[tilespmem:$0x1B000] =	vst v63  }
0x8c: {  	_ =	swait.ge [sflag:s19], $0x2000  }
0x8d: {  	[sflag:s19] =	ssyncset.done $0x0  }
0x8e: {  	s11 =	sadd.s32 $0x400, s10;
	[sflag:s19] =	ssyncadd.s32 $0xFFFFE000  }
0x8f: {  	[tilespmem:s28], [sflag:$0x4] =	stream.indirect.gather [hbm4b:s4+s21], $0x40, s11, s21, $0xb8;
	[tilespmem:$0x1B000] =	vst v63  }
0x90: {  	_ =	swait.ge [sflag:s24], $0x2000  }
0x91: {  	[sflag:s24] =	ssyncset.done $0x0  }
.Ltmp1:
0x92: {  	s11 =	sadd.s32 $0x2A00, s10;
	[sflag:s24] =	ssyncadd.s32 $0xFFFFE000;
	(pc) =	sbr.rel @p0 .LBB2_4-.Ltmp1, $4  }
0x93: {  	[spmem:s2] =	stream.indirect.scatter.add.f32 [tilespmem:s30], [sflag:$0x6], $0x40, s11, s21, $0xb8;
	[tilespmem:$0x1B000] =	vst v63  }
0x94: {  	_ =	swait.ge [sflag:s19], $0x2000  }
0x95: {  	[sflag:s19] =	ssyncset.done $0x0  }
0x96: {  	s10 =	sadd.s32 $0x480, s10;
	[sflag:s19] =	ssyncadd.s32 $0xFFFFE000  }
0x97: {  	[tilespmem:s30], [sflag:$0x5] =	stream.indirect.gather [hbm4b:s4+s21], $0x40, s10, s21, $0xb8;
	[tilespmem:$0x1B000] =	vst v63  }
0x98: {  	_ =	swait.ge [sflag:s31], $0x2000  }
0x99: {  	[sflag:s31] =	ssyncset.done $0x0  }
0x9a: {  	s26 =	simm.s32 $0x4D80;
	[sflag:s31] =	ssyncadd.s32 $0xFFFFE000  }
0x9b: {  	[spmem:s2] =	stream.indirect.scatter.add.f32 [tilespmem:s22], [sflag:$0x6], $0x40, s26, s21, $0xb8;
	[tilespmem:$0x1B000] =	vst v63  }
0x9c: {  	_ =	swait.ge [sflag:s19], $0x2000  }
0x9d: {  	[sflag:s19] =	ssyncset.done $0x0  }
0x9e: {  	[sflag:s19] =	ssyncadd.s32 $0xFFFFE000  }
0x9f: {  	_ =	swait.ge [sflag:s1], $0x2000  }
0xa0: {  	[sflag:s1] =	ssyncset.done $0x0  }
0xa1: {  	s11 =	simm.s32 $0x4E00;
	[sflag:s1] =	ssyncadd.s32 $0xFFFFE000  }
0xa2: {  	[spmem:s2] =	stream.indirect.scatter.add.f32 [tilespmem:s23], [sflag:$0x6], $0x40, s11, s21, $0xb8;
	[tilespmem:$0x1B000] =	vst v63  }
0xa3: {  	_ =	swait.ge [sflag:s19], $0x2000  }
0xa4: {  	[sflag:s19] =	ssyncset.done $0x0  }
0xa5: {  	[sflag:s19] =	ssyncadd.s32 $0xFFFFE000  }
0xa6: {  	_ =	swait.ge [sflag:s0], $0x2000  }
0xa7: {  	[sflag:s0] =	ssyncset.done $0x0  }
0xa8: {  	s26 =	simm.s32 $0x4E80;
	[sflag:s0] =	ssyncadd.s32 $0xFFFFE000  }
0xa9: {  	[spmem:s2] =	stream.indirect.scatter.add.f32 [tilespmem:s25], [sflag:$0x6], $0x40, s26, s21, $0xb8;
	[tilespmem:$0x1B000] =	vst v63  }
0xaa: {  	_ =	swait.ge [sflag:s19], $0x2000  }
0xab: {  	[sflag:s19] =	ssyncset.done $0x0  }
0xac: {  	[sflag:s19] =	ssyncadd.s32 $0xFFFFE000  }
0xad: {  	_ =	swait.ge [sflag:s20], $0x2000  }
0xae: {  	[sflag:s20] =	ssyncset.done $0x0  }
0xaf: {  	s11 =	simm.s32 $0x4F00;
	[sflag:s20] =	ssyncadd.s32 $0xFFFFE000  }
0xb0: {  	[spmem:s2] =	stream.indirect.scatter.add.f32 [tilespmem:s28], [sflag:$0x6], $0x40, s11, s21, $0xb8;
	[tilespmem:$0x1B000] =	vst v63  }
0xb1: {  	_ =	swait.ge [sflag:s19], $0x2000  }
0xb2: {  	[sflag:s19] =	ssyncset.done $0x0  }
0xb3: {  	[sflag:s19] =	ssyncadd.s32 $0xFFFFE000  }
0xb4: {  	_ =	swait.ge [sflag:s24], $0x2000  }
0xb5: {  	[sflag:s24] =	ssyncset.done $0x0  }
0xb6: {  	s26 =	simm.s32 $0x4F80;
	[sflag:s24] =	ssyncadd.s32 $0xFFFFE000  }
0xb7: {  	[spmem:s2] =	stream.indirect.scatter.add.f32 [tilespmem:s30], [sflag:$0x6], $0x40, s26, s21, $0xb8;
	[tilespmem:$0x1B000] =	vst v63  }
0xb8: {  	_ =	swait.ge [sflag:s19], $0x2000  }
0xb9: {  	[sflag:s19] =	ssyncset.done $0x0  }
0xba: {  	[sflag:s19] =	ssyncadd.s32 $0xFFFFE000  }
0xbb: {  	[bflag:$0x0] =	sbarrier.arrive $0xFFFF  }
0xbc: {  	[tilespmem:s18], [sflag:$0x6] =	stream.linear.gather [spmem:s5], $0x2000, $0x38;
	[tilespmem:$0x1B000] =	vst v63  }
0xbd: {  	_ =	swait.ge [sflag:s19], $0x2000  }
0xbe: {  	[sflag:s19] =	ssyncset.done $0x0  }
0xbf: {  	[sflag:s19] =	ssyncadd.s32 $0xFFFFE000  }
0xc0: {  	[hbm4b:s12+s3] =	stream.linear.scatter [tilespmem:s18], [sflag:$0x6], $0x2000, $0x38;
	[tilespmem:$0x1B000] =	vst v63  }
0xc1: {  	_ =	swait.ge [sflag:s19], $0x2000  }
0xc2: {  	[sflag:s19] =	ssyncset.done $0x0  }
0xc3: {  	[sflag:s19] =	ssyncadd.s32 $0xFFFFE000  }
0xc4: {  	[tilespmem:s18], [sflag:$0x6] =	stream.linear.gather [spmem:s6], $0x2000, $0x38;
	[tilespmem:$0x1B000] =	vst v63  }
0xc5: {  	_ =	swait.ge [sflag:s19], $0x2000  }
0xc6: {  	[sflag:s19] =	ssyncset.done $0x0  }
0xc7: {  	[sflag:s19] =	ssyncadd.s32 $0xFFFFE000  }
0xc8: {  	[hbm4b:s13+s3] =	stream.linear.scatter [tilespmem:s18], [sflag:$0x6], $0x2000, $0x38;
	[tilespmem:$0x1B000] =	vst v63  }
0xc9: {  	_ =	swait.ge [sflag:s19], $0x2000  }
0xca: {  	[sflag:s19] =	ssyncset.done $0x0  }
0xcb: {  	[sflag:s19] =	ssyncadd.s32 $0xFFFFE000  }
0xcc: {  	[tilespmem:s18], [sflag:$0x6] =	stream.linear.gather [spmem:s7], $0x2000, $0x38;
	[tilespmem:$0x1B000] =	vst v63  }
0xcd: {  	_ =	swait.ge [sflag:s19], $0x2000  }
0xce: {  	[sflag:s19] =	ssyncset.done $0x0  }
0xcf: {  	[sflag:s19] =	ssyncadd.s32 $0xFFFFE000  }
0xd0: {  	[hbm4b:s14+s3] =	stream.linear.scatter [tilespmem:s18], [sflag:$0x6], $0x2000, $0x38;
	[tilespmem:$0x1B000] =	vst v63  }
0xd1: {  	_ =	swait.ge [sflag:s19], $0x2000  }
0xd2: {  	[sflag:s19] =	ssyncset.done $0x0  }
0xd3: {  	[sflag:s19] =	ssyncadd.s32 $0xFFFFE000  }
0xd4: {  	[tilespmem:s18], [sflag:$0x6] =	stream.linear.gather [spmem:s8], $0x2000, $0x38;
	[tilespmem:$0x1B000] =	vst v63  }
0xd5: {  	_ =	swait.ge [sflag:s19], $0x2000  }
0xd6: {  	[sflag:s19] =	ssyncset.done $0x0  }
0xd7: {  	[sflag:s19] =	ssyncadd.s32 $0xFFFFE000  }
0xd8: {  	[hbm4b:s15+s3] =	stream.linear.scatter [tilespmem:s18], [sflag:$0x6], $0x2000, $0x38;
	[tilespmem:$0x1B000] =	vst v63  }
0xd9: {  	_ =	swait.ge [sflag:s19], $0x2000  }
0xda: {  	[sflag:s19] =	ssyncset.done $0x0  }
0xdb: {  	[sflag:s19] =	ssyncadd.s32 $0xFFFFE000  }
0xdc: {  	[tilespmem:s18], [sflag:$0x6] =	stream.linear.gather [spmem:s9], $0x2000, $0x38;
	[tilespmem:$0x1B000] =	vst v63  }
0xdd: {  	s29 =	sadd.s32 $0x1, s29;
	_ =	swait.ge [sflag:s19], $0x2000  }
0xde: {  	p0 =	sne.s32 s29, s17;
	[sflag:s19] =	ssyncset.done $0x0  }
.Ltmp2:
0xdf: {  	[sflag:s19] =	ssyncadd.s32 $0xFFFFE000;
	(pc) =	sbr.rel @p0 .LBB2_1-.Ltmp2, $4  }
0xe0: {  	[hbm4b:s16+s3] =	stream.linear.scatter [tilespmem:s18], [sflag:$0x6], $0x2000, $0x38;
	[tilespmem:$0x1B000] =	vst v63  }
0xe1: {  	_ =	swait.ge [sflag:s19], $0x2000  }
0xe2: {  	[sflag:s19] =	ssyncset.done $0x0  }
0xe3: {  	[sflag:s19] =	ssyncadd.s32 $0xFFFFE000  }
0xe4: {  	_ =	sfence.sel $0x180000  }
0xe5: {  	[bflag:$0x0] =	sbarrier.arrive $0xFFFF  }
0xe6: {  	_ =	strace $0x9000004A  }
0xe7: {  	s0 =	stileid.u32;
	[bflag:$0x2] =	sbarrier.arrive $0xFFFF  }
0xe8: {  	p0 =	sne.s32 s0, $0x0;
	s0 =	rddreg [dreg:$0x2]  }
0xe9: {  	s0 =	sadd.s32 @!p0 $0x100000, s0  }
0xea: {  	[sflag:s0] =	ssyncadd.tile.s32 @!p0 $0x1;
	_ =	shalt  }
.Lfunc_end2:
_tile_overlayer_lowered:
.L_overlay_start_2:
0xeb: {  	(tag) =	ssettag $0x2  }
0xec: {  	s0 =	rddreg [dreg:$0x0];
	s2 =	stileid.u32  }
0xed: {  	s1 =	rddreg [dreg:$0x1];
	p0 =	sne.s32 s2, $0x0  }
0xee: {  	s3 =	rddreg [dreg:$0x2];
	[bflag:$0x3] =	sbarrier.arrive $0xFFFF;
	s2 =	simm.s32 @!p0 $0x1C06  }
0xef: {  	[timem:s3], [sflag:s2] =	dma.local @!p0 [hbm:s0], s1  }
0xf0: {  	s0 =	simm.s32 @!p0 $0x6  }
0xf1: {  	_ =	swait.ge @!p0 [sflag:s0], s1  }
0xf2: {  	s1 =	ssub.s32 @!p0 $0x0, s1;
	[sflag:s0] =	ssyncset.done @!p0 $0x0  }
0xf3: {  	[sflag:s0] =	ssyncadd.s32 @!p0 s1  }
0xf4: {  	[bflag:$0x3] =	sbarrier.arrive $0xFFFF  }
0xf5: {  	_ =	shalt  }

// kernel: kernel.14.cloned.1.call-start
scs
__scs_entry_jumppad:
0x0: {  	(pc) =	sbr.rel $0x88, $3  }
0x1: {  	(tag) =	ssettag $0x0;
	lr =	simm.s32 $0x1  }
0x2: {  	[smem:$0x3F9B] =	sst lr;
	_ =	strace $0xD0000000  }
0x3: {  	_ = 	snop  }
0x4: {  	_ = 	snop  }
0x5: {  	_ = 	snop  }
0x6: {  	_ = 	snop  }
0x7: {  	_ = 	snop  }
__scs_overlays_trampoline_lowered:
0x8: {  	[smem:$0x3FAA] =	sst s0  }
0x9: {  	[smem:$0x3FAB] =	sst s1  }
0xa: {  	[smem:$0x3FAC] =	sst s2  }
0xb: {  	[smem:$0x3FAD] =	sst s3  }
0xc: {  	[smem:$0x3FAE] =	sst s4  }
0xd: {  	[smem:$0x3FAF] =	sst s5  }
0xe: {  	[smem:$0x3FB0] =	sst s6  }
0xf: {  	[smem:$0x3FB1] =	sst s7  }
0x10: {  	[smem:$0x3FB2] =	sst s8  }
0x11: {  	[smem:$0x3FB3] =	sst s9;
	s0 =	simm.s32 @!p0 $0x0  }
0x12: {  	s1 =	sld [smem:$0x3F99];
	s0 =	simm.s32 @p0 $0x1  }
0x13: {  	[smem:$0x3FB4] =	sst s0;
	s0 =	simm.s32 @!p1 $0x0  }
0x14: {  	s2 =	sld [smem:$0x3F98];
	s0 =	simm.s32 @p1 $0x1  }
0x15: {  	[smem:$0x3FB5] =	sst s0;
	s0 =	simm.s32 @!p2 $0x0  }
0x16: {  	s3 =	sld [smem:$0x3FDB];
	s0 =	simm.s32 @p2 $0x1  }
0x17: {  	s4 =	simm.s32 $0x1BF5;
	[smem:$0x3FB7] =	sst s0  }
0x18: {  	s0 =	sld [smem:$0x3F9A];
	_ =	swait.ge [sflag:s4], $0x0  }
0x19: {  	s7 =	sld [smem:$0x3F9B]  }
0x1a: {  	s8 =	sadd.s32 $0xFFFFE003, lr  }
0x1b: {  	s9 =	sadd.s32 $0xFFFFFEF7, lr;
	s5 =	simm.s32 $0xFFFFFFFF;
	p2 =	slt.u32 s8, $0xFFFFF086  }
0x1c: {  	p1 =	slt.u32 s9, $0xF7A;
	s5 =	simm.s32 @!p2 $0x0  }
0x1d: {  	s5 =	simm.s32 @p1 $0x1;
	p0 =	seq.s32 s7, s2  }
0x1e: {  	s7 =	smul.u32 @!p0 $0xF7A, s2;
	p2 =	seq.s32 @!p0 s5, $0x0  }
0x1f: {  	s9 =	smul.u32 $0xF7A, s1;
	s8 =	simm.s32 @!p0 $0x1BF5;
	p2 =	por !p2, p0  }
0x20: {  	[sflag:s8] =	ssyncset.s32 @!p0 $0xFFFFF086;
	s6 =	sadd.s32 @!p0 s3, s7;
	s7 =	simm.s32 @!p0 $0x108  }
0x21: {  	s3 =	sadd.s32 s3, s9;
	s6 =	sadd.s32 @!p0 $0x88, s6;
	s7 =	simm.s32 @p2 $0x1082  }
0x22: {  	[simem:s7], [sflag:s8] =	dma.local @!p0 [hbm:s6], $0xF7A  }
0x23: {  	s9 =	sor.u32 $0xD0000000, s2;
	s6 =	simm.s32 $0x108;
	_ =	swait.ge @!p0 [sflag:s8], $0x0  }
0x24: {  	s3 =	sadd.s32 $0x88, s3;
	s6 =	simm.s32 @!p1 $0x1082;
	[sflag:s4] =	ssyncset.s32 $0xFFFFF086  }
0x25: {  	[simem:s6], [sflag:s4] =	dma.local [hbm:s3], $0xF7A  }
0x26: {  	[smem:$0x3F9B] =	sst s1;
	(tag) =	ssettag s2;
	_ =	strace s9  }
0x27: {  	s1 =	sld [smem:$0x3FAB]  }
0x28: {  	s2 =	sld [smem:$0x3FAC]  }
0x29: {  	s4 =	sld [smem:$0x3FAE]  }
0x2a: {  	p0 =	seq.s32 s5, $0x0;
	s5 =	sld [smem:$0x3FAF]  }
0x2b: {  	s6 =	sld [smem:$0x3FB0]  }
0x2c: {  	s7 =	sld [smem:$0x3FB1]  }
0x2d: {  	s3 =	simm.s32 $0x108;
	s8 =	sld [smem:$0x3FB2]  }
0x2e: {  	s3 =	simm.s32 @!p0 $0x1082;
	s9 =	sld [smem:$0x3FB3]  }
0x2f: {  	lr =	sadd.s32 s0, s3;
	s0 =	sld [smem:$0x3FAA]  }
0x30: {  	s3 =	sld [smem:$0x3FAD]  }
0x31: {  	[smem:$0x3FB6] =	sst s10  }
0x32: {  	s10 =	sld [smem:$0x3FB4];
	_ =	sdelay $0x3  }
0x33: {  	p0 =	seq.s32 s10, $0x1;
	s10 =	sld [smem:$0x3FB6];
	_ =	sdelay $0x3  }
0x34: {  	[smem:$0x3FB6] =	sst s10  }
0x35: {  	s10 =	sld [smem:$0x3FB5];
	_ =	sdelay $0x3  }
0x36: {  	p1 =	seq.s32 s10, $0x1;
	s10 =	sld [smem:$0x3FB6];
	_ =	sdelay $0x3  }
0x37: {  	[smem:$0x3FB6] =	sst s10  }
0x38: {  	s10 =	sld [smem:$0x3FB7]  }
0x39: {  	_ = 	snop;
	(pc) =	sbr.ind lr, $3  }
0x3a: {  	_ = 	snop  }
0x3b: {  	_ = 	snop  }
0x3c: {  	p2 =	seq.s32 s10, $0x1;
	s10 =	sld [smem:$0x3FB6]  }
0x3d: {  	_ =	shalt  }
0x3e: {  	_ =	shalt  }
0x3f: {  	_ =	shalt  }
0x40: {  	_ =	shalt  }
0x41: {  	_ =	shalt  }
0x42: {  	_ =	shalt  }
0x43: {  	_ =	shalt  }
0x44: {  	_ =	shalt  }
0x45: {  	_ =	shalt  }
0x46: {  	_ =	shalt  }
0x47: {  	_ =	shalt  }
0x48: {  	_ =	shalt  }
0x49: {  	_ =	shalt  }
0x4a: {  	_ =	shalt  }
0x4b: {  	_ =	shalt  }
0x4c: {  	_ =	shalt  }
0x4d: {  	_ =	shalt  }
0x4e: {  	_ =	shalt  }
0x4f: {  	_ =	shalt  }
0x50: {  	_ =	shalt  }
0x51: {  	_ =	shalt  }
0x52: {  	_ =	shalt  }
0x53: {  	_ =	shalt  }
0x54: {  	_ =	shalt  }
0x55: {  	_ =	shalt  }
0x56: {  	_ =	shalt  }
0x57: {  	_ =	shalt  }
0x58: {  	_ =	shalt  }
0x59: {  	_ =	shalt  }
0x5a: {  	_ =	shalt  }
0x5b: {  	_ =	shalt  }
0x5c: {  	_ =	shalt  }
0x5d: {  	_ =	shalt  }
0x5e: {  	_ =	shalt  }
0x5f: {  	_ =	shalt  }
0x60: {  	_ =	shalt  }
0x61: {  	_ =	shalt  }
0x62: {  	_ =	shalt  }
0x63: {  	_ =	shalt  }
0x64: {  	_ =	shalt  }
0x65: {  	_ =	shalt  }
0x66: {  	_ =	shalt  }
0x67: {  	_ =	shalt  }
0x68: {  	_ =	shalt  }
0x69: {  	_ =	shalt  }
0x6a: {  	_ =	shalt  }
0x6b: {  	_ =	shalt  }
0x6c: {  	_ =	shalt  }
0x6d: {  	_ =	shalt  }
0x6e: {  	_ =	shalt  }
0x6f: {  	_ =	shalt  }
0x70: {  	_ =	shalt  }
0x71: {  	_ =	shalt  }
0x72: {  	_ =	shalt  }
0x73: {  	_ =	shalt  }
0x74: {  	_ =	shalt  }
0x75: {  	_ =	shalt  }
0x76: {  	_ =	shalt  }
0x77: {  	_ =	shalt  }
0x78: {  	_ =	shalt  }
0x79: {  	_ =	shalt  }
0x7a: {  	_ =	shalt  }
0x7b: {  	_ =	shalt  }
0x7c: {  	_ =	shalt  }
0x7d: {  	_ =	shalt  }
0x7e: {  	_ =	shalt  }
0x7f: {  	_ =	shalt  }
0x80: {  	_ =	shalt  }
0x81: {  	_ =	shalt  }
0x82: {  	_ =	shalt  }
0x83: {  	_ =	shalt  }
0x84: {  	_ =	shalt  }
0x85: {  	_ =	shalt  }
0x86: {  	_ =	shalt  }
0x87: {  	_ =	shalt  }
.Lfunc_end0:
.L_simem_size_0:
called_computation.2_lowered:
.L_overlay_start_0:
0x88: {  	s2 =	sld [smem:$0x3FD9]  }
0x89: {  	s3 =	sld [smem:$0x3FFE];
	_ =	sdelay $0x1  }
0x8a: {  	s1 =	srdreg.scid  }
0x8b: {  	s0 =	sand.u32 $0x1, s1  }
0x8c: {  	s17 =	sshll.u32 s0, $0xA;
	s2 =	sadd.s32 s3, s2  }
0x8d: {  	s2 =	sadd.s32 s2, s17  }
0x8e: {  	[smem:$0x3FC2] =	sst s2  }
0x8f: {  	_ = 	snop  }
0x90: {  	s2 =	sld [smem:$0x3FD0];
	(tm) =	ssettm $0x1  }
0x91: {  	s18 =	sld [smem:$0x3FFB];
	_ =	sdelay $0x3  }
0x92: {  	_ =	strace s18  }
0x93: {  	s3 =	sld [smem:$0x3FFC];
	_ =	sdelay $0x3  }
0x94: {  	_ =	strace s3  }
0x95: {  	s3 =	sld [smem:$0x3FFD];
	_ =	sdelay $0x3  }
0x96: {  	_ =	strace s3  }
0x97: {  	_ =	strace $0x8FFFFFFF  }
0x98: {  	s19 =	sld [smem:$0x3FDB];
	_ =	sdelay $0x1  }
0x99: {  	s4 =	simm.s32 $_scs_section_size  }
0x9a: {  	s5 =	simm.s32 $_size__tile_overlayer_lowered;
	s6 =	simm.s32 $_tile_overlayer_lowered  }
0x9b: {  	s22 =	simm.s32 $0x1BFF;
	s21 =	sshll.u32 s6, $0x1;
	s3 =	sadd.s32 s4, s19  }
0x9c: {  	s7 =	simm.s32 $0x0;
	s20 =	sshll.u32 s5, $0x1;
	s5 =	sadd.s32 s21, s3  }
0x9d: {  	[timem:s7], [sflag:s22] =	dma.local [hbm:s5], s20  }
0x9e: {  	_ =	swait.ge [sflag:s22], s20  }
0x9f: {  	s4 =	ssub.s32 $0x0, s20;
	[sflag:s22] =	ssyncset.done $0x0  }
0xa0: {  	[sflag:s22] =	ssyncadd.s32 s4;
	_ =	sdelay $0x1  }
0xa1: {  	s23 =	simm.s32 $0x1B8B  }
0xa2: {  	_ =	swait.ge [sflag:s23], $0x1  }
0xa3: {  	[sflag:s23] =	ssyncset.done $0x0  }
0xa4: {  	s25 =	simm.s32 $0x1B8E;
	s24 =	sld [smem:$0x3FFE];
	[sflag:s23] =	ssyncadd.s32 $0xFFFFFFFF  }
0xa5: {  	s26 =	simm.s32 $execute0_lowered;
	[smem:$0x3FD2] =	sst s25  }
0xa6: {  	s5 =	sshll.u32 s26, $0x1;
	_ =	strace $0x8000004C;
	[dreg:$0x1] =	wrdreg $0xFFFFFFFF  }
0xa7: {  	s28 =	simm.s32 $_size_execute0_lowered;
	s3 =	sadd.s32 s3, s5;
	[dreg:$0x0] =	wrdreg $0x0  }
0xa8: {  	s5 =	sshll.u32 s28, $0x1;
	[dreg:$0x2] =	wrdreg s3  }
0xa9: {  	[dreg:$0x3] =	wrdreg s5  }
0xaa: {  	[dreg:$0x4] =	wrdreg $0xC0  }
0xab: {  	_ =	task [dreg:s7], $0x5FFFF  }
0xac: {  	[dreg:$0x1] =	wrdreg $0xFFFFFFFF  }
0xad: {  	[dreg:$0x0] =	wrdreg $0x60  }
0xae: {  	[dreg:$0x2] =	wrdreg s2  }
0xaf: {  	[dreg:$0x3] =	wrdreg s24  }
0xb0: {  	[dreg:$0x4] =	wrdreg $0xB0000  }
0xb1: {  	[dreg:$0x5] =	wrdreg $0x9  }
0xb2: {  	_ =	task.clear_ibuf [dreg:s7], $0x6FFFF;
	_ =	strace $0x9000004C  }
0xb3: {  	s29 =	simm.s32 $0x9;
	_ =	strace $0x8000004E  }
0xb4: {  	_ =	swait.ge [sflag:s29], $0x1  }
0xb5: {  	[sflag:s29] =	ssyncadd.s32 $0xFFFFFFFF  }
0xb6: {  	_ =	strace $0x9000004E  }
0xb7: {  	_ =	sfence  }
0xb8: {  	s30 =	sld [smem:$0x0];
	_ =	sdelay $0x2  }
0xb9: {  	s31 =	sshll.u32 s1, $0xD;
	s1 =	sshrl.u32 s1, $0x2  }
0xba: {  	s3 =	sand.u32 $0x4000, s31;
	s1 =	sadd.s32 s1, s30  }
0xbb: {  	s0 =	sor.u32 s3, s0;
	s1 =	sshll.u32 s1, $0x11  }
0xbc: {  	s0 =	sor.u32 s1, s0  }
0xbd: {  	s0 =	sadd.s32 $0x8F2B, s0  }
0xbe: {  	[sflag:s0] =	ssyncadd.remote.s32 $0x1  }
0xbf: {  	_ =	sfence.sel $0xFFFF  }
0xc0: {  	[dreg:$0x0] =	wrdreg $0xFFFFFFFF;
	(pc) =	sbr.abs _section_cstart, $3  }
0xc1: {  	[dreg:$0x1] =	wrdreg $0xFFFFFFFF  }
0xc2: {  	_ =	task.clear_ibuf [dreg:s7], $0x2FFFF;
	_ =	strace $0x9FFFFFFF  }
0xc3: {  	(tm) =	ssettm $0x7FFFFFFF  }
tec
execute0_lowered:
.L_overlay_start_1:
0x0: {  	(tag) =	ssettag $0x1  }
0x1: {  	s1 =	rddreg [dreg:$0x0]  }
0x2: {  	s0 =	srdreg.scid;
	s2 =	rddreg [dreg:$0x1]  }
0x3: {  	s6 =	stileid.u32;
	s3 =	rddreg [dreg:$0x2]  }
0x4: {  	s18 =	simm.s32 $0xA000;
	s19 =	simm.s32 $0x6;
	s21 =	simm.s32 $0x80  }
0x5: {  	s28 =	simm.s32 $0x8000;
	s30 =	simm.s32 $0x9000;
	s31 =	simm.s32 $0x1  }
0x6: {  	s20 =	simm.s32 $0x4;
	s0 =	sand.u32 $0x1, s0;
	s4 =	sshll.u32 s6, $0x1  }
0x7: {  	s29 =	simm.s32 $0x0;
	s10 =	smul.u32 $0x5000, s6;
	s5 =	sor.u32 s0, s4  }
0x8: {  	s4 =	simm.s32 $0x0;
	s22 =	ssub.s32 $0x2, s0;
	s0 =	smul.u32 $0x50000, s0  }
0x9: {  	s5 =	smul.u32 $0x500, s5;
	[smem:$0x7FF] =	sst s4;
	s23 =	sshrl.u32 s22, $0x1  }
0xa: {  	s12 =	sadd.s32 $0x1000, s10;
	s14 =	sadd.s32 $0x2000, s10;
	s15 =	sadd.s32 $0x3000, s10  }
0xb: {  	s16 =	sadd.s32 $0x4000, s10;
	_ =	strace $0x8000004D;
	s17 =	ssub.s32 s22, s23  }
0xc: {  	s6 =	sadd.s32 s12, s3;
	s7 =	sadd.s32 s14, s3;
	s8 =	sadd.s32 s15, s3  }
0xd: {  	s9 =	sadd.s32 s16, s3;
	s12 =	sadd.s32 s0, s12;
	s25 =	sadd.s32 s0, s14  }
0xe: {  	s26 =	sadd.s32 s0, s15;
	s22 =	simm.s32 $0x5000;
	s23 =	simm.s32 $0x6000  }
0xf: {  	s11 =	sadd.s32 s5, s2;
	s2 =	sadd.s32 $0x70400, s2;
	s5 =	sadd.s32 s10, s3  }
0x10: {  	s10 =	sadd.s32 s10, s0;
	s24 =	sshrl.u32 s12, $0x3;
	s0 =	sadd.s32 s0, s16  }
0x11: {  	s15 =	sshrl.u32 s26, $0x3;
	s17 =	smax.u32 s17, $0x1;
	s13 =	sadd.s32 $0x16400, s11  }
0x12: {  	s10 =	sshrl.u32 s10, $0x3;
	s11 =	sadd.s32 $0x2400, s11;
	[dreg:$0x4] =	wrdreg s13  }
0x13: {  	s0 =	sshrl.u32 s0, $0x3;
	s15 =	sadd.s32 s2, s15;
	[dreg:$0x5] =	wrdreg s11  }
0x14: {  	s12 =	sadd.s32 s2, s10;
	s13 =	sadd.s32 s2, s24;
	s10 =	sshrl.u32 s25, $0x3  }
0x15: {  	s16 =	sadd.s32 s2, s0;
	s25 =	simm.s32 $0x7000;
	s0 =	simm.s32 $0x3  }
0x16: {  	v0 =	vimm.f32 $0.0e+00;
	s24 =	simm.s32 $0x5;
	s14 =	sadd.s32 s2, s10;
	s2 =	simm.s32 $0x2  }
.LBB2_1:
0x17: {  	s10 =	simm.s32 $0x80;
	s26 =	simm.s32 $0x0  }
.LBB2_2:
0x18: {  	p0 =	sne.s32 s10, $0x3F80;
	[tilespmem:s26+$0xA000] =	vst v0;
	s11 =	smov.u32 s10;
	s10 =	sadd.s32 $0x80, s10  }
.Ltmp0:
0x19: {  	[tilespmem:s26+$0xA010] =	vst v0;
	(pc) =	sbr.rel @p0 .LBB2_2-.Ltmp0, $2  }
0x1a: {  	_ =	sdelay $0x2  }
0x1b: {  	s26 =	sshra.s32 s11, $0x2  }
0x1c: {  	[tilespmem:s26+$0xA000] =	vst v0  }
0x1d: {  	[tilespmem:s26+$0xA010] =	vst v0  }
0x1e: {  	[spmem:s5] =	stream.linear.scatter [tilespmem:s18], [sflag:$0x6], $0x1000, $0x38;
	[tilespmem:$0x10000] =	vst v63  }
0x1f: {  	_ =	swait.ge [sflag:s19], $0x1000  }
0x20: {  	[sflag:s19] =	ssyncset.done $0x0  }
0x21: {  	[sflag:s19] =	ssyncadd.s32 $0xFFFFF000  }
0x22: {  	[spmem:s6] =	stream.linear.scatter [tilespmem:s18], [sflag:$0x6], $0x1000, $0x38;
	[tilespmem:$0x10000] =	vst v63  }
0x23: {  	_ =	swait.ge [sflag:s19], $0x1000  }
0x24: {  	[sflag:s19] =	ssyncset.done $0x0  }
0x25: {  	[sflag:s19] =	ssyncadd.s32 $0xFFFFF000  }
0x26: {  	[spmem:s7] =	stream.linear.scatter [tilespmem:s18], [sflag:$0x6], $0x1000, $0x38;
	[tilespmem:$0x10000] =	vst v63  }
0x27: {  	_ =	swait.ge [sflag:s19], $0x1000  }
0x28: {  	[sflag:s19] =	ssyncset.done $0x0  }
0x29: {  	[sflag:s19] =	ssyncadd.s32 $0xFFFFF000  }
0x2a: {  	[spmem:s8] =	stream.linear.scatter [tilespmem:s18], [sflag:$0x6], $0x1000, $0x38;
	[tilespmem:$0x10000] =	vst v63  }
0x2b: {  	_ =	swait.ge [sflag:s19], $0x1000  }
0x2c: {  	[sflag:s19] =	ssyncset.done $0x0  }
0x2d: {  	[sflag:s19] =	ssyncadd.s32 $0xFFFFF000  }
0x2e: {  	[spmem:s9] =	stream.linear.scatter [tilespmem:s18], [sflag:$0x6], $0x1000, $0x38;
	[tilespmem:$0x10000] =	vst v63  }
0x2f: {  	_ =	swait.ge [sflag:s19], $0x1000  }
0x30: {  	[sflag:s19] =	ssyncset.done $0x0  }
0x31: {  	[sflag:s19] =	ssyncadd.s32 $0xFFFFF000  }
0x32: {  	[bflag:$0x0] =	sbarrier.arrive $0xFFFF  }
0x33: {  	s10 =	simm.s32 $0x0;
	s11 =	rddreg [dreg:$0x4]  }
0x34: {  	[tilespmem:s10], [sflag:$0x6] =	stream.linear.gather [hbm4b:s11+s10], $0x2800, $0x38;
	[tilespmem:$0x10000] =	vst v63  }
0x35: {  	_ =	swait.ge [sflag:s19], $0x2800  }
0x36: {  	[sflag:s19] =	ssyncset.done $0x0  }
0x37: {  	s26 =	simm.s32 $0x2800;
	s11 =	rddreg [dreg:$0x5];
	[sflag:s19] =	ssyncadd.s32 $0xFFFFD800  }
0x38: {  	[tilespmem:s26], [sflag:$0x6] =	stream.linear.gather [hbm4b:s11+s10], $0x2800, $0x38;
	[tilespmem:$0x10000] =	vst v63  }
0x39: {  	_ =	swait.ge [sflag:s19], $0x2800  }
0x3a: {  	[sflag:s19] =	ssyncset.done $0x0  }
0x3b: {  	[sflag:s19] =	ssyncadd.s32 $0xFFFFD800  }
0x3c: {  	[tilespmem:s22], [sflag:$0x1] =	stream.indirect.gather [hbm4b:s1+s21], $0x20, s10, s21, $0xb8;
	[tilespmem:$0x10000] =	vst v63  }
0x3d: {  	_ = 	snop  }
0x3e: {  	[tilespmem:s23], [sflag:$0x2] =	stream.indirect.gather [hbm4b:s1+s21], $0x20, s21, s21, $0xb8;
	[tilespmem:$0x10000] =	vst v63  }
0x3f: {  	s11 =	simm.s32 $0x100  }
0x40: {  	[tilespmem:s25], [sflag:$0x3] =	stream.indirect.gather [hbm4b:s1+s21], $0x20, s11, s21, $0xb8;
	[tilespmem:$0x10000] =	vst v63  }
0x41: {  	s26 =	simm.s32 $0x180  }
0x42: {  	[tilespmem:s28], [sflag:$0x4] =	stream.indirect.gather [hbm4b:s1+s21], $0x20, s26, s21, $0xb8;
	[tilespmem:$0x10000] =	vst v63  }
0x43: {  	s11 =	simm.s32 $0x200  }
0x44: {  	[tilespmem:s30], [sflag:$0x5] =	stream.indirect.gather [hbm4b:s1+s21], $0x20, s11, s21, $0xb8;
	[tilespmem:$0x10000] =	vst v63  }
0x45: {  	_ =	swait.ge [sflag:s31], $0x1000  }
0x46: {  	[sflag:s31] =	ssyncset.done $0x0  }
0x47: {  	s26 =	simm.s32 $0x2800;
	[sflag:s31] =	ssyncadd.s32 $0xFFFFF000  }
0x48: {  	[spmem:s3] =	stream.indirect.scatter.add.f32 [tilespmem:s22], [sflag:$0x6], $0x20, s26, s21, $0xb8;
	[tilespmem:$0x10000] =	vst v63  }
0x49: {  	_ =	swait.ge [sflag:s19], $0x1000  }
0x4a: {  	[sflag:s19] =	ssyncset.done $0x0  }
0x4b: {  	s11 =	simm.s32 $0x280;
	[sflag:s19] =	ssyncadd.s32 $0xFFFFF000  }
0x4c: {  	[tilespmem:s22], [sflag:$0x1] =	stream.indirect.gather [hbm4b:s1+s21], $0x20, s11, s21, $0xb8;
	[tilespmem:$0x10000] =	vst v63  }
0x4d: {  	_ =	swait.ge [sflag:s2], $0x1000  }
0x4e: {  	[sflag:s2] =	ssyncset.done $0x0  }
0x4f: {  	s26 =	simm.s32 $0x2880;
	[sflag:s2] =	ssyncadd.s32 $0xFFFFF000  }
0x50: {  	[spmem:s3] =	stream.indirect.scatter.add.f32 [tilespmem:s23], [sflag:$0x6], $0x20, s26, s21, $0xb8;
	[tilespmem:$0x10000] =	vst v63  }
0x51: {  	_ =	swait.ge [sflag:s19], $0x1000  }
0x52: {  	[sflag:s19] =	ssyncset.done $0x0  }
0x53: {  	s11 =	simm.s32 $0x300;
	[sflag:s19] =	ssyncadd.s32 $0xFFFFF000  }
0x54: {  	[tilespmem:s23], [sflag:$0x2] =	stream.indirect.gather [hbm4b:s1+s21], $0x20, s11, s21, $0xb8;
	[tilespmem:$0x10000] =	vst v63  }
0x55: {  	_ =	swait.ge [sflag:s0], $0x1000  }
0x56: {  	[sflag:s0] =	ssyncset.done $0x0  }
0x57: {  	s26 =	simm.s32 $0x2900;
	[sflag:s0] =	ssyncadd.s32 $0xFFFFF000  }
0x58: {  	[spmem:s3] =	stream.indirect.scatter.add.f32 [tilespmem:s25], [sflag:$0x6], $0x20, s26, s21, $0xb8;
	[tilespmem:$0x10000] =	vst v63  }
0x59: {  	_ =	swait.ge [sflag:s19], $0x1000  }
0x5a: {  	[sflag:s19] =	ssyncset.done $0x0  }
0x5b: {  	s11 =	simm.s32 $0x380;
	[sflag:s19] =	ssyncadd.s32 $0xFFFFF000  }
0x5c: {  	[tilespmem:s25], [sflag:$0x3] =	stream.indirect.gather [hbm4b:s1+s21], $0x20, s11, s21, $0xb8;
	[tilespmem:$0x10000] =	vst v63  }
0x5d: {  	_ =	swait.ge [sflag:s20], $0x1000  }
0x5e: {  	[sflag:s20] =	ssyncset.done $0x0  }
0x5f: {  	s26 =	simm.s32 $0x2980;
	[sflag:s20] =	ssyncadd.s32 $0xFFFFF000  }
0x60: {  	[spmem:s3] =	stream.indirect.scatter.add.f32 [tilespmem:s28], [sflag:$0x6], $0x20, s26, s21, $0xb8;
	[tilespmem:$0x10000] =	vst v63  }
0x61: {  	_ =	swait.ge [sflag:s19], $0x1000  }
0x62: {  	[sflag:s19] =	ssyncset.done $0x0  }
0x63: {  	s11 =	simm.s32 $0x400;
	[sflag:s19] =	ssyncadd.s32 $0xFFFFF000  }
0x64: {  	[tilespmem:s28], [sflag:$0x4] =	stream.indirect.gather [hbm4b:s1+s21], $0x20, s11, s21, $0xb8;
	[tilespmem:$0x10000] =	vst v63  }
0x65: {  	_ =	swait.ge [sflag:s24], $0x1000  }
0x66: {  	[sflag:s24] =	ssyncset.done $0x0  }
0x67: {  	s26 =	simm.s32 $0x2A00;
	[sflag:s24] =	ssyncadd.s32 $0xFFFFF000  }
0x68: {  	[spmem:s3] =	stream.indirect.scatter.add.f32 [tilespmem:s30], [sflag:$0x6], $0x20, s26, s21, $0xb8;
	[tilespmem:$0x10000] =	vst v63  }
0x69: {  	_ =	swait.ge [sflag:s19], $0x1000  }
0x6a: {  	[sflag:s19] =	ssyncset.done $0x0  }
0x6b: {  	s10 =	simm.s32 $0x480;
	s26 =	simm.s32 $0xA00;
	[sflag:s19] =	ssyncadd.s32 $0xFFFFF000  }
.LBB2_4:
0x6c: {  	[tilespmem:s30], [sflag:$0x5] =	stream.indirect.gather [hbm4b:s1+s21], $0x20, s10, s21, $0xb8;
	[tilespmem:$0x10000] =	vst v63  }
0x6d: {  	s10 =	smov.u32 s26  }
0x6e: {  	p0 =	sne.s32 s26, $0x8C00;
	s26 =	sadd.s32 $0xA00, s26;
	_ =	swait.ge [sflag:s31], $0x1000  }
0x6f: {  	s10 =	sshra.s32 s10, $0x2;
	[sflag:s31] =	ssyncset.done $0x0  }
0x70: {  	s11 =	sadd.s32 $0x2800, s10;
	[sflag:s31] =	ssyncadd.s32 $0xFFFFF000  }
0x71: {  	[spmem:s3] =	stream.indirect.scatter.add.f32 [tilespmem:s22], [sflag:$0x6], $0x20, s11, s21, $0xb8;
	[tilespmem:$0x10000] =	vst v63  }
0x72: {  	_ =	swait.ge [sflag:s19], $0x1000  }
0x73: {  	[sflag:s19] =	ssyncset.done $0x0  }
0x74: {  	s11 =	sadd.s32 $0x280, s10;
	[sflag:s19] =	ssyncadd.s32 $0xFFFFF000  }
0x75: {  	[tilespmem:s22], [sflag:$0x1] =	stream.indirect.gather [hbm4b:s1+s21], $0x20, s11, s21, $0xb8;
	[tilespmem:$0x10000] =	vst v63  }
0x76: {  	_ =	swait.ge [sflag:s2], $0x1000  }
0x77: {  	[sflag:s2] =	ssyncset.done $0x0  }
0x78: {  	s11 =	sadd.s32 $0x2880, s10;
	[sflag:s2] =	ssyncadd.s32 $0xFFFFF000  }
0x79: {  	[spmem:s3] =	stream.indirect.scatter.add.f32 [tilespmem:s23], [sflag:$0x6], $0x20, s11, s21, $0xb8;
	[tilespmem:$0x10000] =	vst v63  }
0x7a: {  	_ =	swait.ge [sflag:s19], $0x1000  }
0x7b: {  	[sflag:s19] =	ssyncset.done $0x0  }
0x7c: {  	s11 =	sadd.s32 $0x300, s10;
	[sflag:s19] =	ssyncadd.s32 $0xFFFFF000  }
0x7d: {  	[tilespmem:s23], [sflag:$0x2] =	stream.indirect.gather [hbm4b:s1+s21], $0x20, s11, s21, $0xb8;
	[tilespmem:$0x10000] =	vst v63  }
0x7e: {  	_ =	swait.ge [sflag:s0], $0x1000  }
0x7f: {  	[sflag:s0] =	ssyncset.done $0x0  }
0x80: {  	s11 =	sadd.s32 $0x2900, s10;
	[sflag:s0] =	ssyncadd.s32 $0xFFFFF000  }
0x81: {  	[spmem:s3] =	stream.indirect.scatter.add.f32 [tilespmem:s25], [sflag:$0x6], $0x20, s11, s21, $0xb8;
	[tilespmem:$0x10000] =	vst v63  }
0x82: {  	_ =	swait.ge [sflag:s19], $0x1000  }
0x83: {  	[sflag:s19] =	ssyncset.done $0x0  }
0x84: {  	s11 =	sadd.s32 $0x380, s10;
	[sflag:s19] =	ssyncadd.s32 $0xFFFFF000  }
0x85: {  	[tilespmem:s25], [sflag:$0x3] =	stream.indirect.gather [hbm4b:s1+s21], $0x20, s11, s21, $0xb8;
	[tilespmem:$0x10000] =	vst v63  }
0x86: {  	_ =	swait.ge [sflag:s20], $0x1000  }
0x87: {  	[sflag:s20] =	ssyncset.done $0x0  }
0x88: {  	s11 =	sadd.s32 $0x2980, s10;
	[sflag:s20] =	ssyncadd.s32 $0xFFFFF000  }
0x89: {  	[spmem:s3] =	stream.indirect.scatter.add.f32 [tilespmem:s28], [sflag:$0x6], $0x20, s11, s21, $0xb8;
	[tilespmem:$0x10000] =	vst v63  }
0x8a: {  	_ =	swait.ge [sflag:s19], $0x1000  }
0x8b: {  	[sflag:s19] =	ssyncset.done $0x0  }
0x8c: {  	s11 =	sadd.s32 $0x400, s10;
	[sflag:s19] =	ssyncadd.s32 $0xFFFFF000  }
0x8d: {  	[tilespmem:s28], [sflag:$0x4] =	stream.indirect.gather [hbm4b:s1+s21], $0x20, s11, s21, $0xb8;
	[tilespmem:$0x10000] =	vst v63  }
0x8e: {  	_ =	swait.ge [sflag:s24], $0x1000  }
0x8f: {  	[sflag:s24] =	ssyncset.done $0x0  }
.Ltmp1:
0x90: {  	s11 =	sadd.s32 $0x2A00, s10;
	[sflag:s24] =	ssyncadd.s32 $0xFFFFF000;
	(pc) =	sbr.rel @p0 .LBB2_4-.Ltmp1, $4  }
0x91: {  	[spmem:s3] =	stream.indirect.scatter.add.f32 [tilespmem:s30], [sflag:$0x6], $0x20, s11, s21, $0xb8;
	[tilespmem:$0x10000] =	vst v63  }
0x92: {  	_ =	swait.ge [sflag:s19], $0x1000  }
0x93: {  	[sflag:s19] =	ssyncset.done $0x0  }
0x94: {  	s10 =	sadd.s32 $0x480, s10;
	[sflag:s19] =	ssyncadd.s32 $0xFFFFF000  }
0x95: {  	[tilespmem:s30], [sflag:$0x5] =	stream.indirect.gather [hbm4b:s1+s21], $0x20, s10, s21, $0xb8;
	[tilespmem:$0x10000] =	vst v63  }
0x96: {  	_ =	swait.ge [sflag:s31], $0x1000  }
0x97: {  	[sflag:s31] =	ssyncset.done $0x0  }
0x98: {  	s26 =	simm.s32 $0x4D80;
	[sflag:s31] =	ssyncadd.s32 $0xFFFFF000  }
0x99: {  	[spmem:s3] =	stream.indirect.scatter.add.f32 [tilespmem:s22], [sflag:$0x6], $0x20, s26, s21, $0xb8;
	[tilespmem:$0x10000] =	vst v63  }
0x9a: {  	_ =	swait.ge [sflag:s19], $0x1000  }
0x9b: {  	[sflag:s19] =	ssyncset.done $0x0  }
0x9c: {  	[sflag:s19] =	ssyncadd.s32 $0xFFFFF000  }
0x9d: {  	_ =	swait.ge [sflag:s2], $0x1000  }
0x9e: {  	[sflag:s2] =	ssyncset.done $0x0  }
0x9f: {  	s11 =	simm.s32 $0x4E00;
	[sflag:s2] =	ssyncadd.s32 $0xFFFFF000  }
0xa0: {  	[spmem:s3] =	stream.indirect.scatter.add.f32 [tilespmem:s23], [sflag:$0x6], $0x20, s11, s21, $0xb8;
	[tilespmem:$0x10000] =	vst v63  }
0xa1: {  	_ =	swait.ge [sflag:s19], $0x1000  }
0xa2: {  	[sflag:s19] =	ssyncset.done $0x0  }
0xa3: {  	[sflag:s19] =	ssyncadd.s32 $0xFFFFF000  }
0xa4: {  	_ =	swait.ge [sflag:s0], $0x1000  }
0xa5: {  	[sflag:s0] =	ssyncset.done $0x0  }
0xa6: {  	s26 =	simm.s32 $0x4E80;
	[sflag:s0] =	ssyncadd.s32 $0xFFFFF000  }
0xa7: {  	[spmem:s3] =	stream.indirect.scatter.add.f32 [tilespmem:s25], [sflag:$0x6], $0x20, s26, s21, $0xb8;
	[tilespmem:$0x10000] =	vst v63  }
0xa8: {  	_ =	swait.ge [sflag:s19], $0x1000  }
0xa9: {  	[sflag:s19] =	ssyncset.done $0x0  }
0xaa: {  	[sflag:s19] =	ssyncadd.s32 $0xFFFFF000  }
0xab: {  	_ =	swait.ge [sflag:s20], $0x1000  }
0xac: {  	[sflag:s20] =	ssyncset.done $0x0  }
0xad: {  	s11 =	simm.s32 $0x4F00;
	[sflag:s20] =	ssyncadd.s32 $0xFFFFF000  }
0xae: {  	[spmem:s3] =	stream.indirect.scatter.add.f32 [tilespmem:s28], [sflag:$0x6], $0x20, s11, s21, $0xb8;
	[tilespmem:$0x10000] =	vst v63  }
0xaf: {  	_ =	swait.ge [sflag:s19], $0x1000  }
0xb0: {  	[sflag:s19] =	ssyncset.done $0x0  }
0xb1: {  	[sflag:s19] =	ssyncadd.s32 $0xFFFFF000  }
0xb2: {  	_ =	swait.ge [sflag:s24], $0x1000  }
0xb3: {  	[sflag:s24] =	ssyncset.done $0x0  }
0xb4: {  	s26 =	simm.s32 $0x4F80;
	[sflag:s24] =	ssyncadd.s32 $0xFFFFF000  }
0xb5: {  	[spmem:s3] =	stream.indirect.scatter.add.f32 [tilespmem:s30], [sflag:$0x6], $0x20, s26, s21, $0xb8;
	[tilespmem:$0x10000] =	vst v63  }
0xb6: {  	_ =	swait.ge [sflag:s19], $0x1000  }
0xb7: {  	[sflag:s19] =	ssyncset.done $0x0  }
0xb8: {  	[sflag:s19] =	ssyncadd.s32 $0xFFFFF000  }
0xb9: {  	[bflag:$0x0] =	sbarrier.arrive $0xFFFF  }
0xba: {  	[tilespmem:s18], [sflag:$0x6] =	stream.linear.gather [spmem:s5], $0x1000, $0x38;
	[tilespmem:$0x10000] =	vst v63  }
0xbb: {  	_ =	swait.ge [sflag:s19], $0x1000  }
0xbc: {  	[sflag:s19] =	ssyncset.done $0x0  }
0xbd: {  	[sflag:s19] =	ssyncadd.s32 $0xFFFFF000  }
0xbe: {  	[hbm4b:s12+s4] =	stream.linear.scatter [tilespmem:s18], [sflag:$0x6], $0x1000, $0x38;
	[tilespmem:$0x10000] =	vst v63  }
0xbf: {  	_ =	swait.ge [sflag:s19], $0x1000  }
0xc0: {  	[sflag:s19] =	ssyncset.done $0x0  }
0xc1: {  	[sflag:s19] =	ssyncadd.s32 $0xFFFFF000  }
0xc2: {  	[tilespmem:s18], [sflag:$0x6] =	stream.linear.gather [spmem:s6], $0x1000, $0x38;
	[tilespmem:$0x10000] =	vst v63  }
0xc3: {  	_ =	swait.ge [sflag:s19], $0x1000  }
0xc4: {  	[sflag:s19] =	ssyncset.done $0x0  }
0xc5: {  	[sflag:s19] =	ssyncadd.s32 $0xFFFFF000  }
0xc6: {  	[hbm4b:s13+s4] =	stream.linear.scatter [tilespmem:s18], [sflag:$0x6], $0x1000, $0x38;
	[tilespmem:$0x10000] =	vst v63  }
0xc7: {  	_ =	swait.ge [sflag:s19], $0x1000  }
0xc8: {  	[sflag:s19] =	ssyncset.done $0x0  }
0xc9: {  	[sflag:s19] =	ssyncadd.s32 $0xFFFFF000  }
0xca: {  	[tilespmem:s18], [sflag:$0x6] =	stream.linear.gather [spmem:s7], $0x1000, $0x38;
	[tilespmem:$0x10000] =	vst v63  }
0xcb: {  	_ =	swait.ge [sflag:s19], $0x1000  }
0xcc: {  	[sflag:s19] =	ssyncset.done $0x0  }
0xcd: {  	[sflag:s19] =	ssyncadd.s32 $0xFFFFF000  }
0xce: {  	[hbm4b:s14+s4] =	stream.linear.scatter [tilespmem:s18], [sflag:$0x6], $0x1000, $0x38;
	[tilespmem:$0x10000] =	vst v63  }
0xcf: {  	_ =	swait.ge [sflag:s19], $0x1000  }
0xd0: {  	[sflag:s19] =	ssyncset.done $0x0  }
0xd1: {  	[sflag:s19] =	ssyncadd.s32 $0xFFFFF000  }
0xd2: {  	[tilespmem:s18], [sflag:$0x6] =	stream.linear.gather [spmem:s8], $0x1000, $0x38;
	[tilespmem:$0x10000] =	vst v63  }
0xd3: {  	_ =	swait.ge [sflag:s19], $0x1000  }
0xd4: {  	[sflag:s19] =	ssyncset.done $0x0  }
0xd5: {  	[sflag:s19] =	ssyncadd.s32 $0xFFFFF000  }
0xd6: {  	[hbm4b:s15+s4] =	stream.linear.scatter [tilespmem:s18], [sflag:$0x6], $0x1000, $0x38;
	[tilespmem:$0x10000] =	vst v63  }
0xd7: {  	_ =	swait.ge [sflag:s19], $0x1000  }
0xd8: {  	[sflag:s19] =	ssyncset.done $0x0  }
0xd9: {  	[sflag:s19] =	ssyncadd.s32 $0xFFFFF000  }
0xda: {  	[tilespmem:s18], [sflag:$0x6] =	stream.linear.gather [spmem:s9], $0x1000, $0x38;
	[tilespmem:$0x10000] =	vst v63  }
0xdb: {  	s29 =	sadd.s32 $0x1, s29;
	_ =	swait.ge [sflag:s19], $0x1000  }
0xdc: {  	p0 =	sne.s32 s29, s17;
	[sflag:s19] =	ssyncset.done $0x0  }
.Ltmp2:
0xdd: {  	[sflag:s19] =	ssyncadd.s32 $0xFFFFF000;
	(pc) =	sbr.rel @p0 .LBB2_1-.Ltmp2, $4  }
0xde: {  	[hbm4b:s16+s4] =	stream.linear.scatter [tilespmem:s18], [sflag:$0x6], $0x1000, $0x38;
	[tilespmem:$0x10000] =	vst v63  }
0xdf: {  	_ =	swait.ge [sflag:s19], $0x1000  }
0xe0: {  	[sflag:s19] =	ssyncset.done $0x0  }
0xe1: {  	[sflag:s19] =	ssyncadd.s32 $0xFFFFF000  }
0xe2: {  	_ =	sfence.sel $0x180000  }
0xe3: {  	[bflag:$0x0] =	sbarrier.arrive $0xFFFF  }
0xe4: {  	_ =	strace $0x9000004D  }
0xe5: {  	s0 =	stileid.u32;
	[bflag:$0x2] =	sbarrier.arrive $0xFFFF  }
0xe6: {  	p0 =	sne.s32 s0, $0x0;
	s0 =	rddreg [dreg:$0x3]  }
0xe7: {  	s0 =	sadd.s32 @!p0 $0x100000, s0  }
0xe8: {  	[sflag:s0] =	ssyncadd.tile.s32 @!p0 $0x1;
	_ =	shalt  }
.Lfunc_end2:
_tile_overlayer_lowered:
.L_overlay_start_2:
0xe9: {  	(tag) =	ssettag $0x2  }
0xea: {  	s0 =	rddreg [dreg:$0x0];
	s2 =	stileid.u32  }
0xeb: {  	s1 =	rddreg [dreg:$0x1];
	p0 =	sne.s32 s2, $0x0  }
0xec: {  	s3 =	rddreg [dreg:$0x2];
	[bflag:$0x3] =	sbarrier.arrive $0xFFFF;
	s2 =	simm.s32 @!p0 $0x1C06  }
0xed: {  	[timem:s3], [sflag:s2] =	dma.local @!p0 [hbm:s0], s1  }
0xee: {  	s0 =	simm.s32 @!p0 $0x6  }
0xef: {  	_ =	swait.ge @!p0 [sflag:s0], s1  }
0xf0: {  	s1 =	ssub.s32 @!p0 $0x0, s1;
	[sflag:s0] =	ssyncset.done @!p0 $0x0  }
0xf1: {  	[sflag:s0] =	ssyncadd.s32 @!p0 s1  }
0xf2: {  	[bflag:$0x3] =	sbarrier.arrive $0xFFFF  }
0xf3: {  	_ =	shalt  }

// kernel: kernel.8.cloned.1.call-start
scs
__scs_entry_jumppad:
0x0: {  	(pc) =	sbr.rel $0x88, $3  }
0x1: {  	(tag) =	ssettag $0x0;
	lr =	simm.s32 $0x1  }
0x2: {  	[smem:$0x3F9B] =	sst lr;
	_ =	strace $0xD0000000  }
0x3: {  	_ = 	snop  }
0x4: {  	_ = 	snop  }
0x5: {  	_ = 	snop  }
0x6: {  	_ = 	snop  }
0x7: {  	_ = 	snop  }
__scs_overlays_trampoline_lowered:
0x8: {  	[smem:$0x3FAA] =	sst s0  }
0x9: {  	[smem:$0x3FAB] =	sst s1  }
0xa: {  	[smem:$0x3FAC] =	sst s2  }
0xb: {  	[smem:$0x3FAD] =	sst s3  }
0xc: {  	[smem:$0x3FAE] =	sst s4  }
0xd: {  	[smem:$0x3FAF] =	sst s5  }
0xe: {  	[smem:$0x3FB0] =	sst s6  }
0xf: {  	[smem:$0x3FB1] =	sst s7  }
0x10: {  	[smem:$0x3FB2] =	sst s8  }
0x11: {  	[smem:$0x3FB3] =	sst s9;
	s0 =	simm.s32 @!p0 $0x0  }
0x12: {  	s1 =	sld [smem:$0x3F99];
	s0 =	simm.s32 @p0 $0x1  }
0x13: {  	[smem:$0x3FB4] =	sst s0;
	s0 =	simm.s32 @!p1 $0x0  }
0x14: {  	s2 =	sld [smem:$0x3F98];
	s0 =	simm.s32 @p1 $0x1  }
0x15: {  	[smem:$0x3FB5] =	sst s0;
	s0 =	simm.s32 @!p2 $0x0  }
0x16: {  	s3 =	sld [smem:$0x3FDB];
	s0 =	simm.s32 @p2 $0x1  }
0x17: {  	s4 =	simm.s32 $0x1BF5;
	[smem:$0x3FB7] =	sst s0  }
0x18: {  	s0 =	sld [smem:$0x3F9A];
	_ =	swait.ge [sflag:s4], $0x0  }
0x19: {  	s7 =	sld [smem:$0x3F9B]  }
0x1a: {  	s8 =	sadd.s32 $0xFFFFE003, lr  }
0x1b: {  	s9 =	sadd.s32 $0xFFFFFEF7, lr;
	s5 =	simm.s32 $0xFFFFFFFF;
	p2 =	slt.u32 s8, $0xFFFFF086  }
0x1c: {  	p1 =	slt.u32 s9, $0xF7A;
	s5 =	simm.s32 @!p2 $0x0  }
0x1d: {  	s5 =	simm.s32 @p1 $0x1;
	p0 =	seq.s32 s7, s2  }
0x1e: {  	s7 =	smul.u32 @!p0 $0xF7A, s2;
	p2 =	seq.s32 @!p0 s5, $0x0  }
0x1f: {  	s9 =	smul.u32 $0xF7A, s1;
	s8 =	simm.s32 @!p0 $0x1BF5;
	p2 =	por !p2, p0  }
0x20: {  	[sflag:s8] =	ssyncset.s32 @!p0 $0xFFFFF086;
	s6 =	sadd.s32 @!p0 s3, s7;
	s7 =	simm.s32 @!p0 $0x108  }
0x21: {  	s3 =	sadd.s32 s3, s9;
	s6 =	sadd.s32 @!p0 $0x88, s6;
	s7 =	simm.s32 @p2 $0x1082  }
0x22: {  	[simem:s7], [sflag:s8] =	dma.local @!p0 [hbm:s6], $0xF7A  }
0x23: {  	s9 =	sor.u32 $0xD0000000, s2;
	s6 =	simm.s32 $0x108;
	_ =	swait.ge @!p0 [sflag:s8], $0x0  }
0x24: {  	s3 =	sadd.s32 $0x88, s3;
	s6 =	simm.s32 @!p1 $0x1082;
	[sflag:s4] =	ssyncset.s32 $0xFFFFF086  }
0x25: {  	[simem:s6], [sflag:s4] =	dma.local [hbm:s3], $0xF7A  }
0x26: {  	[smem:$0x3F9B] =	sst s1;
	(tag) =	ssettag s2;
	_ =	strace s9  }
0x27: {  	s1 =	sld [smem:$0x3FAB]  }
0x28: {  	s2 =	sld [smem:$0x3FAC]  }
0x29: {  	s4 =	sld [smem:$0x3FAE]  }
0x2a: {  	p0 =	seq.s32 s5, $0x0;
	s5 =	sld [smem:$0x3FAF]  }
0x2b: {  	s6 =	sld [smem:$0x3FB0]  }
0x2c: {  	s7 =	sld [smem:$0x3FB1]  }
0x2d: {  	s3 =	simm.s32 $0x108;
	s8 =	sld [smem:$0x3FB2]  }
0x2e: {  	s3 =	simm.s32 @!p0 $0x1082;
	s9 =	sld [smem:$0x3FB3]  }
0x2f: {  	lr =	sadd.s32 s0, s3;
	s0 =	sld [smem:$0x3FAA]  }
0x30: {  	s3 =	sld [smem:$0x3FAD]  }
0x31: {  	[smem:$0x3FB6] =	sst s10  }
0x32: {  	s10 =	sld [smem:$0x3FB4];
	_ =	sdelay $0x3  }
0x33: {  	p0 =	seq.s32 s10, $0x1;
	s10 =	sld [smem:$0x3FB6];
	_ =	sdelay $0x3  }
0x34: {  	[smem:$0x3FB6] =	sst s10  }
0x35: {  	s10 =	sld [smem:$0x3FB5];
	_ =	sdelay $0x3  }
0x36: {  	p1 =	seq.s32 s10, $0x1;
	s10 =	sld [smem:$0x3FB6];
	_ =	sdelay $0x3  }
0x37: {  	[smem:$0x3FB6] =	sst s10  }
0x38: {  	s10 =	sld [smem:$0x3FB7]  }
0x39: {  	_ = 	snop;
	(pc) =	sbr.ind lr, $3  }
0x3a: {  	_ = 	snop  }
0x3b: {  	_ = 	snop  }
0x3c: {  	p2 =	seq.s32 s10, $0x1;
	s10 =	sld [smem:$0x3FB6]  }
0x3d: {  	_ =	shalt  }
0x3e: {  	_ =	shalt  }
0x3f: {  	_ =	shalt  }
0x40: {  	_ =	shalt  }
0x41: {  	_ =	shalt  }
0x42: {  	_ =	shalt  }
0x43: {  	_ =	shalt  }
0x44: {  	_ =	shalt  }
0x45: {  	_ =	shalt  }
0x46: {  	_ =	shalt  }
0x47: {  	_ =	shalt  }
0x48: {  	_ =	shalt  }
0x49: {  	_ =	shalt  }
0x4a: {  	_ =	shalt  }
0x4b: {  	_ =	shalt  }
0x4c: {  	_ =	shalt  }
0x4d: {  	_ =	shalt  }
0x4e: {  	_ =	shalt  }
0x4f: {  	_ =	shalt  }
0x50: {  	_ =	shalt  }
0x51: {  	_ =	shalt  }
0x52: {  	_ =	shalt  }
0x53: {  	_ =	shalt  }
0x54: {  	_ =	shalt  }
0x55: {  	_ =	shalt  }
0x56: {  	_ =	shalt  }
0x57: {  	_ =	shalt  }
0x58: {  	_ =	shalt  }
0x59: {  	_ =	shalt  }
0x5a: {  	_ =	shalt  }
0x5b: {  	_ =	shalt  }
0x5c: {  	_ =	shalt  }
0x5d: {  	_ =	shalt  }
0x5e: {  	_ =	shalt  }
0x5f: {  	_ =	shalt  }
0x60: {  	_ =	shalt  }
0x61: {  	_ =	shalt  }
0x62: {  	_ =	shalt  }
0x63: {  	_ =	shalt  }
0x64: {  	_ =	shalt  }
0x65: {  	_ =	shalt  }
0x66: {  	_ =	shalt  }
0x67: {  	_ =	shalt  }
0x68: {  	_ =	shalt  }
0x69: {  	_ =	shalt  }
0x6a: {  	_ =	shalt  }
0x6b: {  	_ =	shalt  }
0x6c: {  	_ =	shalt  }
0x6d: {  	_ =	shalt  }
0x6e: {  	_ =	shalt  }
0x6f: {  	_ =	shalt  }
0x70: {  	_ =	shalt  }
0x71: {  	_ =	shalt  }
0x72: {  	_ =	shalt  }
0x73: {  	_ =	shalt  }
0x74: {  	_ =	shalt  }
0x75: {  	_ =	shalt  }
0x76: {  	_ =	shalt  }
0x77: {  	_ =	shalt  }
0x78: {  	_ =	shalt  }
0x79: {  	_ =	shalt  }
0x7a: {  	_ =	shalt  }
0x7b: {  	_ =	shalt  }
0x7c: {  	_ =	shalt  }
0x7d: {  	_ =	shalt  }
0x7e: {  	_ =	shalt  }
0x7f: {  	_ =	shalt  }
0x80: {  	_ =	shalt  }
0x81: {  	_ =	shalt  }
0x82: {  	_ =	shalt  }
0x83: {  	_ =	shalt  }
0x84: {  	_ =	shalt  }
0x85: {  	_ =	shalt  }
0x86: {  	_ =	shalt  }
0x87: {  	_ =	shalt  }
.Lfunc_end0:
.L_simem_size_0:
called_computation_lowered:
.L_overlay_start_0:
0x88: {  	s2 =	sld [smem:$0x3FD9]  }
0x89: {  	s3 =	sld [smem:$0x3FFE];
	_ =	sdelay $0x1  }
0x8a: {  	s1 =	srdreg.scid  }
0x8b: {  	s0 =	sand.u32 $0x1, s1  }
0x8c: {  	s16 =	sshll.u32 s0, $0xA;
	s2 =	sadd.s32 s3, s2  }
0x8d: {  	s2 =	sadd.s32 s2, s16  }
0x8e: {  	[smem:$0x3FC2] =	sst s2  }
0x8f: {  	_ = 	snop  }
0x90: {  	(tm) =	ssettm $0x1  }
0x91: {  	s17 =	sld [smem:$0x3FFB];
	_ =	sdelay $0x3  }
0x92: {  	_ =	strace s17  }
0x93: {  	s2 =	sld [smem:$0x3FFC];
	_ =	sdelay $0x3  }
0x94: {  	_ =	strace s2  }
0x95: {  	s2 =	sld [smem:$0x3FFD];
	_ =	sdelay $0x3  }
0x96: {  	_ =	strace s2  }
0x97: {  	_ =	strace $0x8FFFFFFF  }
0x98: {  	s18 =	sld [smem:$0x3FDB];
	_ =	sdelay $0x1  }
0x99: {  	s19 =	simm.s32 $_scs_section_size  }
0x9a: {  	s4 =	simm.s32 $_size__tile_overlayer_lowered;
	s5 =	simm.s32 $_tile_overlayer_lowered  }
0x9b: {  	s22 =	simm.s32 $0x1BFF;
	s21 =	sshll.u32 s5, $0x1;
	s2 =	sadd.s32 s19, s18  }
0x9c: {  	s6 =	simm.s32 $0x0;
	s20 =	sshll.u32 s4, $0x1;
	s4 =	sadd.s32 s21, s2  }
0x9d: {  	[timem:s6], [sflag:s22] =	dma.local [hbm:s4], s20  }
0x9e: {  	_ =	swait.ge [sflag:s22], s20  }
0x9f: {  	s3 =	ssub.s32 $0x0, s20;
	[sflag:s22] =	ssyncset.done $0x0  }
0xa0: {  	[sflag:s22] =	ssyncadd.s32 s3;
	_ =	sdelay $0x1  }
0xa1: {  	s23 =	simm.s32 $0x1B8B  }
0xa2: {  	_ =	swait.ge [sflag:s23], $0x1  }
0xa3: {  	[sflag:s23] =	ssyncset.done $0x0  }
0xa4: {  	s25 =	simm.s32 $0x1B8E;
	s24 =	sld [smem:$0x3FFE];
	[sflag:s23] =	ssyncadd.s32 $0xFFFFFFFF  }
0xa5: {  	s26 =	simm.s32 $execute0_lowered;
	[smem:$0x3FD2] =	sst s25  }
0xa6: {  	s4 =	sshll.u32 s26, $0x1;
	_ =	strace $0x80000046;
	[dreg:$0x1] =	wrdreg $0xFFFFFFFF  }
0xa7: {  	s28 =	simm.s32 $_size_execute0_lowered;
	s2 =	sadd.s32 s2, s4;
	[dreg:$0x0] =	wrdreg $0x0  }
0xa8: {  	s4 =	sshll.u32 s28, $0x1;
	[dreg:$0x2] =	wrdreg s2  }
0xa9: {  	[dreg:$0x3] =	wrdreg s4  }
0xaa: {  	[dreg:$0x4] =	wrdreg $0xC0  }
0xab: {  	_ =	task [dreg:s6], $0x5FFFF  }
0xac: {  	[dreg:$0x1] =	wrdreg $0xFFFFFFFF  }
0xad: {  	[dreg:$0x0] =	wrdreg $0x60  }
0xae: {  	[dreg:$0x2] =	wrdreg s24  }
0xaf: {  	[dreg:$0x3] =	wrdreg $0x58000  }
0xb0: {  	[dreg:$0x4] =	wrdreg $0x9  }
0xb1: {  	_ =	task.clear_ibuf [dreg:s6], $0x5FFFF;
	_ =	strace $0x90000046  }
0xb2: {  	s29 =	simm.s32 $0x9;
	_ =	strace $0x80000048  }
0xb3: {  	_ =	swait.ge [sflag:s29], $0x1  }
0xb4: {  	[sflag:s29] =	ssyncadd.s32 $0xFFFFFFFF  }
0xb5: {  	_ =	strace $0x90000048  }
0xb6: {  	_ =	sfence  }
0xb7: {  	s30 =	sld [smem:$0x0];
	_ =	sdelay $0x2  }
0xb8: {  	s31 =	sshll.u32 s1, $0xD;
	s1 =	sshrl.u32 s1, $0x2  }
0xb9: {  	s3 =	sand.u32 $0x4000, s31;
	s1 =	sadd.s32 s1, s30  }
0xba: {  	s0 =	sor.u32 s3, s0;
	s1 =	sshll.u32 s1, $0x11  }
0xbb: {  	s0 =	sor.u32 s1, s0  }
0xbc: {  	s0 =	sadd.s32 $0x8F2B, s0  }
0xbd: {  	[sflag:s0] =	ssyncadd.remote.s32 $0x1  }
0xbe: {  	_ =	sfence.sel $0xFFFF  }
0xbf: {  	[dreg:$0x0] =	wrdreg $0xFFFFFFFF;
	(pc) =	sbr.abs _section_cstart, $3  }
0xc0: {  	[dreg:$0x1] =	wrdreg $0xFFFFFFFF  }
0xc1: {  	_ =	task.clear_ibuf [dreg:s6], $0x2FFFF;
	_ =	strace $0x9FFFFFFF  }
0xc2: {  	(tm) =	ssettm $0x7FFFFFFF  }
0xc3: {  	_ =	shalt  }
tec
execute0_lowered:
.L_overlay_start_1:
0x0: {  	(tag) =	ssettag $0x1  }
0x1: {  	s4 =	rddreg [dreg:$0x0]  }
0x2: {  	s2 =	rddreg [dreg:$0x1];
	s3 =	srdreg.scid  }
0x3: {  	s1 =	stileid.u32;
	s0 =	rddreg [dreg:$0x2];
	s10 =	simm.s32 $0x80  }
0x4: {  	s11 =	simm.s32 $0x2800;
	s5 =	sand.u32 $0x1, s3;
	s6 =	smul.u32 $0x2800, s1  }
0x5: {  	s3 =	simm.s32 $0x0;
	s7 =	sshll.u32 s1, $0x1;
	s8 =	smul.u32 $0x28000, s5  }
0x6: {  	s12 =	simm.s32 $0x0;
	[smem:$0x7FF] =	sst s3;
	s7 =	sor.u32 s5, s7  }
0x7: {  	s5 =	ssub.s32 $0x2, s5;
	s7 =	smul.u32 $0x500, s7;
	s8 =	sadd.s32 s6, s8  }
0x8: {  	_ =	strace $0x80000047;
	s9 =	sshrl.u32 s5, $0x1;
	s8 =	sshrl.u32 s8, $0x3  }
0x9: {  	s9 =	ssub.s32 s5, s9;
	s7 =	sadd.s32 s7, s4;
	s8 =	sadd.s32 s8, s4  }
0xa: {  	s4 =	sadd.s32 s6, s2;
	s5 =	sadd.s32 $0x2400, s7;
	s7 =	smax.u32 s9, $0x1  }
0xb: {  	v0 =	vimm.f32 $1.000000000e+00;
	v1 =	vimm.f32 $0.0e+00;
	s9 =	simm.s32 $0x1;
	s6 =	sadd.s32 $0xC400, s8;
	s8 =	simm.s32 $0x3000  }
.LBB2_1:
0xc: {  	s13 =	simm.s32 $0x0  }
.LBB2_2:
0xd: {  	p0 =	sne.s32 s13, $0x1FC0  }
.Ltmp0:
0xe: {  	_ = 	snop;
	(pc) =	sbr.rel @p0 .LBB2_2-.Ltmp0, $3  }
0xf: {  	_ =	sdelay $0x1  }
0x10: {  	s14 =	sshra.s32 s13, $0x2  }
0x11: {  	s13 =	sadd.s32 $0x40, s13;
	[tilespmem:s14+$0x2800] =	vst v0  }
0x12: {  	s13 =	simm.s32 $0x40;
	s14 =	simm.s32 $0x0  }
.LBB2_4:
0x13: {  	p0 =	sne.s32 s13, $0x9FC0;
	[tilespmem:s14+$0x3000] =	vst v1;
	s14 =	smov.u32 s13;
	s13 =	sadd.s32 $0x40, s13  }
.Ltmp1:
0x14: {  	(pc) =	sbr.rel @p0 .LBB2_4-.Ltmp1, $2  }
0x15: {  	_ =	sdelay $0x2  }
0x16: {  	s14 =	sshra.s32 s14, $0x2  }
0x17: {  	[tilespmem:s14+$0x3000] =	vst v1  }
0x18: {  	[spmem:s4] =	stream.linear.scatter [tilespmem:s8], [sflag:$0x1], $0x2800, $0x38;
	[tilespmem:$0x8000] =	vst v63  }
0x19: {  	_ =	swait.ge [sflag:s9], $0x2800  }
0x1a: {  	[sflag:s9] =	ssyncset.done $0x0  }
0x1b: {  	[sflag:s9] =	ssyncadd.s32 $0xFFFFD800  }
0x1c: {  	s13 =	simm.s32 $0x0;
	[bflag:$0x0] =	sbarrier.arrive $0xFFFF  }
0x1d: {  	[tilespmem:s13], [sflag:$0x1] =	stream.linear.gather [hbm4b:s5+s13], $0x2800, $0x38;
	[tilespmem:$0x8000] =	vst v63  }
0x1e: {  	_ =	swait.ge [sflag:s9], $0x2800  }
0x1f: {  	[sflag:s9] =	ssyncset.done $0x0  }
0x20: {  	s31 =	simm.s32 $0x0;
	[sflag:s9] =	ssyncadd.s32 $0xFFFFD800  }
0x21: {  	[spmem:s2] =	stream.indirect.scatter.add.f32 [tilespmem:s11], [sflag:$0x1], $0x10, s31, s10, $0xb8;
	[tilespmem:$0x8000] =	vst v63  }
0x22: {  	_ =	swait.ge [sflag:s9], $0x800  }
0x23: {  	s13 =	simm.s32 $0x200;
	[sflag:s9] =	ssyncset.done $0x0  }
.LBB2_6:
0x24: {  	s14 =	sshra.s32 s13, $0x2;
	[sflag:s9] =	ssyncadd.s32 $0xFFFFF800;
	p0 =	sne.s32 s13, $0x9E00  }
0x25: {  	[spmem:s2] =	stream.indirect.scatter.add.f32 [tilespmem:s11], [sflag:$0x1], $0x10, s14, s10, $0xb8;
	[tilespmem:$0x8000] =	vst v63  }
.Ltmp2:
0x26: {  	_ = 	snop;
	(pc) =	sbr.rel @p0 .LBB2_6-.Ltmp2, $4  }
0x27: {  	_ = 	snop  }
0x28: {  	s13 =	sadd.s32 $0x200, s13  }
0x29: {  	_ =	swait.ge [sflag:s9], $0x800  }
0x2a: {  	[sflag:s9] =	ssyncset.done $0x0  }
0x2b: {  	[sflag:s9] =	ssyncadd.s32 $0xFFFFF800  }
0x2c: {  	[bflag:$0x0] =	sbarrier.arrive $0xFFFF  }
0x2d: {  	[tilespmem:s8], [sflag:$0x1] =	stream.linear.gather [spmem:s4], $0x2800, $0x38;
	[tilespmem:$0x8000] =	vst v63  }
0x2e: {  	s12 =	sadd.s32 $0x1, s12;
	_ =	swait.ge [sflag:s9], $0x2800  }
0x2f: {  	p0 =	sne.s32 s12, s7;
	[sflag:s9] =	ssyncset.done $0x0  }
.Ltmp3:
0x30: {  	[sflag:s9] =	ssyncadd.s32 $0xFFFFD800;
	(pc) =	sbr.rel @p0 .LBB2_1-.Ltmp3, $4  }
0x31: {  	[hbm4b:s6+s3] =	stream.linear.scatter [tilespmem:s8], [sflag:$0x1], $0x2800, $0x38;
	[tilespmem:$0x8000] =	vst v63  }
0x32: {  	_ =	swait.ge [sflag:s9], $0x2800  }
0x33: {  	[sflag:s9] =	ssyncset.done $0x0  }
0x34: {  	[sflag:s9] =	ssyncadd.s32 $0xFFFFD800  }
0x35: {  	_ =	sfence.sel $0x180000  }
0x36: {  	[bflag:$0x0] =	sbarrier.arrive $0xFFFF  }
0x37: {  	p0 =	sne.s32 s1, $0x0;
	_ =	strace $0x90000047  }
0x38: {  	s0 =	sadd.s32 @!p0 $0x100000, s0;
	[bflag:$0x2] =	sbarrier.arrive $0xFFFF  }
0x39: {  	[sflag:s0] =	ssyncadd.tile.s32 @!p0 $0x1;
	_ =	shalt  }
.Lfunc_end2:
_tile_overlayer_lowered:
.L_overlay_start_2:
0x3a: {  	(tag) =	ssettag $0x2  }
0x3b: {  	s0 =	rddreg [dreg:$0x0];
	s2 =	stileid.u32  }
0x3c: {  	s1 =	rddreg [dreg:$0x1];
	p0 =	sne.s32 s2, $0x0  }
0x3d: {  	s3 =	rddreg [dreg:$0x2];
	[bflag:$0x3] =	sbarrier.arrive $0xFFFF;
	s2 =	simm.s32 @!p0 $0x1C01  }
0x3e: {  	[timem:s3], [sflag:s2] =	dma.local @!p0 [hbm:s0], s1  }
0x3f: {  	s0 =	simm.s32 @!p0 $0x1  }
0x40: {  	_ =	swait.ge @!p0 [sflag:s0], s1  }
0x41: {  	s1 =	ssub.s32 @!p0 $0x0, s1;
	[sflag:s0] =	ssyncset.done @!p0 $0x0  }
0x42: {  	[sflag:s0] =	ssyncadd.s32 @!p0 s1  }
0x43: {  	[bflag:$0x3] =	sbarrier.arrive $0xFFFF  }
0x44: {  	_ =	shalt  }

</sc_bundles>
